<compile_context>
chip_gen: v7x
topology: tpu7x:2x2x1
jax: 0.10.2.dev20260603
libtpu: 0.0.44.dev20260713+nightly
codegen_flags: <defaults>
</compile_context>

<pallas_src>
import dataclasses
import functools

import jax
import jax.numpy as jnp
from jax.experimental import pallas as pl
from jax.experimental.pallas import tpu as pltpu
from jax.experimental.pallas import tpu_sc as plsc

_L = 16
_F = 2
_N_MIN = 16
_N_MAX = 2048
_TABLE_ROWS = 2048
_LANES = 16
_CHUNK = 1024
_P0 = 0
_P1 = _TABLE_ROWS
_PS = 2 * _TABLE_ROWS
_STAGE = _PS + (_L + 2) * _LANES


def _sc_encode(x, stage, n_points):
    mesh = plsc.VectorSubcoreMesh(
        core_axis_name="core", subcore_axis_name="subcore"
    )
    grid = n_points // _CHUNK
    groups = _CHUNK // _LANES
    n_itiles = n_points // 128

    cp = pltpu.CompilerParams()
    for fld, val in (("needs_layout_passes", False),
                     ("use_tc_tiling_on_sc", False)):
        if fld in pltpu.CompilerParams.__dataclass_fields__:
            cp = dataclasses.replace(cp, **{fld: val})

    @functools.partial(
        pl.kernel,
        out_type=jax.ShapeDtypeStruct((_F * _L // 8, n_itiles, 1024),
                                      jnp.float32),
        mesh=mesh,
        compiler_params=cp,
        scratch_types=[
            pltpu.VMEM((_STAGE,), jnp.float32),
        ],
    )
    def sc_kernel(x_hbm, stage_hbm, out_hbm, stage_v):
        pltpu.sync_copy(stage_hbm, stage_v)
        t0_v = stage_v.at[pl.ds(_P0, _TABLE_ROWS)]
        t1_v = stage_v.at[pl.ds(_P1, _TABLE_ROWS)]

        def body(x_v, o_v):
            svecs = [
                stage_v[pl.ds(_PS + l * _LANES, _LANES)] for l in range(_L)
            ]
            bv = stage_v[pl.ds(_PS + _L * _LANES, _LANES)]
            iv = stage_v[pl.ds(_PS + (_L + 1) * _LANES, _LANES)]
            half = jnp.full((_LANES,), 0.5, jnp.float32)

            @plsc.parallel_loop(0, groups, unroll=4)
            def _(g):
                itl = g >> 3
                lo = (g & 7) * _LANES
                xv = x_v[pl.ds(g * _LANES, _LANES)]
                xn = (xv + bv) * iv
                for l in range(_L):
                    t = xn * svecs[l]
                    t = t + half
                    idx = t.astype(jnp.int32)
                    f0 = plsc.load_gather(t0_v, [idx])
                    f1 = plsc.load_gather(t1_v, [idx])
                    c0, c1 = 2 * l, 2 * l + 1
                    o_v[c0 // 8, itl,
                        pl.ds(lo + (c0 % 8) * 128, _LANES)] = f0
                    o_v[c1 // 8, itl,
                        pl.ds(lo + (c1 % 8) * 128, _LANES)] = f1

        pltpu.emit_pipeline(
            body,
            grid=(grid,),
            in_specs=[pl.BlockSpec((_CHUNK,), lambda i: (i,))],
            out_specs=[pl.BlockSpec((_F * _L // 8, _CHUNK // 128, 1024),
                                    lambda i: (0, i, 0))],
            core_axis_name=("core", "subcore"),
            dimension_semantics=(pltpu.PARALLEL,),
        )(x_hbm, out_hbm)

    return sc_kernel(x, stage)


def kernel(x, hash_table, bound):
    n_points = x.shape[0]
    b = jnp.exp(
        (jnp.log(jnp.float32(_N_MAX)) - jnp.log(jnp.float32(_N_MIN))) / (_L - 1)
    )
    scales = _N_MIN * b ** jnp.arange(_L) - 1
    bf = jnp.float32(bound)
    inv = 1.0 / (2.0 * bf)
    splats = jnp.concatenate(
        [
            jnp.broadcast_to(
                scales.astype(jnp.float32)[:, None], (_L, _LANES)
            ),
            jnp.broadcast_to(bf, (1, _LANES)),
            jnp.broadcast_to(inv, (1, _LANES)),
        ],
        axis=0,
    )
    stage = jnp.concatenate(
        [
            hash_table[:_TABLE_ROWS, 0],
            hash_table[:_TABLE_ROWS, 1],
            splats.reshape((_L + 2) * _LANES),
        ]
    )
    out4 = _sc_encode(x, stage, n_points)
    out = (
        out4.reshape(_F * _L // 8, n_points // 128, 8, 128)
        .transpose(1, 3, 0, 2)
        .reshape(n_points, _L * _F)
    )
    return out

# --- scband reference (transcript-rebuilt; emitter-appended) ---
"""Pipeline reference for scband-simple-hash-encoder1-d-33603824124489 (READ-ONLY COPY).

The authoritative reference and input builder live on the scoring server;
editing this copy changes nothing except your own understanding.
"""

import jax, jax.numpy as jnp
import numpy as np

L = 16
F = 2
N_min = 16
N_max = 2048
T = 524288
N_POINTS = 1048576


def setup_inputs(seed: int = 0) -> dict:
    key = jax.random.key(seed)
    k1, k2 = jax.random.split(key)
    x = jax.random.uniform(k1, (N_POINTS,), dtype=jnp.float32)
    hash_table = jax.random.uniform(k2, (T, F), minval=-0.001, maxval=0.001, dtype=jnp.float32)
    return {"x": x, "hash_table": hash_table, "bound": 1.0}


def reference(x, hash_table, bound):
    xn = (x + bound) / (2 * bound)
    b = jnp.exp((jnp.log(jnp.float32(N_max)) - jnp.log(jnp.float32(N_min))) / (L - 1))
    scales = N_min * b ** jnp.arange(L) - 1
    x_scaled = xn[:, None] * scales[None, :] + 0.5
    indices = jnp.floor(x_scaled).astype(jnp.int32) % T
    out = hash_table[indices].reshape(x.shape[0], -1)
    return out

if __name__ == "__main__":
    import jax
    _d = setup_inputs()
    print(jax.jit(kernel)(*tuple(_d.values())))

</pallas_src>

<mosaic_0001>
#map = affine_map<(d0, d1) -> (0)>
#map1 = affine_map<(d0, d1) -> (0, 0, 0)>
module attributes {stable_mosaic.version = 14 : i64} {
  func.func @sc_kernel(%arg0: i32, %arg1: i32, %arg2: memref<1048576xf32, #tpu.memory_space<hbm>>, %arg3: memref<4384xf32, #tpu.memory_space<hbm>>, %arg4: memref<4x8192x1024xf32, #tpu.memory_space<hbm>>, %arg5: memref<4384xf32, #tpu.memory_space<vmem>>) attributes {dimension_semantics = [#tpu.dimension_semantics<core_parallel>, #tpu.dimension_semantics<subcore_parallel>], iteration_bounds = array<i64: 2, 16>, scalar_prefetch = 0 : i64, scratch_operands = 1 : i64, tpu.core_type = #tpu.core_type<sc_vector_subcore>, window_params = [{transform_indices = #map}, {transform_indices = #map}, {transform_indices = #map1}]} {
    "tpu.region"() ({
      %run_scoped3A = tpu.sem_alloc : memref<!tpu.dma_semaphore, #tpu.memory_space<semaphore_mem>>
      tpu.enqueue_dma source(%arg3 : memref<4384xf32, #tpu.memory_space<hbm>>) target(%arg5 : memref<4384xf32, #tpu.memory_space<vmem>>) target_semaphore(%run_scoped3A : memref<!tpu.dma_semaphore, #tpu.memory_space<semaphore_mem>>)
      tpu.wait_dma2 semaphore(%run_scoped3A : memref<!tpu.dma_semaphore, #tpu.memory_space<semaphore_mem>>) src(%arg3 : memref<4384xf32, #tpu.memory_space<hbm>>) dst(%arg5 : memref<4384xf32, #tpu.memory_space<vmem>>)
      tpu.yield
    }) : () -> ()
    %mul3A = arith.constant 1 : i32
    %mul3A_0 = arith.muli %arg1, %mul3A : i32
    %add3A = arith.constant 0 : i32
    %add3A_1 = arith.addi %add3A, %mul3A_0 : i32
    %mul3A_2 = arith.constant 16 : i32
    %mul3A_3 = arith.muli %arg0, %mul3A_2 : i32
    %add3A_4 = arith.addi %add3A_1, %mul3A_3 : i32
    %mul3A_5 = arith.constant 32 : i32
    %mul3A_6 = arith.muli %add3A_4, %mul3A_5 : i32
    "tpu.region"() ({
      %run_scoped3A = memref.alloca() : memref<2048xf32, #tpu.memory_space<vmem>>
      %run_scoped3A_7 = tpu.sem_alloc : memref<2x!tpu.dma_semaphore, #tpu.memory_space<semaphore_mem>>
      %run_scoped3A_8 = memref.alloca() : memref<2x4x8x1024xf32, #tpu.memory_space<vmem>>
      %run_scoped3A_9 = tpu.sem_alloc : memref<2x!tpu.dma_semaphore, #tpu.memory_space<semaphore_mem>>
      %add3A_10 = arith.constant 0 : i32
      %add3A_11 = arith.addi %add3A_10, %mul3A_6 : i32
      %select_n3A = arith.constant true
      %select_n3A_12 = arith.constant 0 : i32
      %select_n3A_13 = arith.constant -1 : i32
      %select_n3A_14 = arith.select %select_n3A, %select_n3A_13, %select_n3A_12 : i32
      %eq3A = arith.constant -1 : i32
      %eq3A_15 = arith.cmpi eq, %select_n3A_14, %eq3A : i32
      %select_n3A_16 = arith.constant 31 : i32
      %select_n3A_17 = arith.select %eq3A_15, %select_n3A_16, %select_n3A_14 : i32
      %add3A_18 = arith.addi %select_n3A_17, %mul3A_6 : i32
      %select_n3A_19 = arith.constant true
      %select_n3A_20 = arith.constant 0 : i32
      %select_n3A_21 = arith.constant 1 : i32
      %select_n3A_22 = arith.select %select_n3A_19, %select_n3A_21, %select_n3A_20 : i32
      %eq3A_23 = arith.constant 32 : i32
      %eq3A_24 = arith.cmpi eq, %select_n3A_22, %eq3A_23 : i32
      %select_n3A_25 = arith.constant 0 : i32
      %select_n3A_26 = arith.select %eq3A_24, %select_n3A_25, %select_n3A_22 : i32
      %add3A_27 = arith.addi %select_n3A_26, %mul3A_6 : i32
      %add3A_28 = arith.constant 1 : i32
      %add3A_29 = arith.addi %select_n3A_26, %add3A_28 : i32
      %select_n3A_30 = arith.constant true
      %select_n3A_31 = arith.select %select_n3A_30, %add3A_29, %select_n3A_26 : i32
      %eq3A_32 = arith.constant 32 : i32
      %eq3A_33 = arith.cmpi eq, %select_n3A_31, %eq3A_32 : i32
      %select_n3A_34 = arith.constant 0 : i32
      %select_n3A_35 = arith.select %eq3A_33, %select_n3A_34, %select_n3A_31 : i32
      %add3A_36 = arith.addi %select_n3A_35, %mul3A_6 : i32
      "tpu.trace_start"() <{level = 10 : i32, message = "ep_initialize_0"}> : () -> ()
      %rem3A = arith.constant 0 : i32
      %rem3A_37 = arith.constant 2 : i32
      %rem3A_38 = arith.remui %rem3A, %rem3A_37 : i32
      %mul3A_39 = arith.constant 1024 : i32
      %mul3A_40 = arith.muli %mul3A_39, %add3A_11 : i32
      %mul3A_41 = arith.constant 1024 : i32
      %mul3A_42 = arith.muli %rem3A_38, %mul3A_41 : i32
      %add3A_43 = arith.constant 0 : i32
      %add3A_44 = arith.addi %mul3A_42, %add3A_43 : i32
      %dma_start3A = tpu.memref_slice %run_scoped3A[%add3A_44] : memref<2048xf32, #tpu.memory_space<vmem>> -> memref<1024xf32, #tpu.memory_space<vmem>>
      %dma_start3A_45 = tpu.memref_slice %arg2[%mul3A_40] : memref<1048576xf32, #tpu.memory_space<hbm>> -> memref<1024xf32, #tpu.memory_space<hbm>>
      %dma_start3A_46 = tpu.memref_slice %run_scoped3A_7[%rem3A_38] : memref<2x!tpu.dma_semaphore, #tpu.memory_space<semaphore_mem>> -> memref<1x!tpu.dma_semaphore, #tpu.memory_space<semaphore_mem>>
      %dma_start3A_47 = tpu.memref_squeeze %dma_start3A_46 : memref<1x!tpu.dma_semaphore, #tpu.memory_space<semaphore_mem>> -> memref<!tpu.dma_semaphore, #tpu.memory_space<semaphore_mem>>
      %dma_start3A_48 = tpu.memref_slice %run_scoped3A[%add3A_44] : memref<2048xf32, #tpu.memory_space<vmem>> -> memref<1024xf32, #tpu.memory_space<vmem>>
      %dma_start3A_49 = tpu.memref_slice %arg2[%mul3A_40] : memref<1048576xf32, #tpu.memory_space<hbm>> -> memref<1024xf32, #tpu.memory_space<hbm>>
      tpu.enqueue_dma source(%dma_start3A_49 : memref<1024xf32, #tpu.memory_space<hbm>>) target(%dma_start3A_48 : memref<1024xf32, #tpu.memory_space<vmem>>) target_semaphore(%dma_start3A_47 : memref<!tpu.dma_semaphore, #tpu.memory_space<semaphore_mem>>)
      %add3A_50 = arith.constant 0 : i32
      %add3A_51 = arith.constant 1 : i32
      %add3A_52 = arith.addi %add3A_50, %add3A_51 : i32
      %select_n3A_53 = arith.constant true
      %select_n3A_54 = arith.constant 0 : i32
      %select_n3A_55 = arith.select %select_n3A_53, %add3A_52, %select_n3A_54 : i32
      "tpu.trace_stop"() : () -> ()
      %scan3A = arith.constant 0 : i32
      %scan3A_56 = arith.constant 0 : i32
      %scan3A_57 = arith.constant 0 : i32
      %scan3A_58 = arith.constant 0 : i32
      %scan3A_59 = arith.constant 0 : i32
      %scan3A_60 = arith.constant 32 : i32
      %scan3A_61 = arith.addi %scan3A_59, %scan3A_60 : i32
      %scan3A_62 = arith.constant 1 : i32
      %scan3A_63:5 = scf.for %scan3A_121 = %scan3A_59 to %scan3A_61 step %scan3A_62 iter_args(%scan3A_122 = %select_n3A_55, %scan3A_123 = %scan3A, %scan3A_124 = %scan3A_56, %scan3A_125 = %scan3A_57, %scan3A_126 = %scan3A_58) -> (i32, i32, i32, i32, i32)  : i32 {
        %eq3A_127 = arith.constant 0 : i32
        %eq3A_128 = arith.cmpi eq, %scan3A_121, %eq3A_127 : i32
        %eq3A_129 = arith.constant 31 : i32
        %eq3A_130 = arith.cmpi eq, %scan3A_121, %eq3A_129 : i32
        %add3A_131 = arith.addi %scan3A_126, %mul3A_6 : i32
        %sub3A_132 = arith.constant 1 : i32
        %sub3A_133 = arith.subi %scan3A_126, %sub3A_132 : i32
        %select_n3A_134 = arith.constant true
        %select_n3A_135 = arith.select %select_n3A_134, %sub3A_133, %scan3A_126 : i32
        %eq3A_136 = arith.constant -1 : i32
        %eq3A_137 = arith.cmpi eq, %select_n3A_135, %eq3A_136 : i32
        %select_n3A_138 = arith.constant 31 : i32
        %select_n3A_139 = arith.select %eq3A_137, %select_n3A_138, %select_n3A_135 : i32
        %add3A_140 = arith.addi %select_n3A_139, %mul3A_6 : i32
        %add3A_141 = arith.constant 1 : i32
        %add3A_142 = arith.addi %scan3A_126, %add3A_141 : i32
        %select_n3A_143 = arith.constant true
        %select_n3A_144 = arith.select %select_n3A_143, %add3A_142, %scan3A_126 : i32
        %eq3A_145 = arith.constant 32 : i32
        %eq3A_146 = arith.cmpi eq, %select_n3A_144, %eq3A_145 : i32
        %select_n3A_147 = arith.constant 0 : i32
        %select_n3A_148 = arith.select %eq3A_146, %select_n3A_147, %select_n3A_144 : i32
        %add3A_149 = arith.addi %select_n3A_148, %mul3A_6 : i32
        %add3A_150 = arith.constant 1 : i32
        %add3A_151 = arith.addi %select_n3A_148, %add3A_150 : i32
        %select_n3A_152 = arith.constant true
        %select_n3A_153 = arith.select %select_n3A_152, %add3A_151, %select_n3A_148 : i32
        %eq3A_154 = arith.constant 32 : i32
        %eq3A_155 = arith.cmpi eq, %select_n3A_153, %eq3A_154 : i32
        %select_n3A_156 = arith.constant 0 : i32
        %select_n3A_157 = arith.select %eq3A_155, %select_n3A_156, %select_n3A_153 : i32
        %add3A_158 = arith.addi %select_n3A_157, %mul3A_6 : i32
        %ne3A = arith.cmpi ne, %add3A_131, %add3A_149 : i32
        %or3A = arith.constant false
        %or3A_159 = arith.ori %or3A, %ne3A : i1
        %ge3A = arith.constant 31 : i32
        %ge3A_160 = arith.cmpi sge, %scan3A_121, %ge3A : i32
        %not3A = arith.constant true
        %not3A_161 = arith.xori %ge3A_160, %not3A : i1
        %and3A = arith.andi %or3A_159, %not3A_161 : i1
        %convert_element_type3A = arith.extui %and3A : i1 to i32
        %cond3A = arith.constant 0 : i32
        %cond3A_162 = arith.cmpi ne, %convert_element_type3A, %cond3A : i32
        scf.if %cond3A_162 {
          "tpu.trace_start"() <{level = 10 : i32, message = "ep_copy_in"}> : () -> ()
          %rem3A_303 = arith.constant 2 : i32
          %rem3A_304 = arith.remui %scan3A_122, %rem3A_303 : i32
          %mul3A_305 = arith.constant 1024 : i32
          %mul3A_306 = arith.muli %mul3A_305, %add3A_149 : i32
          %mul3A_307 = arith.constant 1024 : i32
          %mul3A_308 = arith.muli %rem3A_304, %mul3A_307 : i32
          %add3A_309 = arith.constant 0 : i32
          %add3A_310 = arith.addi %mul3A_308, %add3A_309 : i32
          %dma_start3A_311 = tpu.memref_slice %run_scoped3A[%add3A_310] : memref<2048xf32, #tpu.memory_space<vmem>> -> memref<1024xf32, #tpu.memory_space<vmem>>
          %dma_start3A_312 = tpu.memref_slice %arg2[%mul3A_306] : memref<1048576xf32, #tpu.memory_space<hbm>> -> memref<1024xf32, #tpu.memory_space<hbm>>
          %dma_start3A_313 = tpu.memref_slice %run_scoped3A_7[%rem3A_304] : memref<2x!tpu.dma_semaphore, #tpu.memory_space<semaphore_mem>> -> memref<1x!tpu.dma_semaphore, #tpu.memory_space<semaphore_mem>>
          %dma_start3A_314 = tpu.memref_squeeze %dma_start3A_313 : memref<1x!tpu.dma_semaphore, #tpu.memory_space<semaphore_mem>> -> memref<!tpu.dma_semaphore, #tpu.memory_space<semaphore_mem>>
          %dma_start3A_315 = tpu.memref_slice %run_scoped3A[%add3A_310] : memref<2048xf32, #tpu.memory_space<vmem>> -> memref<1024xf32, #tpu.memory_space<vmem>>
          %dma_start3A_316 = tpu.memref_slice %arg2[%mul3A_306] : memref<1048576xf32, #tpu.memory_space<hbm>> -> memref<1024xf32, #tpu.memory_space<hbm>>
          tpu.enqueue_dma source(%dma_start3A_316 : memref<1024xf32, #tpu.memory_space<hbm>>) target(%dma_start3A_315 : memref<1024xf32, #tpu.memory_space<vmem>>) target_semaphore(%dma_start3A_314 : memref<!tpu.dma_semaphore, #tpu.memory_space<semaphore_mem>>)
          "tpu.trace_stop"() : () -> ()
        } else {
        }
        %and3A_163 = arith.constant true
        %and3A_164 = arith.andi %and3A, %and3A_163 : i1
        %add3A_165 = arith.constant 1 : i32
        %add3A_166 = arith.addi %scan3A_122, %add3A_165 : i32
        %select_n3A_167 = arith.select %and3A_164, %add3A_166, %scan3A_122 : i32
        %ne3A_168 = arith.cmpi ne, %add3A_131, %add3A_149 : i32
        %or3A_169 = arith.constant false
        %or3A_170 = arith.ori %or3A_169, %ne3A_168 : i1
        %or3A_171 = arith.constant false
        %or3A_172 = arith.ori %or3A_170, %or3A_171 : i1
        %ge3A_173 = arith.constant 31 : i32
        %ge3A_174 = arith.cmpi sge, %scan3A_121, %ge3A_173 : i32
        %not3A_175 = arith.constant true
        %not3A_176 = arith.xori %ge3A_174, %not3A_175 : i1
        %and3A_177 = arith.andi %or3A_172, %not3A_176 : i1
        %ne3A_178 = arith.cmpi ne, %add3A_131, %add3A_140 : i32
        %or3A_179 = arith.constant false
        %or3A_180 = arith.ori %or3A_179, %ne3A_178 : i1
        %or3A_181 = arith.ori %or3A_180, %eq3A_128 : i1
        %convert_element_type3A_182 = arith.extui %or3A_181 : i1 to i32
        %cond3A_183 = arith.constant 0 : i32
        %cond3A_184 = arith.cmpi ne, %convert_element_type3A_182, %cond3A_183 : i32
        scf.if %cond3A_184 {
          "tpu.trace_start"() <{level = 10 : i32, message = "ep_wait_in"}> : () -> ()
          %mul3A_303 = arith.constant 1024 : i32
          %mul3A_304 = arith.muli %mul3A_303, %add3A_131 : i32
          %rem3A_305 = arith.constant 2 : i32
          %rem3A_306 = arith.remui %scan3A_123, %rem3A_305 : i32
          %mul3A_307 = arith.constant 1024 : i32
          %mul3A_308 = arith.muli %rem3A_306, %mul3A_307 : i32
          %add3A_309 = arith.constant 0 : i32
          %add3A_310 = arith.addi %mul3A_308, %add3A_309 : i32
          %dma_wait3A_311 = tpu.memref_slice %run_scoped3A[%add3A_310] : memref<2048xf32, #tpu.memory_space<vmem>> -> memref<1024xf32, #tpu.memory_space<vmem>>
          %dma_wait3A_312 = tpu.memref_slice %arg2[%mul3A_304] : memref<1048576xf32, #tpu.memory_space<hbm>> -> memref<1024xf32, #tpu.memory_space<hbm>>
          %dma_wait3A_313 = tpu.memref_slice %run_scoped3A_7[%rem3A_306] : memref<2x!tpu.dma_semaphore, #tpu.memory_space<semaphore_mem>> -> memref<1x!tpu.dma_semaphore, #tpu.memory_space<semaphore_mem>>
          %dma_wait3A_314 = tpu.memref_squeeze %dma_wait3A_313 : memref<1x!tpu.dma_semaphore, #tpu.memory_space<semaphore_mem>> -> memref<!tpu.dma_semaphore, #tpu.memory_space<semaphore_mem>>
          %dma_wait3A_315 = tpu.memref_slice %run_scoped3A[%add3A_310] : memref<2048xf32, #tpu.memory_space<vmem>> -> memref<1024xf32, #tpu.memory_space<vmem>>
          %dma_wait3A_316 = tpu.memref_slice %arg2[%mul3A_304] : memref<1048576xf32, #tpu.memory_space<hbm>> -> memref<1024xf32, #tpu.memory_space<hbm>>
          tpu.wait_dma2 semaphore(%dma_wait3A_314 : memref<!tpu.dma_semaphore, #tpu.memory_space<semaphore_mem>>) src(%dma_wait3A_316 : memref<1024xf32, #tpu.memory_space<hbm>>) dst(%dma_wait3A_315 : memref<1024xf32, #tpu.memory_space<vmem>>)
          "tpu.trace_stop"() : () -> ()
        } else {
        }
        %ne3A_185 = arith.cmpi ne, %add3A_131, %add3A_140 : i32
        %or3A_186 = arith.constant false
        %or3A_187 = arith.ori %or3A_186, %ne3A_185 : i1
        %or3A_188 = arith.constant false
        %or3A_189 = arith.ori %or3A_187, %or3A_188 : i1
        %or3A_190 = arith.ori %or3A_189, %eq3A_128 : i1
        %convert_element_type3A_191 = arith.extui %or3A_190 : i1 to i32
        %cond3A_192 = arith.constant 0 : i32
        %cond3A_193 = arith.cmpi ne, %convert_element_type3A_191, %cond3A_192 : i32
        scf.if %cond3A_193 {
        } else {
        }
        %rem3A_194 = arith.constant 2 : i32
        %rem3A_195 = arith.remui %scan3A_123, %rem3A_194 : i32
        %mul3A_196 = arith.constant 1024 : i32
        %mul3A_197 = arith.muli %rem3A_195, %mul3A_196 : i32
        %rem3A_198 = arith.constant 2 : i32
        %rem3A_199 = arith.remui %scan3A_124, %rem3A_198 : i32
        "tpu.trace_start"() <{level = 10 : i32, message = "ep_run_kernel"}> : () -> ()
        %get3A = arith.constant 4096 : index
        %get3A_200 = tpu.vector_load %arg5[%get3A] {strides = array<i32>} : memref<4384xf32, #tpu.memory_space<vmem>>, vector<16xf32>,
        %get3A_201 = arith.constant 4112 : index
        %get3A_202 = tpu.vector_load %arg5[%get3A_201] {strides = array<i32>} : memref<4384xf32, #tpu.memory_space<vmem>>, vector<16xf32>,
        %get3A_203 = arith.constant 4128 : index
        %get3A_204 = tpu.vector_load %arg5[%get3A_203] {strides = array<i32>} : memref<4384xf32, #tpu.memory_space<vmem>>, vector<16xf32>,
        %get3A_205 = arith.constant 4144 : index
        %get3A_206 = tpu.vector_load %arg5[%get3A_205] {strides = array<i32>} : memref<4384xf32, #tpu.memory_space<vmem>>, vector<16xf32>,
        %get3A_207 = arith.constant 4160 : index
        %get3A_208 = tpu.vector_load %arg5[%get3A_207] {strides = array<i32>} : memref<4384xf32, #tpu.memory_space<vmem>>, vector<16xf32>,
        %get3A_209 = arith.constant 4176 : index
        %get3A_210 = tpu.vector_load %arg5[%get3A_209] {strides = array<i32>} : memref<4384xf32, #tpu.memory_space<vmem>>, vector<16xf32>,
        %get3A_211 = arith.constant 4192 : index
        %get3A_212 = tpu.vector_load %arg5[%get3A_211] {strides = array<i32>} : memref<4384xf32, #tpu.memory_space<vmem>>, vector<16xf32>,
        %get3A_213 = arith.constant 4208 : index
        %get3A_214 = tpu.vector_load %arg5[%get3A_213] {strides = array<i32>} : memref<4384xf32, #tpu.memory_space<vmem>>, vector<16xf32>,
        %get3A_215 = arith.constant 4224 : index
        %get3A_216 = tpu.vector_load %arg5[%get3A_215] {strides = array<i32>} : memref<4384xf32, #tpu.memory_space<vmem>>, vector<16xf32>,
        %get3A_217 = arith.constant 4240 : index
        %get3A_218 = tpu.vector_load %arg5[%get3A_217] {strides = array<i32>} : memref<4384xf32, #tpu.memory_space<vmem>>, vector<16xf32>,
        %get3A_219 = arith.constant 4256 : index
        %get3A_220 = tpu.vector_load %arg5[%get3A_219] {strides = array<i32>} : memref<4384xf32, #tpu.memory_space<vmem>>, vector<16xf32>,
        %get3A_221 = arith.constant 4272 : index
        %get3A_222 = tpu.vector_load %arg5[%get3A_221] {strides = array<i32>} : memref<4384xf32, #tpu.memory_space<vmem>>, vector<16xf32>,
        %get3A_223 = arith.constant 4288 : index
        %get3A_224 = tpu.vector_load %arg5[%get3A_223] {strides = array<i32>} : memref<4384xf32, #tpu.memory_space<vmem>>, vector<16xf32>,
        %get3A_225 = arith.constant 4304 : index
        %get3A_226 = tpu.vector_load %arg5[%get3A_225] {strides = array<i32>} : memref<4384xf32, #tpu.memory_space<vmem>>, vector<16xf32>,
        %get3A_227 = arith.constant 4320 : index
        %get3A_228 = tpu.vector_load %arg5[%get3A_227] {strides = array<i32>} : memref<4384xf32, #tpu.memory_space<vmem>>, vector<16xf32>,
        %get3A_229 = arith.constant 4336 : index
        %get3A_230 = tpu.vector_load %arg5[%get3A_229] {strides = array<i32>} : memref<4384xf32, #tpu.memory_space<vmem>>, vector<16xf32>,
        %get3A_231 = arith.constant 4352 : index
        %get3A_232 = tpu.vector_load %arg5[%get3A_231] {strides = array<i32>} : memref<4384xf32, #tpu.memory_space<vmem>>, vector<16xf32>,
        %get3A_233 = arith.constant 4368 : index
        %get3A_234 = tpu.vector_load %arg5[%get3A_233] {strides = array<i32>} : memref<4384xf32, #tpu.memory_space<vmem>>, vector<16xf32>,
        %broadcast_in_dim3A = arith.constant 5.000000e-01 : f32
        %broadcast_in_dim3A_235 = vector.broadcast %broadcast_in_dim3A : f32 to vector<16xf32>
        %parallel_loop3A = arith.constant 0 : i32
        %parallel_loop3A_236 = arith.constant 64 : i32
        %parallel_loop3A_237 = arith.constant 1 : i32
        scf.for %parallel_loop3A_303 = %parallel_loop3A to %parallel_loop3A_236 step %parallel_loop3A_237  : i32 {
          %parallel_loop3A_304 = arith.constant 3 : i32
          %parallel_loop3A_305 = arith.shrsi %parallel_loop3A_303, %parallel_loop3A_304 : i32
          %parallel_loop3A_306 = arith.constant 7 : i32
          %parallel_loop3A_307 = arith.andi %parallel_loop3A_303, %parallel_loop3A_306 : i32
          %parallel_loop3A_308 = arith.constant 16 : i32
          %parallel_loop3A_309 = arith.muli %parallel_loop3A_307, %parallel_loop3A_308 : i32
          %parallel_loop3A_310 = arith.constant 16 : i32
          %parallel_loop3A_311 = arith.muli %parallel_loop3A_303, %parallel_loop3A_310 : i32
          %parallel_loop3A_312 = tpu.memref_slice %run_scoped3A[%mul3A_197] : memref<2048xf32, #tpu.memory_space<vmem>> -> memref<1024xf32, #tpu.memory_space<vmem>>
          %parallel_loop3A_313 = arith.index_cast %parallel_loop3A_311 : i32 to index
          %parallel_loop3A_314 = tpu.vector_load %parallel_loop3A_312[%parallel_loop3A_313] {strides = array<i32>} : memref<1024xf32, #tpu.memory_space<vmem>>, vector<16xf32>,
          %parallel_loop3A_315 = arith.addf %parallel_loop3A_314, %get3A_232 : vector<16xf32>
          %parallel_loop3A_316 = arith.mulf %parallel_loop3A_315, %get3A_234 : vector<16xf32>
          %parallel_loop3A_317 = arith.mulf %parallel_loop3A_316, %get3A_200 : vector<16xf32>
          %parallel_loop3A_318 = arith.addf %parallel_loop3A_317, %broadcast_in_dim3A_235 : vector<16xf32>
          %parallel_loop3A_319 = arith.fptosi %parallel_loop3A_318 : vector<16xf32> to vector<16xi32>
          %parallel_loop3A_320 = arith.constant 0 : i32
          %parallel_loop3A_321 = tpu.memref_slice %arg5[%parallel_loop3A_320] : memref<4384xf32, #tpu.memory_space<vmem>> -> memref<2048xf32, #tpu.memory_space<vmem>>
          %parallel_loop3A_322 = tpu.vector_load_idx %parallel_loop3A_321[%parallel_loop3A_319] : memref<2048xf32, #tpu.memory_space<vmem>>[vector<16xi32>], vector<16xf32>,
          %parallel_loop3A_323 = arith.constant 2048 : i32
          %parallel_loop3A_324 = tpu.memref_slice %arg5[%parallel_loop3A_323] : memref<4384xf32, #tpu.memory_space<vmem>> -> memref<2048xf32, #tpu.memory_space<vmem>>
          %parallel_loop3A_325 = tpu.vector_load_idx %parallel_loop3A_324[%parallel_loop3A_319] : memref<2048xf32, #tpu.memory_space<vmem>>[vector<16xi32>], vector<16xf32>,
          %parallel_loop3A_326 = arith.constant 0 : i32
          %parallel_loop3A_327 = arith.addi %parallel_loop3A_309, %parallel_loop3A_326 : i32
          %parallel_loop3A_328 = arith.constant 0 : i32
          %parallel_loop3A_329 = arith.constant 0 : i32
          %parallel_loop3A_330 = arith.constant 0 : i32
          %parallel_loop3A_331 = arith.constant 0 : i32
          %parallel_loop3A_332 = tpu.memref_slice %run_scoped3A_8[%rem3A_199, %parallel_loop3A_329, %parallel_loop3A_330, %parallel_loop3A_331] : memref<2x4x8x1024xf32, #tpu.memory_space<vmem>> -> memref<1x4x8x1024xf32, #tpu.memory_space<vmem>>
          %parallel_loop3A_333 = tpu.memref_squeeze %parallel_loop3A_332 : memref<1x4x8x1024xf32, #tpu.memory_space<vmem>> -> memref<4x8x1024xf32, #tpu.memory_space<vmem>>
          %parallel_loop3A_334 = arith.index_cast %parallel_loop3A_328 : i32 to index
          %parallel_loop3A_335 = arith.index_cast %parallel_loop3A_305 : i32 to index
          %parallel_loop3A_336 = arith.index_cast %parallel_loop3A_327 : i32 to index
          %parallel_loop3A_337 = tpu.vector_load %parallel_loop3A_333[%parallel_loop3A_334, %parallel_loop3A_335, %parallel_loop3A_336] {strides = array<i32>} : memref<4x8x1024xf32, #tpu.memory_space<vmem>>, vector<16xf32>,
          tpu.vector_store %parallel_loop3A_333[%parallel_loop3A_334, %parallel_loop3A_335, %parallel_loop3A_336], %parallel_loop3A_322 {strides = array<i32>} : memref<4x8x1024xf32, #tpu.memory_space<vmem>>, vector<16xf32>,
          %parallel_loop3A_338 = arith.constant 128 : i32
          %parallel_loop3A_339 = arith.addi %parallel_loop3A_309, %parallel_loop3A_338 : i32
          %parallel_loop3A_340 = arith.constant 0 : i32
          %parallel_loop3A_341 = arith.constant 0 : i32
          %parallel_loop3A_342 = arith.constant 0 : i32
          %parallel_loop3A_343 = arith.constant 0 : i32
          %parallel_loop3A_344 = tpu.memref_slice %run_scoped3A_8[%rem3A_199, %parallel_loop3A_341, %parallel_loop3A_342, %parallel_loop3A_343] : memref<2x4x8x1024xf32, #tpu.memory_space<vmem>> -> memref<1x4x8x1024xf32, #tpu.memory_space<vmem>>
          %parallel_loop3A_345 = tpu.memref_squeeze %parallel_loop3A_344 : memref<1x4x8x1024xf32, #tpu.memory_space<vmem>> -> memref<4x8x1024xf32, #tpu.memory_space<vmem>>
          %parallel_loop3A_346 = arith.index_cast %parallel_loop3A_340 : i32 to index
          %parallel_loop3A_347 = arith.index_cast %parallel_loop3A_305 : i32 to index
          %parallel_loop3A_348 = arith.index_cast %parallel_loop3A_339 : i32 to index
          %parallel_loop3A_349 = tpu.vector_load %parallel_loop3A_345[%parallel_loop3A_346, %parallel_loop3A_347, %parallel_loop3A_348] {strides = array<i32>} : memref<4x8x1024xf32, #tpu.memory_space<vmem>>, vector<16xf32>,
          tpu.vector_store %parallel_loop3A_345[%parallel_loop3A_346, %parallel_loop3A_347, %parallel_loop3A_348], %parallel_loop3A_325 {strides = array<i32>} : memref<4x8x1024xf32, #tpu.memory_space<vmem>>, vector<16xf32>,
          %parallel_loop3A_350 = arith.mulf %parallel_loop3A_316, %get3A_202 : vector<16xf32>
          %parallel_loop3A_351 = arith.addf %parallel_loop3A_350, %broadcast_in_dim3A_235 : vector<16xf32>
          %parallel_loop3A_352 = arith.fptosi %parallel_loop3A_351 : vector<16xf32> to vector<16xi32>
          %parallel_loop3A_353 = arith.constant 0 : i32
          %parallel_loop3A_354 = tpu.memref_slice %arg5[%parallel_loop3A_353] : memref<4384xf32, #tpu.memory_space<vmem>> -> memref<2048xf32, #tpu.memory_space<vmem>>
          %parallel_loop3A_355 = tpu.vector_load_idx %parallel_loop3A_354[%parallel_loop3A_352] : memref<2048xf32, #tpu.memory_space<vmem>>[vector<16xi32>], vector<16xf32>,
          %parallel_loop3A_356 = arith.constant 2048 : i32
          %parallel_loop3A_357 = tpu.memref_slice %arg5[%parallel_loop3A_356] : memref<4384xf32, #tpu.memory_space<vmem>> -> memref<2048xf32, #tpu.memory_space<vmem>>
          %parallel_loop3A_358 = tpu.vector_load_idx %parallel_loop3A_357[%parallel_loop3A_352] : memref<2048xf32, #tpu.memory_space<vmem>>[vector<16xi32>], vector<16xf32>,
          %parallel_loop3A_359 = arith.constant 256 : i32
          %parallel_loop3A_360 = arith.addi %parallel_loop3A_309, %parallel_loop3A_359 : i32
          %parallel_loop3A_361 = arith.constant 0 : i32
          %parallel_loop3A_362 = arith.constant 0 : i32
          %parallel_loop3A_363 = arith.constant 0 : i32
          %parallel_loop3A_364 = arith.constant 0 : i32
          %parallel_loop3A_365 = tpu.memref_slice %run_scoped3A_8[%rem3A_199, %parallel_loop3A_362, %parallel_loop3A_363, %parallel_loop3A_364] : memref<2x4x8x1024xf32, #tpu.memory_space<vmem>> -> memref<1x4x8x1024xf32, #tpu.memory_space<vmem>>
          %parallel_loop3A_366 = tpu.memref_squeeze %parallel_loop3A_365 : memref<1x4x8x1024xf32, #tpu.memory_space<vmem>> -> memref<4x8x1024xf32, #tpu.memory_space<vmem>>
          %parallel_loop3A_367 = arith.index_cast %parallel_loop3A_361 : i32 to index
          %parallel_loop3A_368 = arith.index_cast %parallel_loop3A_305 : i32 to index
          %parallel_loop3A_369 = arith.index_cast %parallel_loop3A_360 : i32 to index
          %parallel_loop3A_370 = tpu.vector_load %parallel_loop3A_366[%parallel_loop3A_367, %parallel_loop3A_368, %parallel_loop3A_369] {strides = array<i32>} : memref<4x8x1024xf32, #tpu.memory_space<vmem>>, vector<16xf32>,
          tpu.vector_store %parallel_loop3A_366[%parallel_loop3A_367, %parallel_loop3A_368, %parallel_loop3A_369], %parallel_loop3A_355 {strides = array<i32>} : memref<4x8x1024xf32, #tpu.memory_space<vmem>>, vector<16xf32>,
          %parallel_loop3A_371 = arith.constant 384 : i32
          %parallel_loop3A_372 = arith.addi %parallel_loop3A_309, %parallel_loop3A_371 : i32
          %parallel_loop3A_373 = arith.constant 0 : i32
          %parallel_loop3A_374 = arith.constant 0 : i32
          %parallel_loop3A_375 = arith.constant 0 : i32
          %parallel_loop3A_376 = arith.constant 0 : i32
          %parallel_loop3A_377 = tpu.memref_slice %run_scoped3A_8[%rem3A_199, %parallel_loop3A_374, %parallel_loop3A_375, %parallel_loop3A_376] : memref<2x4x8x1024xf32, #tpu.memory_space<vmem>> -> memref<1x4x8x1024xf32, #tpu.memory_space<vmem>>
          %parallel_loop3A_378 = tpu.memref_squeeze %parallel_loop3A_377 : memref<1x4x8x1024xf32, #tpu.memory_space<vmem>> -> memref<4x8x1024xf32, #tpu.memory_space<vmem>>
          %parallel_loop3A_379 = arith.index_cast %parallel_loop3A_373 : i32 to index
          %parallel_loop3A_380 = arith.index_cast %parallel_loop3A_305 : i32 to index
          %parallel_loop3A_381 = arith.index_cast %parallel_loop3A_372 : i32 to index
          %parallel_loop3A_382 = tpu.vector_load %parallel_loop3A_378[%parallel_loop3A_379, %parallel_loop3A_380, %parallel_loop3A_381] {strides = array<i32>} : memref<4x8x1024xf32, #tpu.memory_space<vmem>>, vector<16xf32>,
          tpu.vector_store %parallel_loop3A_378[%parallel_loop3A_379, %parallel_loop3A_380, %parallel_loop3A_381], %parallel_loop3A_358 {strides = array<i32>} : memref<4x8x1024xf32, #tpu.memory_space<vmem>>, vector<16xf32>,
          %parallel_loop3A_383 = arith.mulf %parallel_loop3A_316, %get3A_204 : vector<16xf32>
          %parallel_loop3A_384 = arith.addf %parallel_loop3A_383, %broadcast_in_dim3A_235 : vector<16xf32>
          %parallel_loop3A_385 = arith.fptosi %parallel_loop3A_384 : vector<16xf32> to vector<16xi32>
          %parallel_loop3A_386 = arith.constant 0 : i32
          %parallel_loop3A_387 = tpu.memref_slice %arg5[%parallel_loop3A_386] : memref<4384xf32, #tpu.memory_space<vmem>> -> memref<2048xf32, #tpu.memory_space<vmem>>
          %parallel_loop3A_388 = tpu.vector_load_idx %parallel_loop3A_387[%parallel_loop3A_385] : memref<2048xf32, #tpu.memory_space<vmem>>[vector<16xi32>], vector<16xf32>,
          %parallel_loop3A_389 = arith.constant 2048 : i32
          %parallel_loop3A_390 = tpu.memref_slice %arg5[%parallel_loop3A_389] : memref<4384xf32, #tpu.memory_space<vmem>> -> memref<2048xf32, #tpu.memory_space<vmem>>
          %parallel_loop3A_391 = tpu.vector_load_idx %parallel_loop3A_390[%parallel_loop3A_385] : memref<2048xf32, #tpu.memory_space<vmem>>[vector<16xi32>], vector<16xf32>,
          %parallel_loop3A_392 = arith.constant 512 : i32
          %parallel_loop3A_393 = arith.addi %parallel_loop3A_309, %parallel_loop3A_392 : i32
          %parallel_loop3A_394 = arith.constant 0 : i32
          %parallel_loop3A_395 = arith.constant 0 : i32
          %parallel_loop3A_396 = arith.constant 0 : i32
          %parallel_loop3A_397 = arith.constant 0 : i32
          %parallel_loop3A_398 = tpu.memref_slice %run_scoped3A_8[%rem3A_199, %parallel_loop3A_395, %parallel_loop3A_396, %parallel_loop3A_397] : memref<2x4x8x1024xf32, #tpu.memory_space<vmem>> -> memref<1x4x8x1024xf32, #tpu.memory_space<vmem>>
          %parallel_loop3A_399 = tpu.memref_squeeze %parallel_loop3A_398 : memref<1x4x8x1024xf32, #tpu.memory_space<vmem>> -> memref<4x8x1024xf32, #tpu.memory_space<vmem>>
          %parallel_loop3A_400 = arith.index_cast %parallel_loop3A_394 : i32 to index
          %parallel_loop3A_401 = arith.index_cast %parallel_loop3A_305 : i32 to index
          %parallel_loop3A_402 = arith.index_cast %parallel_loop3A_393 : i32 to index
          %parallel_loop3A_403 = tpu.vector_load %parallel_loop3A_399[%parallel_loop3A_400, %parallel_loop3A_401, %parallel_loop3A_402] {strides = array<i32>} : memref<4x8x1024xf32, #tpu.memory_space<vmem>>, vector<16xf32>,
          tpu.vector_store %parallel_loop3A_399[%parallel_loop3A_400, %parallel_loop3A_401, %parallel_loop3A_402], %parallel_loop3A_388 {strides = array<i32>} : memref<4x8x1024xf32, #tpu.memory_space<vmem>>, vector<16xf32>,
          %parallel_loop3A_404 = arith.constant 640 : i32
          %parallel_loop3A_405 = arith.addi %parallel_loop3A_309, %parallel_loop3A_404 : i32
          %parallel_loop3A_406 = arith.constant 0 : i32
          %parallel_loop3A_407 = arith.constant 0 : i32
          %parallel_loop3A_408 = arith.constant 0 : i32
          %parallel_loop3A_409 = arith.constant 0 : i32
          %parallel_loop3A_410 = tpu.memref_slice %run_scoped3A_8[%rem3A_199, %parallel_loop3A_407, %parallel_loop3A_408, %parallel_loop3A_409] : memref<2x4x8x1024xf32, #tpu.memory_space<vmem>> -> memref<1x4x8x1024xf32, #tpu.memory_space<vmem>>
          %parallel_loop3A_411 = tpu.memref_squeeze %parallel_loop3A_410 : memref<1x4x8x1024xf32, #tpu.memory_space<vmem>> -> memref<4x8x1024xf32, #tpu.memory_space<vmem>>
          %parallel_loop3A_412 = arith.index_cast %parallel_loop3A_406 : i32 to index
          %parallel_loop3A_413 = arith.index_cast %parallel_loop3A_305 : i32 to index
          %parallel_loop3A_414 = arith.index_cast %parallel_loop3A_405 : i32 to index
          %parallel_loop3A_415 = tpu.vector_load %parallel_loop3A_411[%parallel_loop3A_412, %parallel_loop3A_413, %parallel_loop3A_414] {strides = array<i32>} : memref<4x8x1024xf32, #tpu.memory_space<vmem>>, vector<16xf32>,
          tpu.vector_store %parallel_loop3A_411[%parallel_loop3A_412, %parallel_loop3A_413, %parallel_loop3A_414], %parallel_loop3A_391 {strides = array<i32>} : memref<4x8x1024xf32, #tpu.memory_space<vmem>>, vector<16xf32>,
          %parallel_loop3A_416 = arith.mulf %parallel_loop3A_316, %get3A_206 : vector<16xf32>
          %parallel_loop3A_417 = arith.addf %parallel_loop3A_416, %broadcast_in_dim3A_235 : vector<16xf32>
          %parallel_loop3A_418 = arith.fptosi %parallel_loop3A_417 : vector<16xf32> to vector<16xi32>
          %parallel_loop3A_419 = arith.constant 0 : i32
          %parallel_loop3A_420 = tpu.memref_slice %arg5[%parallel_loop3A_419] : memref<4384xf32, #tpu.memory_space<vmem>> -> memref<2048xf32, #tpu.memory_space<vmem>>
          %parallel_loop3A_421 = tpu.vector_load_idx %parallel_loop3A_420[%parallel_loop3A_418] : memref<2048xf32, #tpu.memory_space<vmem>>[vector<16xi32>], vector<16xf32>,
          %parallel_loop3A_422 = arith.constant 2048 : i32
          %parallel_loop3A_423 = tpu.memref_slice %arg5[%parallel_loop3A_422] : memref<4384xf32, #tpu.memory_space<vmem>> -> memref<2048xf32, #tpu.memory_space<vmem>>
          %parallel_loop3A_424 = tpu.vector_load_idx %parallel_loop3A_423[%parallel_loop3A_418] : memref<2048xf32, #tpu.memory_space<vmem>>[vector<16xi32>], vector<16xf32>,
          %parallel_loop3A_425 = arith.constant 768 : i32
          %parallel_loop3A_426 = arith.addi %parallel_loop3A_309, %parallel_loop3A_425 : i32
          %parallel_loop3A_427 = arith.constant 0 : i32
          %parallel_loop3A_428 = arith.constant 0 : i32
          %parallel_loop3A_429 = arith.constant 0 : i32
          %parallel_loop3A_430 = arith.constant 0 : i32
          %parallel_loop3A_431 = tpu.memref_slice %run_scoped3A_8[%rem3A_199, %parallel_loop3A_428, %parallel_loop3A_429, %parallel_loop3A_430] : memref<2x4x8x1024xf32, #tpu.memory_space<vmem>> -> memref<1x4x8x1024xf32, #tpu.memory_space<vmem>>
          %parallel_loop3A_432 = tpu.memref_squeeze %parallel_loop3A_431 : memref<1x4x8x1024xf32, #tpu.memory_space<vmem>> -> memref<4x8x1024xf32, #tpu.memory_space<vmem>>
          %parallel_loop3A_433 = arith.index_cast %parallel_loop3A_427 : i32 to index
          %parallel_loop3A_434 = arith.index_cast %parallel_loop3A_305 : i32 to index
          %parallel_loop3A_435 = arith.index_cast %parallel_loop3A_426 : i32 to index
          %parallel_loop3A_436 = tpu.vector_load %parallel_loop3A_432[%parallel_loop3A_433, %parallel_loop3A_434, %parallel_loop3A_435] {strides = array<i32>} : memref<4x8x1024xf32, #tpu.memory_space<vmem>>, vector<16xf32>,
          tpu.vector_store %parallel_loop3A_432[%parallel_loop3A_433, %parallel_loop3A_434, %parallel_loop3A_435], %parallel_loop3A_421 {strides = array<i32>} : memref<4x8x1024xf32, #tpu.memory_space<vmem>>, vector<16xf32>,
          %parallel_loop3A_437 = arith.constant 896 : i32
          %parallel_loop3A_438 = arith.addi %parallel_loop3A_309, %parallel_loop3A_437 : i32
          %parallel_loop3A_439 = arith.constant 0 : i32
          %parallel_loop3A_440 = arith.constant 0 : i32
          %parallel_loop3A_441 = arith.constant 0 : i32
          %parallel_loop3A_442 = arith.constant 0 : i32
          %parallel_loop3A_443 = tpu.memref_slice %run_scoped3A_8[%rem3A_199, %parallel_loop3A_440, %parallel_loop3A_441, %parallel_loop3A_442] : memref<2x4x8x1024xf32, #tpu.memory_space<vmem>> -> memref<1x4x8x1024xf32, #tpu.memory_space<vmem>>
          %parallel_loop3A_444 = tpu.memref_squeeze %parallel_loop3A_443 : memref<1x4x8x1024xf32, #tpu.memory_space<vmem>> -> memref<4x8x1024xf32, #tpu.memory_space<vmem>>
          %parallel_loop3A_445 = arith.index_cast %parallel_loop3A_439 : i32 to index
          %parallel_loop3A_446 = arith.index_cast %parallel_loop3A_305 : i32 to index
          %parallel_loop3A_447 = arith.index_cast %parallel_loop3A_438 : i32 to index
          %parallel_loop3A_448 = tpu.vector_load %parallel_loop3A_444[%parallel_loop3A_445, %parallel_loop3A_446, %parallel_loop3A_447] {strides = array<i32>} : memref<4x8x1024xf32, #tpu.memory_space<vmem>>, vector<16xf32>,
          tpu.vector_store %parallel_loop3A_444[%parallel_loop3A_445, %parallel_loop3A_446, %parallel_loop3A_447], %parallel_loop3A_424 {strides = array<i32>} : memref<4x8x1024xf32, #tpu.memory_space<vmem>>, vector<16xf32>,
          %parallel_loop3A_449 = arith.mulf %parallel_loop3A_316, %get3A_208 : vector<16xf32>
          %parallel_loop3A_450 = arith.addf %parallel_loop3A_449, %broadcast_in_dim3A_235 : vector<16xf32>
          %parallel_loop3A_451 = arith.fptosi %parallel_loop3A_450 : vector<16xf32> to vector<16xi32>
          %parallel_loop3A_452 = arith.constant 0 : i32
          %parallel_loop3A_453 = tpu.memref_slice %arg5[%parallel_loop3A_452] : memref<4384xf32, #tpu.memory_space<vmem>> -> memref<2048xf32, #tpu.memory_space<vmem>>
          %parallel_loop3A_454 = tpu.vector_load_idx %parallel_loop3A_453[%parallel_loop3A_451] : memref<2048xf32, #tpu.memory_space<vmem>>[vector<16xi32>], vector<16xf32>,
          %parallel_loop3A_455 = arith.constant 2048 : i32
          %parallel_loop3A_456 = tpu.memref_slice %arg5[%parallel_loop3A_455] : memref<4384xf32, #tpu.memory_space<vmem>> -> memref<2048xf32, #tpu.memory_space<vmem>>
          %parallel_loop3A_457 = tpu.vector_load_idx %parallel_loop3A_456[%parallel_loop3A_451] : memref<2048xf32, #tpu.memory_space<vmem>>[vector<16xi32>], vector<16xf32>,
          %parallel_loop3A_458 = arith.constant 0 : i32
          %parallel_loop3A_459 = arith.addi %parallel_loop3A_309, %parallel_loop3A_458 : i32
          %parallel_loop3A_460 = arith.constant 1 : i32
          %parallel_loop3A_461 = arith.constant 0 : i32
          %parallel_loop3A_462 = arith.constant 0 : i32
          %parallel_loop3A_463 = arith.constant 0 : i32
          %parallel_loop3A_464 = tpu.memref_slice %run_scoped3A_8[%rem3A_199, %parallel_loop3A_461, %parallel_loop3A_462, %parallel_loop3A_463] : memref<2x4x8x1024xf32, #tpu.memory_space<vmem>> -> memref<1x4x8x1024xf32, #tpu.memory_space<vmem>>
          %parallel_loop3A_465 = tpu.memref_squeeze %parallel_loop3A_464 : memref<1x4x8x1024xf32, #tpu.memory_space<vmem>> -> memref<4x8x1024xf32, #tpu.memory_space<vmem>>
          %parallel_loop3A_466 = arith.index_cast %parallel_loop3A_460 : i32 to index
          %parallel_loop3A_467 = arith.index_cast %parallel_loop3A_305 : i32 to index
          %parallel_loop3A_468 = arith.index_cast %parallel_loop3A_459 : i32 to index
          %parallel_loop3A_469 = tpu.vector_load %parallel_loop3A_465[%parallel_loop3A_466, %parallel_loop3A_467, %parallel_loop3A_468] {strides = array<i32>} : memref<4x8x1024xf32, #tpu.memory_space<vmem>>, vector<16xf32>,
          tpu.vector_store %parallel_loop3A_465[%parallel_loop3A_466, %parallel_loop3A_467, %parallel_loop3A_468], %parallel_loop3A_454 {strides = array<i32>} : memref<4x8x1024xf32, #tpu.memory_space<vmem>>, vector<16xf32>,
          %parallel_loop3A_470 = arith.constant 128 : i32
          %parallel_loop3A_471 = arith.addi %parallel_loop3A_309, %parallel_loop3A_470 : i32
          %parallel_loop3A_472 = arith.constant 1 : i32
          %parallel_loop3A_473 = arith.constant 0 : i32
          %parallel_loop3A_474 = arith.constant 0 : i32
          %parallel_loop3A_475 = arith.constant 0 : i32
          %parallel_loop3A_476 = tpu.memref_slice %run_scoped3A_8[%rem3A_199, %parallel_loop3A_473, %parallel_loop3A_474, %parallel_loop3A_475] : memref<2x4x8x1024xf32, #tpu.memory_space<vmem>> -> memref<1x4x8x1024xf32, #tpu.memory_space<vmem>>
          %parallel_loop3A_477 = tpu.memref_squeeze %parallel_loop3A_476 : memref<1x4x8x1024xf32, #tpu.memory_space<vmem>> -> memref<4x8x1024xf32, #tpu.memory_space<vmem>>
          %parallel_loop3A_478 = arith.index_cast %parallel_loop3A_472 : i32 to index
          %parallel_loop3A_479 = arith.index_cast %parallel_loop3A_305 : i32 to index
          %parallel_loop3A_480 = arith.index_cast %parallel_loop3A_471 : i32 to index
          %parallel_loop3A_481 = tpu.vector_load %parallel_loop3A_477[%parallel_loop3A_478, %parallel_loop3A_479, %parallel_loop3A_480] {strides = array<i32>} : memref<4x8x1024xf32, #tpu.memory_space<vmem>>, vector<16xf32>,
          tpu.vector_store %parallel_loop3A_477[%parallel_loop3A_478, %parallel_loop3A_479, %parallel_loop3A_480], %parallel_loop3A_457 {strides = array<i32>} : memref<4x8x1024xf32, #tpu.memory_space<vmem>>, vector<16xf32>,
          %parallel_loop3A_482 = arith.mulf %parallel_loop3A_316, %get3A_210 : vector<16xf32>
          %parallel_loop3A_483 = arith.addf %parallel_loop3A_482, %broadcast_in_dim3A_235 : vector<16xf32>
          %parallel_loop3A_484 = arith.fptosi %parallel_loop3A_483 : vector<16xf32> to vector<16xi32>
          %parallel_loop3A_485 = arith.constant 0 : i32
          %parallel_loop3A_486 = tpu.memref_slice %arg5[%parallel_loop3A_485] : memref<4384xf32, #tpu.memory_space<vmem>> -> memref<2048xf32, #tpu.memory_space<vmem>>
          %parallel_loop3A_487 = tpu.vector_load_idx %parallel_loop3A_486[%parallel_loop3A_484] : memref<2048xf32, #tpu.memory_space<vmem>>[vector<16xi32>], vector<16xf32>,
          %parallel_loop3A_488 = arith.constant 2048 : i32
          %parallel_loop3A_489 = tpu.memref_slice %arg5[%parallel_loop3A_488] : memref<4384xf32, #tpu.memory_space<vmem>> -> memref<2048xf32, #tpu.memory_space<vmem>>
          %parallel_loop3A_490 = tpu.vector_load_idx %parallel_loop3A_489[%parallel_loop3A_484] : memref<2048xf32, #tpu.memory_space<vmem>>[vector<16xi32>], vector<16xf32>,
          %parallel_loop3A_491 = arith.constant 256 : i32
          %parallel_loop3A_492 = arith.addi %parallel_loop3A_309, %parallel_loop3A_491 : i32
          %parallel_loop3A_493 = arith.constant 1 : i32
          %parallel_loop3A_494 = arith.constant 0 : i32
          %parallel_loop3A_495 = arith.constant 0 : i32
          %parallel_loop3A_496 = arith.constant 0 : i32
          %parallel_loop3A_497 = tpu.memref_slice %run_scoped3A_8[%rem3A_199, %parallel_loop3A_494, %parallel_loop3A_495, %parallel_loop3A_496] : memref<2x4x8x1024xf32, #tpu.memory_space<vmem>> -> memref<1x4x8x1024xf32, #tpu.memory_space<vmem>>
          %parallel_loop3A_498 = tpu.memref_squeeze %parallel_loop3A_497 : memref<1x4x8x1024xf32, #tpu.memory_space<vmem>> -> memref<4x8x1024xf32, #tpu.memory_space<vmem>>
          %parallel_loop3A_499 = arith.index_cast %parallel_loop3A_493 : i32 to index
          %parallel_loop3A_500 = arith.index_cast %parallel_loop3A_305 : i32 to index
          %parallel_loop3A_501 = arith.index_cast %parallel_loop3A_492 : i32 to index
          %parallel_loop3A_502 = tpu.vector_load %parallel_loop3A_498[%parallel_loop3A_499, %parallel_loop3A_500, %parallel_loop3A_501] {strides = array<i32>} : memref<4x8x1024xf32, #tpu.memory_space<vmem>>, vector<16xf32>,
          tpu.vector_store %parallel_loop3A_498[%parallel_loop3A_499, %parallel_loop3A_500, %parallel_loop3A_501], %parallel_loop3A_487 {strides = array<i32>} : memref<4x8x1024xf32, #tpu.memory_space<vmem>>, vector<16xf32>,
          %parallel_loop3A_503 = arith.constant 384 : i32
          %parallel_loop3A_504 = arith.addi %parallel_loop3A_309, %parallel_loop3A_503 : i32
          %parallel_loop3A_505 = arith.constant 1 : i32
          %parallel_loop3A_506 = arith.constant 0 : i32
          %parallel_loop3A_507 = arith.constant 0 : i32
          %parallel_loop3A_508 = arith.constant 0 : i32
          %parallel_loop3A_509 = tpu.memref_slice %run_scoped3A_8[%rem3A_199, %parallel_loop3A_506, %parallel_loop3A_507, %parallel_loop3A_508] : memref<2x4x8x1024xf32, #tpu.memory_space<vmem>> -> memref<1x4x8x1024xf32, #tpu.memory_space<vmem>>
          %parallel_loop3A_510 = tpu.memref_squeeze %parallel_loop3A_509 : memref<1x4x8x1024xf32, #tpu.memory_space<vmem>> -> memref<4x8x1024xf32, #tpu.memory_space<vmem>>
          %parallel_loop3A_511 = arith.index_cast %parallel_loop3A_505 : i32 to index
          %parallel_loop3A_512 = arith.index_cast %parallel_loop3A_305 : i32 to index
          %parallel_loop3A_513 = arith.index_cast %parallel_loop3A_504 : i32 to index
          %parallel_loop3A_514 = tpu.vector_load %parallel_loop3A_510[%parallel_loop3A_511, %parallel_loop3A_512, %parallel_loop3A_513] {strides = array<i32>} : memref<4x8x1024xf32, #tpu.memory_space<vmem>>, vector<16xf32>,
          tpu.vector_store %parallel_loop3A_510[%parallel_loop3A_511, %parallel_loop3A_512, %parallel_loop3A_513], %parallel_loop3A_490 {strides = array<i32>} : memref<4x8x1024xf32, #tpu.memory_space<vmem>>, vector<16xf32>,
          %parallel_loop3A_515 = arith.mulf %parallel_loop3A_316, %get3A_212 : vector<16xf32>
          %parallel_loop3A_516 = arith.addf %parallel_loop3A_515, %broadcast_in_dim3A_235 : vector<16xf32>
          %parallel_loop3A_517 = arith.fptosi %parallel_loop3A_516 : vector<16xf32> to vector<16xi32>
          %parallel_loop3A_518 = arith.constant 0 : i32
          %parallel_loop3A_519 = tpu.memref_slice %arg5[%parallel_loop3A_518] : memref<4384xf32, #tpu.memory_space<vmem>> -> memref<2048xf32, #tpu.memory_space<vmem>>
          %parallel_loop3A_520 = tpu.vector_load_idx %parallel_loop3A_519[%parallel_loop3A_517] : memref<2048xf32, #tpu.memory_space<vmem>>[vector<16xi32>], vector<16xf32>,
          %parallel_loop3A_521 = arith.constant 2048 : i32
          %parallel_loop3A_522 = tpu.memref_slice %arg5[%parallel_loop3A_521] : memref<4384xf32, #tpu.memory_space<vmem>> -> memref<2048xf32, #tpu.memory_space<vmem>>
          %parallel_loop3A_523 = tpu.vector_load_idx %parallel_loop3A_522[%parallel_loop3A_517] : memref<2048xf32, #tpu.memory_space<vmem>>[vector<16xi32>], vector<16xf32>,
          %parallel_loop3A_524 = arith.constant 512 : i32
          %parallel_loop3A_525 = arith.addi %parallel_loop3A_309, %parallel_loop3A_524 : i32
          %parallel_loop3A_526 = arith.constant 1 : i32
          %parallel_loop3A_527 = arith.constant 0 : i32
          %parallel_loop3A_528 = arith.constant 0 : i32
          %parallel_loop3A_529 = arith.constant 0 : i32
          %parallel_loop3A_530 = tpu.memref_slice %run_scoped3A_8[%rem3A_199, %parallel_loop3A_527, %parallel_loop3A_528, %parallel_loop3A_529] : memref<2x4x8x1024xf32, #tpu.memory_space<vmem>> -> memref<1x4x8x1024xf32, #tpu.memory_space<vmem>>
          %parallel_loop3A_531 = tpu.memref_squeeze %parallel_loop3A_530 : memref<1x4x8x1024xf32, #tpu.memory_space<vmem>> -> memref<4x8x1024xf32, #tpu.memory_space<vmem>>
          %parallel_loop3A_532 = arith.index_cast %parallel_loop3A_526 : i32 to index
          %parallel_loop3A_533 = arith.index_cast %parallel_loop3A_305 : i32 to index
          %parallel_loop3A_534 = arith.index_cast %parallel_loop3A_525 : i32 to index
          %parallel_loop3A_535 = tpu.vector_load %parallel_loop3A_531[%parallel_loop3A_532, %parallel_loop3A_533, %parallel_loop3A_534] {strides = array<i32>} : memref<4x8x1024xf32, #tpu.memory_space<vmem>>, vector<16xf32>,
          tpu.vector_store %parallel_loop3A_531[%parallel_loop3A_532, %parallel_loop3A_533, %parallel_loop3A_534], %parallel_loop3A_520 {strides = array<i32>} : memref<4x8x1024xf32, #tpu.memory_space<vmem>>, vector<16xf32>,
          %parallel_loop3A_536 = arith.constant 640 : i32
          %parallel_loop3A_537 = arith.addi %parallel_loop3A_309, %parallel_loop3A_536 : i32
          %parallel_loop3A_538 = arith.constant 1 : i32
          %parallel_loop3A_539 = arith.constant 0 : i32
          %parallel_loop3A_540 = arith.constant 0 : i32
          %parallel_loop3A_541 = arith.constant 0 : i32
          %parallel_loop3A_542 = tpu.memref_slice %run_scoped3A_8[%rem3A_199, %parallel_loop3A_539, %parallel_loop3A_540, %parallel_loop3A_541] : memref<2x4x8x1024xf32, #tpu.memory_space<vmem>> -> memref<1x4x8x1024xf32, #tpu.memory_space<vmem>>
          %parallel_loop3A_543 = tpu.memref_squeeze %parallel_loop3A_542 : memref<1x4x8x1024xf32, #tpu.memory_space<vmem>> -> memref<4x8x1024xf32, #tpu.memory_space<vmem>>
          %parallel_loop3A_544 = arith.index_cast %parallel_loop3A_538 : i32 to index
          %parallel_loop3A_545 = arith.index_cast %parallel_loop3A_305 : i32 to index
          %parallel_loop3A_546 = arith.index_cast %parallel_loop3A_537 : i32 to index
          %parallel_loop3A_547 = tpu.vector_load %parallel_loop3A_543[%parallel_loop3A_544, %parallel_loop3A_545, %parallel_loop3A_546] {strides = array<i32>} : memref<4x8x1024xf32, #tpu.memory_space<vmem>>, vector<16xf32>,
          tpu.vector_store %parallel_loop3A_543[%parallel_loop3A_544, %parallel_loop3A_545, %parallel_loop3A_546], %parallel_loop3A_523 {strides = array<i32>} : memref<4x8x1024xf32, #tpu.memory_space<vmem>>, vector<16xf32>,
          %parallel_loop3A_548 = arith.mulf %parallel_loop3A_316, %get3A_214 : vector<16xf32>
          %parallel_loop3A_549 = arith.addf %parallel_loop3A_548, %broadcast_in_dim3A_235 : vector<16xf32>
          %parallel_loop3A_550 = arith.fptosi %parallel_loop3A_549 : vector<16xf32> to vector<16xi32>
          %parallel_loop3A_551 = arith.constant 0 : i32
          %parallel_loop3A_552 = tpu.memref_slice %arg5[%parallel_loop3A_551] : memref<4384xf32, #tpu.memory_space<vmem>> -> memref<2048xf32, #tpu.memory_space<vmem>>
          %parallel_loop3A_553 = tpu.vector_load_idx %parallel_loop3A_552[%parallel_loop3A_550] : memref<2048xf32, #tpu.memory_space<vmem>>[vector<16xi32>], vector<16xf32>,
          %parallel_loop3A_554 = arith.constant 2048 : i32
          %parallel_loop3A_555 = tpu.memref_slice %arg5[%parallel_loop3A_554] : memref<4384xf32, #tpu.memory_space<vmem>> -> memref<2048xf32, #tpu.memory_space<vmem>>
          %parallel_loop3A_556 = tpu.vector_load_idx %parallel_loop3A_555[%parallel_loop3A_550] : memref<2048xf32, #tpu.memory_space<vmem>>[vector<16xi32>], vector<16xf32>,
          %parallel_loop3A_557 = arith.constant 768 : i32
          %parallel_loop3A_558 = arith.addi %parallel_loop3A_309, %parallel_loop3A_557 : i32
          %parallel_loop3A_559 = arith.constant 1 : i32
          %parallel_loop3A_560 = arith.constant 0 : i32
          %parallel_loop3A_561 = arith.constant 0 : i32
          %parallel_loop3A_562 = arith.constant 0 : i32
          %parallel_loop3A_563 = tpu.memref_slice %run_scoped3A_8[%rem3A_199, %parallel_loop3A_560, %parallel_loop3A_561, %parallel_loop3A_562] : memref<2x4x8x1024xf32, #tpu.memory_space<vmem>> -> memref<1x4x8x1024xf32, #tpu.memory_space<vmem>>
          %parallel_loop3A_564 = tpu.memref_squeeze %parallel_loop3A_563 : memref<1x4x8x1024xf32, #tpu.memory_space<vmem>> -> memref<4x8x1024xf32, #tpu.memory_space<vmem>>
          %parallel_loop3A_565 = arith.index_cast %parallel_loop3A_559 : i32 to index
          %parallel_loop3A_566 = arith.index_cast %parallel_loop3A_305 : i32 to index
          %parallel_loop3A_567 = arith.index_cast %parallel_loop3A_558 : i32 to index
          %parallel_loop3A_568 = tpu.vector_load %parallel_loop3A_564[%parallel_loop3A_565, %parallel_loop3A_566, %parallel_loop3A_567] {strides = array<i32>} : memref<4x8x1024xf32, #tpu.memory_space<vmem>>, vector<16xf32>,
          tpu.vector_store %parallel_loop3A_564[%parallel_loop3A_565, %parallel_loop3A_566, %parallel_loop3A_567], %parallel_loop3A_553 {strides = array<i32>} : memref<4x8x1024xf32, #tpu.memory_space<vmem>>, vector<16xf32>,
          %parallel_loop3A_569 = arith.constant 896 : i32
          %parallel_loop3A_570 = arith.addi %parallel_loop3A_309, %parallel_loop3A_569 : i32
          %parallel_loop3A_571 = arith.constant 1 : i32
          %parallel_loop3A_572 = arith.constant 0 : i32
          %parallel_loop3A_573 = arith.constant 0 : i32
          %parallel_loop3A_574 = arith.constant 0 : i32
          %parallel_loop3A_575 = tpu.memref_slice %run_scoped3A_8[%rem3A_199, %parallel_loop3A_572, %parallel_loop3A_573, %parallel_loop3A_574] : memref<2x4x8x1024xf32, #tpu.memory_space<vmem>> -> memref<1x4x8x1024xf32, #tpu.memory_space<vmem>>
          %parallel_loop3A_576 = tpu.memref_squeeze %parallel_loop3A_575 : memref<1x4x8x1024xf32, #tpu.memory_space<vmem>> -> memref<4x8x1024xf32, #tpu.memory_space<vmem>>
          %parallel_loop3A_577 = arith.index_cast %parallel_loop3A_571 : i32 to index
          %parallel_loop3A_578 = arith.index_cast %parallel_loop3A_305 : i32 to index
          %parallel_loop3A_579 = arith.index_cast %parallel_loop3A_570 : i32 to index
          %parallel_loop3A_580 = tpu.vector_load %parallel_loop3A_576[%parallel_loop3A_577, %parallel_loop3A_578, %parallel_loop3A_579] {strides = array<i32>} : memref<4x8x1024xf32, #tpu.memory_space<vmem>>, vector<16xf32>,
          tpu.vector_store %parallel_loop3A_576[%parallel_loop3A_577, %parallel_loop3A_578, %parallel_loop3A_579], %parallel_loop3A_556 {strides = array<i32>} : memref<4x8x1024xf32, #tpu.memory_space<vmem>>, vector<16xf32>,
          %parallel_loop3A_581 = arith.mulf %parallel_loop3A_316, %get3A_216 : vector<16xf32>
          %parallel_loop3A_582 = arith.addf %parallel_loop3A_581, %broadcast_in_dim3A_235 : vector<16xf32>
          %parallel_loop3A_583 = arith.fptosi %parallel_loop3A_582 : vector<16xf32> to vector<16xi32>
          %parallel_loop3A_584 = arith.constant 0 : i32
          %parallel_loop3A_585 = tpu.memref_slice %arg5[%parallel_loop3A_584] : memref<4384xf32, #tpu.memory_space<vmem>> -> memref<2048xf32, #tpu.memory_space<vmem>>
          %parallel_loop3A_586 = tpu.vector_load_idx %parallel_loop3A_585[%parallel_loop3A_583] : memref<2048xf32, #tpu.memory_space<vmem>>[vector<16xi32>], vector<16xf32>,
          %parallel_loop3A_587 = arith.constant 2048 : i32
          %parallel_loop3A_588 = tpu.memref_slice %arg5[%parallel_loop3A_587] : memref<4384xf32, #tpu.memory_space<vmem>> -> memref<2048xf32, #tpu.memory_space<vmem>>
          %parallel_loop3A_589 = tpu.vector_load_idx %parallel_loop3A_588[%parallel_loop3A_583] : memref<2048xf32, #tpu.memory_space<vmem>>[vector<16xi32>], vector<16xf32>,
          %parallel_loop3A_590 = arith.constant 0 : i32
          %parallel_loop3A_591 = arith.addi %parallel_loop3A_309, %parallel_loop3A_590 : i32
          %parallel_loop3A_592 = arith.constant 2 : i32
          %parallel_loop3A_593 = arith.constant 0 : i32
          %parallel_loop3A_594 = arith.constant 0 : i32
          %parallel_loop3A_595 = arith.constant 0 : i32
          %parallel_loop3A_596 = tpu.memref_slice %run_scoped3A_8[%rem3A_199, %parallel_loop3A_593, %parallel_loop3A_594, %parallel_loop3A_595] : memref<2x4x8x1024xf32, #tpu.memory_space<vmem>> -> memref<1x4x8x1024xf32, #tpu.memory_space<vmem>>
          %parallel_loop3A_597 = tpu.memref_squeeze %parallel_loop3A_596 : memref<1x4x8x1024xf32, #tpu.memory_space<vmem>> -> memref<4x8x1024xf32, #tpu.memory_space<vmem>>
          %parallel_loop3A_598 = arith.index_cast %parallel_loop3A_592 : i32 to index
          %parallel_loop3A_599 = arith.index_cast %parallel_loop3A_305 : i32 to index
          %parallel_loop3A_600 = arith.index_cast %parallel_loop3A_591 : i32 to index
          %parallel_loop3A_601 = tpu.vector_load %parallel_loop3A_597[%parallel_loop3A_598, %parallel_loop3A_599, %parallel_loop3A_600] {strides = array<i32>} : memref<4x8x1024xf32, #tpu.memory_space<vmem>>, vector<16xf32>,
          tpu.vector_store %parallel_loop3A_597[%parallel_loop3A_598, %parallel_loop3A_599, %parallel_loop3A_600], %parallel_loop3A_586 {strides = array<i32>} : memref<4x8x1024xf32, #tpu.memory_space<vmem>>, vector<16xf32>,
          %parallel_loop3A_602 = arith.constant 128 : i32
          %parallel_loop3A_603 = arith.addi %parallel_loop3A_309, %parallel_loop3A_602 : i32
          %parallel_loop3A_604 = arith.constant 2 : i32
          %parallel_loop3A_605 = arith.constant 0 : i32
          %parallel_loop3A_606 = arith.constant 0 : i32
          %parallel_loop3A_607 = arith.constant 0 : i32
          %parallel_loop3A_608 = tpu.memref_slice %run_scoped3A_8[%rem3A_199, %parallel_loop3A_605, %parallel_loop3A_606, %parallel_loop3A_607] : memref<2x4x8x1024xf32, #tpu.memory_space<vmem>> -> memref<1x4x8x1024xf32, #tpu.memory_space<vmem>>
          %parallel_loop3A_609 = tpu.memref_squeeze %parallel_loop3A_608 : memref<1x4x8x1024xf32, #tpu.memory_space<vmem>> -> memref<4x8x1024xf32, #tpu.memory_space<vmem>>
          %parallel_loop3A_610 = arith.index_cast %parallel_loop3A_604 : i32 to index
          %parallel_loop3A_611 = arith.index_cast %parallel_loop3A_305 : i32 to index
          %parallel_loop3A_612 = arith.index_cast %parallel_loop3A_603 : i32 to index
          %parallel_loop3A_613 = tpu.vector_load %parallel_loop3A_609[%parallel_loop3A_610, %parallel_loop3A_611, %parallel_loop3A_612] {strides = array<i32>} : memref<4x8x1024xf32, #tpu.memory_space<vmem>>, vector<16xf32>,
          tpu.vector_store %parallel_loop3A_609[%parallel_loop3A_610, %parallel_loop3A_611, %parallel_loop3A_612], %parallel_loop3A_589 {strides = array<i32>} : memref<4x8x1024xf32, #tpu.memory_space<vmem>>, vector<16xf32>,
          %parallel_loop3A_614 = arith.mulf %parallel_loop3A_316, %get3A_218 : vector<16xf32>
          %parallel_loop3A_615 = arith.addf %parallel_loop3A_614, %broadcast_in_dim3A_235 : vector<16xf32>
          %parallel_loop3A_616 = arith.fptosi %parallel_loop3A_615 : vector<16xf32> to vector<16xi32>
          %parallel_loop3A_617 = arith.constant 0 : i32
          %parallel_loop3A_618 = tpu.memref_slice %arg5[%parallel_loop3A_617] : memref<4384xf32, #tpu.memory_space<vmem>> -> memref<2048xf32, #tpu.memory_space<vmem>>
          %parallel_loop3A_619 = tpu.vector_load_idx %parallel_loop3A_618[%parallel_loop3A_616] : memref<2048xf32, #tpu.memory_space<vmem>>[vector<16xi32>], vector<16xf32>,
          %parallel_loop3A_620 = arith.constant 2048 : i32
          %parallel_loop3A_621 = tpu.memref_slice %arg5[%parallel_loop3A_620] : memref<4384xf32, #tpu.memory_space<vmem>> -> memref<2048xf32, #tpu.memory_space<vmem>>
          %parallel_loop3A_622 = tpu.vector_load_idx %parallel_loop3A_621[%parallel_loop3A_616] : memref<2048xf32, #tpu.memory_space<vmem>>[vector<16xi32>], vector<16xf32>,
          %parallel_loop3A_623 = arith.constant 256 : i32
          %parallel_loop3A_624 = arith.addi %parallel_loop3A_309, %parallel_loop3A_623 : i32
          %parallel_loop3A_625 = arith.constant 2 : i32
          %parallel_loop3A_626 = arith.constant 0 : i32
          %parallel_loop3A_627 = arith.constant 0 : i32
          %parallel_loop3A_628 = arith.constant 0 : i32
          %parallel_loop3A_629 = tpu.memref_slice %run_scoped3A_8[%rem3A_199, %parallel_loop3A_626, %parallel_loop3A_627, %parallel_loop3A_628] : memref<2x4x8x1024xf32, #tpu.memory_space<vmem>> -> memref<1x4x8x1024xf32, #tpu.memory_space<vmem>>
          %parallel_loop3A_630 = tpu.memref_squeeze %parallel_loop3A_629 : memref<1x4x8x1024xf32, #tpu.memory_space<vmem>> -> memref<4x8x1024xf32, #tpu.memory_space<vmem>>
          %parallel_loop3A_631 = arith.index_cast %parallel_loop3A_625 : i32 to index
          %parallel_loop3A_632 = arith.index_cast %parallel_loop3A_305 : i32 to index
          %parallel_loop3A_633 = arith.index_cast %parallel_loop3A_624 : i32 to index
          %parallel_loop3A_634 = tpu.vector_load %parallel_loop3A_630[%parallel_loop3A_631, %parallel_loop3A_632, %parallel_loop3A_633] {strides = array<i32>} : memref<4x8x1024xf32, #tpu.memory_space<vmem>>, vector<16xf32>,
          tpu.vector_store %parallel_loop3A_630[%parallel_loop3A_631, %parallel_loop3A_632, %parallel_loop3A_633], %parallel_loop3A_619 {strides = array<i32>} : memref<4x8x1024xf32, #tpu.memory_space<vmem>>, vector<16xf32>,
          %parallel_loop3A_635 = arith.constant 384 : i32
          %parallel_loop3A_636 = arith.addi %parallel_loop3A_309, %parallel_loop3A_635 : i32
          %parallel_loop3A_637 = arith.constant 2 : i32
          %parallel_loop3A_638 = arith.constant 0 : i32
          %parallel_loop3A_639 = arith.constant 0 : i32
          %parallel_loop3A_640 = arith.constant 0 : i32
          %parallel_loop3A_641 = tpu.memref_slice %run_scoped3A_8[%rem3A_199, %parallel_loop3A_638, %parallel_loop3A_639, %parallel_loop3A_640] : memref<2x4x8x1024xf32, #tpu.memory_space<vmem>> -> memref<1x4x8x1024xf32, #tpu.memory_space<vmem>>
          %parallel_loop3A_642 = tpu.memref_squeeze %parallel_loop3A_641 : memref<1x4x8x1024xf32, #tpu.memory_space<vmem>> -> memref<4x8x1024xf32, #tpu.memory_space<vmem>>
          %parallel_loop3A_643 = arith.index_cast %parallel_loop3A_637 : i32 to index
          %parallel_loop3A_644 = arith.index_cast %parallel_loop3A_305 : i32 to index
          %parallel_loop3A_645 = arith.index_cast %parallel_loop3A_636 : i32 to index
          %parallel_loop3A_646 = tpu.vector_load %parallel_loop3A_642[%parallel_loop3A_643, %parallel_loop3A_644, %parallel_loop3A_645] {strides = array<i32>} : memref<4x8x1024xf32, #tpu.memory_space<vmem>>, vector<16xf32>,
          tpu.vector_store %parallel_loop3A_642[%parallel_loop3A_643, %parallel_loop3A_644, %parallel_loop3A_645], %parallel_loop3A_622 {strides = array<i32>} : memref<4x8x1024xf32, #tpu.memory_space<vmem>>, vector<16xf32>,
          %parallel_loop3A_647 = arith.mulf %parallel_loop3A_316, %get3A_220 : vector<16xf32>
          %parallel_loop3A_648 = arith.addf %parallel_loop3A_647, %broadcast_in_dim3A_235 : vector<16xf32>
          %parallel_loop3A_649 = arith.fptosi %parallel_loop3A_648 : vector<16xf32> to vector<16xi32>
          %parallel_loop3A_650 = arith.constant 0 : i32
          %parallel_loop3A_651 = tpu.memref_slice %arg5[%parallel_loop3A_650] : memref<4384xf32, #tpu.memory_space<vmem>> -> memref<2048xf32, #tpu.memory_space<vmem>>
          %parallel_loop3A_652 = tpu.vector_load_idx %parallel_loop3A_651[%parallel_loop3A_649] : memref<2048xf32, #tpu.memory_space<vmem>>[vector<16xi32>], vector<16xf32>,
          %parallel_loop3A_653 = arith.constant 2048 : i32
          %parallel_loop3A_654 = tpu.memref_slice %arg5[%parallel_loop3A_653] : memref<4384xf32, #tpu.memory_space<vmem>> -> memref<2048xf32, #tpu.memory_space<vmem>>
          %parallel_loop3A_655 = tpu.vector_load_idx %parallel_loop3A_654[%parallel_loop3A_649] : memref<2048xf32, #tpu.memory_space<vmem>>[vector<16xi32>], vector<16xf32>,
          %parallel_loop3A_656 = arith.constant 512 : i32
          %parallel_loop3A_657 = arith.addi %parallel_loop3A_309, %parallel_loop3A_656 : i32
          %parallel_loop3A_658 = arith.constant 2 : i32
          %parallel_loop3A_659 = arith.constant 0 : i32
          %parallel_loop3A_660 = arith.constant 0 : i32
          %parallel_loop3A_661 = arith.constant 0 : i32
          %parallel_loop3A_662 = tpu.memref_slice %run_scoped3A_8[%rem3A_199, %parallel_loop3A_659, %parallel_loop3A_660, %parallel_loop3A_661] : memref<2x4x8x1024xf32, #tpu.memory_space<vmem>> -> memref<1x4x8x1024xf32, #tpu.memory_space<vmem>>
          %parallel_loop3A_663 = tpu.memref_squeeze %parallel_loop3A_662 : memref<1x4x8x1024xf32, #tpu.memory_space<vmem>> -> memref<4x8x1024xf32, #tpu.memory_space<vmem>>
          %parallel_loop3A_664 = arith.index_cast %parallel_loop3A_658 : i32 to index
          %parallel_loop3A_665 = arith.index_cast %parallel_loop3A_305 : i32 to index
          %parallel_loop3A_666 = arith.index_cast %parallel_loop3A_657 : i32 to index
          %parallel_loop3A_667 = tpu.vector_load %parallel_loop3A_663[%parallel_loop3A_664, %parallel_loop3A_665, %parallel_loop3A_666] {strides = array<i32>} : memref<4x8x1024xf32, #tpu.memory_space<vmem>>, vector<16xf32>,
          tpu.vector_store %parallel_loop3A_663[%parallel_loop3A_664, %parallel_loop3A_665, %parallel_loop3A_666], %parallel_loop3A_652 {strides = array<i32>} : memref<4x8x1024xf32, #tpu.memory_space<vmem>>, vector<16xf32>,
          %parallel_loop3A_668 = arith.constant 640 : i32
          %parallel_loop3A_669 = arith.addi %parallel_loop3A_309, %parallel_loop3A_668 : i32
          %parallel_loop3A_670 = arith.constant 2 : i32
          %parallel_loop3A_671 = arith.constant 0 : i32
          %parallel_loop3A_672 = arith.constant 0 : i32
          %parallel_loop3A_673 = arith.constant 0 : i32
          %parallel_loop3A_674 = tpu.memref_slice %run_scoped3A_8[%rem3A_199, %parallel_loop3A_671, %parallel_loop3A_672, %parallel_loop3A_673] : memref<2x4x8x1024xf32, #tpu.memory_space<vmem>> -> memref<1x4x8x1024xf32, #tpu.memory_space<vmem>>
          %parallel_loop3A_675 = tpu.memref_squeeze %parallel_loop3A_674 : memref<1x4x8x1024xf32, #tpu.memory_space<vmem>> -> memref<4x8x1024xf32, #tpu.memory_space<vmem>>
          %parallel_loop3A_676 = arith.index_cast %parallel_loop3A_670 : i32 to index
          %parallel_loop3A_677 = arith.index_cast %parallel_loop3A_305 : i32 to index
          %parallel_loop3A_678 = arith.index_cast %parallel_loop3A_669 : i32 to index
          %parallel_loop3A_679 = tpu.vector_load %parallel_loop3A_675[%parallel_loop3A_676, %parallel_loop3A_677, %parallel_loop3A_678] {strides = array<i32>} : memref<4x8x1024xf32, #tpu.memory_space<vmem>>, vector<16xf32>,
          tpu.vector_store %parallel_loop3A_675[%parallel_loop3A_676, %parallel_loop3A_677, %parallel_loop3A_678], %parallel_loop3A_655 {strides = array<i32>} : memref<4x8x1024xf32, #tpu.memory_space<vmem>>, vector<16xf32>,
          %parallel_loop3A_680 = arith.mulf %parallel_loop3A_316, %get3A_222 : vector<16xf32>
          %parallel_loop3A_681 = arith.addf %parallel_loop3A_680, %broadcast_in_dim3A_235 : vector<16xf32>
          %parallel_loop3A_682 = arith.fptosi %parallel_loop3A_681 : vector<16xf32> to vector<16xi32>
          %parallel_loop3A_683 = arith.constant 0 : i32
          %parallel_loop3A_684 = tpu.memref_slice %arg5[%parallel_loop3A_683] : memref<4384xf32, #tpu.memory_space<vmem>> -> memref<2048xf32, #tpu.memory_space<vmem>>
          %parallel_loop3A_685 = tpu.vector_load_idx %parallel_loop3A_684[%parallel_loop3A_682] : memref<2048xf32, #tpu.memory_space<vmem>>[vector<16xi32>], vector<16xf32>,
          %parallel_loop3A_686 = arith.constant 2048 : i32
          %parallel_loop3A_687 = tpu.memref_slice %arg5[%parallel_loop3A_686] : memref<4384xf32, #tpu.memory_space<vmem>> -> memref<2048xf32, #tpu.memory_space<vmem>>
          %parallel_loop3A_688 = tpu.vector_load_idx %parallel_loop3A_687[%parallel_loop3A_682] : memref<2048xf32, #tpu.memory_space<vmem>>[vector<16xi32>], vector<16xf32>,
          %parallel_loop3A_689 = arith.constant 768 : i32
          %parallel_loop3A_690 = arith.addi %parallel_loop3A_309, %parallel_loop3A_689 : i32
          %parallel_loop3A_691 = arith.constant 2 : i32
          %parallel_loop3A_692 = arith.constant 0 : i32
          %parallel_loop3A_693 = arith.constant 0 : i32
          %parallel_loop3A_694 = arith.constant 0 : i32
          %parallel_loop3A_695 = tpu.memref_slice %run_scoped3A_8[%rem3A_199, %parallel_loop3A_692, %parallel_loop3A_693, %parallel_loop3A_694] : memref<2x4x8x1024xf32, #tpu.memory_space<vmem>> -> memref<1x4x8x1024xf32, #tpu.memory_space<vmem>>
          %parallel_loop3A_696 = tpu.memref_squeeze %parallel_loop3A_695 : memref<1x4x8x1024xf32, #tpu.memory_space<vmem>> -> memref<4x8x1024xf32, #tpu.memory_space<vmem>>
          %parallel_loop3A_697 = arith.index_cast %parallel_loop3A_691 : i32 to index
          %parallel_loop3A_698 = arith.index_cast %parallel_loop3A_305 : i32 to index
          %parallel_loop3A_699 = arith.index_cast %parallel_loop3A_690 : i32 to index
          %parallel_loop3A_700 = tpu.vector_load %parallel_loop3A_696[%parallel_loop3A_697, %parallel_loop3A_698, %parallel_loop3A_699] {strides = array<i32>} : memref<4x8x1024xf32, #tpu.memory_space<vmem>>, vector<16xf32>,
          tpu.vector_store %parallel_loop3A_696[%parallel_loop3A_697, %parallel_loop3A_698, %parallel_loop3A_699], %parallel_loop3A_685 {strides = array<i32>} : memref<4x8x1024xf32, #tpu.memory_space<vmem>>, vector<16xf32>,
          %parallel_loop3A_701 = arith.constant 896 : i32
          %parallel_loop3A_702 = arith.addi %parallel_loop3A_309, %parallel_loop3A_701 : i32
          %parallel_loop3A_703 = arith.constant 2 : i32
          %parallel_loop3A_704 = arith.constant 0 : i32
          %parallel_loop3A_705 = arith.constant 0 : i32
          %parallel_loop3A_706 = arith.constant 0 : i32
          %parallel_loop3A_707 = tpu.memref_slice %run_scoped3A_8[%rem3A_199, %parallel_loop3A_704, %parallel_loop3A_705, %parallel_loop3A_706] : memref<2x4x8x1024xf32, #tpu.memory_space<vmem>> -> memref<1x4x8x1024xf32, #tpu.memory_space<vmem>>
          %parallel_loop3A_708 = tpu.memref_squeeze %parallel_loop3A_707 : memref<1x4x8x1024xf32, #tpu.memory_space<vmem>> -> memref<4x8x1024xf32, #tpu.memory_space<vmem>>
          %parallel_loop3A_709 = arith.index_cast %parallel_loop3A_703 : i32 to index
          %parallel_loop3A_710 = arith.index_cast %parallel_loop3A_305 : i32 to index
          %parallel_loop3A_711 = arith.index_cast %parallel_loop3A_702 : i32 to index
          %parallel_loop3A_712 = tpu.vector_load %parallel_loop3A_708[%parallel_loop3A_709, %parallel_loop3A_710, %parallel_loop3A_711] {strides = array<i32>} : memref<4x8x1024xf32, #tpu.memory_space<vmem>>, vector<16xf32>,
          tpu.vector_store %parallel_loop3A_708[%parallel_loop3A_709, %parallel_loop3A_710, %parallel_loop3A_711], %parallel_loop3A_688 {strides = array<i32>} : memref<4x8x1024xf32, #tpu.memory_space<vmem>>, vector<16xf32>,
          %parallel_loop3A_713 = arith.mulf %parallel_loop3A_316, %get3A_224 : vector<16xf32>
          %parallel_loop3A_714 = arith.addf %parallel_loop3A_713, %broadcast_in_dim3A_235 : vector<16xf32>
          %parallel_loop3A_715 = arith.fptosi %parallel_loop3A_714 : vector<16xf32> to vector<16xi32>
          %parallel_loop3A_716 = arith.constant 0 : i32
          %parallel_loop3A_717 = tpu.memref_slice %arg5[%parallel_loop3A_716] : memref<4384xf32, #tpu.memory_space<vmem>> -> memref<2048xf32, #tpu.memory_space<vmem>>
          %parallel_loop3A_718 = tpu.vector_load_idx %parallel_loop3A_717[%parallel_loop3A_715] : memref<2048xf32, #tpu.memory_space<vmem>>[vector<16xi32>], vector<16xf32>,
          %parallel_loop3A_719 = arith.constant 2048 : i32
          %parallel_loop3A_720 = tpu.memref_slice %arg5[%parallel_loop3A_719] : memref<4384xf32, #tpu.memory_space<vmem>> -> memref<2048xf32, #tpu.memory_space<vmem>>
          %parallel_loop3A_721 = tpu.vector_load_idx %parallel_loop3A_720[%parallel_loop3A_715] : memref<2048xf32, #tpu.memory_space<vmem>>[vector<16xi32>], vector<16xf32>,
          %parallel_loop3A_722 = arith.constant 0 : i32
          %parallel_loop3A_723 = arith.addi %parallel_loop3A_309, %parallel_loop3A_722 : i32
          %parallel_loop3A_724 = arith.constant 3 : i32
          %parallel_loop3A_725 = arith.constant 0 : i32
          %parallel_loop3A_726 = arith.constant 0 : i32
          %parallel_loop3A_727 = arith.constant 0 : i32
          %parallel_loop3A_728 = tpu.memref_slice %run_scoped3A_8[%rem3A_199, %parallel_loop3A_725, %parallel_loop3A_726, %parallel_loop3A_727] : memref<2x4x8x1024xf32, #tpu.memory_space<vmem>> -> memref<1x4x8x1024xf32, #tpu.memory_space<vmem>>
          %parallel_loop3A_729 = tpu.memref_squeeze %parallel_loop3A_728 : memref<1x4x8x1024xf32, #tpu.memory_space<vmem>> -> memref<4x8x1024xf32, #tpu.memory_space<vmem>>
          %parallel_loop3A_730 = arith.index_cast %parallel_loop3A_724 : i32 to index
          %parallel_loop3A_731 = arith.index_cast %parallel_loop3A_305 : i32 to index
          %parallel_loop3A_732 = arith.index_cast %parallel_loop3A_723 : i32 to index
          %parallel_loop3A_733 = tpu.vector_load %parallel_loop3A_729[%parallel_loop3A_730, %parallel_loop3A_731, %parallel_loop3A_732] {strides = array<i32>} : memref<4x8x1024xf32, #tpu.memory_space<vmem>>, vector<16xf32>,
          tpu.vector_store %parallel_loop3A_729[%parallel_loop3A_730, %parallel_loop3A_731, %parallel_loop3A_732], %parallel_loop3A_718 {strides = array<i32>} : memref<4x8x1024xf32, #tpu.memory_space<vmem>>, vector<16xf32>,
          %parallel_loop3A_734 = arith.constant 128 : i32
          %parallel_loop3A_735 = arith.addi %parallel_loop3A_309, %parallel_loop3A_734 : i32
          %parallel_loop3A_736 = arith.constant 3 : i32
          %parallel_loop3A_737 = arith.constant 0 : i32
          %parallel_loop3A_738 = arith.constant 0 : i32
          %parallel_loop3A_739 = arith.constant 0 : i32
          %parallel_loop3A_740 = tpu.memref_slice %run_scoped3A_8[%rem3A_199, %parallel_loop3A_737, %parallel_loop3A_738, %parallel_loop3A_739] : memref<2x4x8x1024xf32, #tpu.memory_space<vmem>> -> memref<1x4x8x1024xf32, #tpu.memory_space<vmem>>
          %parallel_loop3A_741 = tpu.memref_squeeze %parallel_loop3A_740 : memref<1x4x8x1024xf32, #tpu.memory_space<vmem>> -> memref<4x8x1024xf32, #tpu.memory_space<vmem>>
          %parallel_loop3A_742 = arith.index_cast %parallel_loop3A_736 : i32 to index
          %parallel_loop3A_743 = arith.index_cast %parallel_loop3A_305 : i32 to index
          %parallel_loop3A_744 = arith.index_cast %parallel_loop3A_735 : i32 to index
          %parallel_loop3A_745 = tpu.vector_load %parallel_loop3A_741[%parallel_loop3A_742, %parallel_loop3A_743, %parallel_loop3A_744] {strides = array<i32>} : memref<4x8x1024xf32, #tpu.memory_space<vmem>>, vector<16xf32>,
          tpu.vector_store %parallel_loop3A_741[%parallel_loop3A_742, %parallel_loop3A_743, %parallel_loop3A_744], %parallel_loop3A_721 {strides = array<i32>} : memref<4x8x1024xf32, #tpu.memory_space<vmem>>, vector<16xf32>,
          %parallel_loop3A_746 = arith.mulf %parallel_loop3A_316, %get3A_226 : vector<16xf32>
          %parallel_loop3A_747 = arith.addf %parallel_loop3A_746, %broadcast_in_dim3A_235 : vector<16xf32>
          %parallel_loop3A_748 = arith.fptosi %parallel_loop3A_747 : vector<16xf32> to vector<16xi32>
          %parallel_loop3A_749 = arith.constant 0 : i32
          %parallel_loop3A_750 = tpu.memref_slice %arg5[%parallel_loop3A_749] : memref<4384xf32, #tpu.memory_space<vmem>> -> memref<2048xf32, #tpu.memory_space<vmem>>
          %parallel_loop3A_751 = tpu.vector_load_idx %parallel_loop3A_750[%parallel_loop3A_748] : memref<2048xf32, #tpu.memory_space<vmem>>[vector<16xi32>], vector<16xf32>,
          %parallel_loop3A_752 = arith.constant 2048 : i32
          %parallel_loop3A_753 = tpu.memref_slice %arg5[%parallel_loop3A_752] : memref<4384xf32, #tpu.memory_space<vmem>> -> memref<2048xf32, #tpu.memory_space<vmem>>
          %parallel_loop3A_754 = tpu.vector_load_idx %parallel_loop3A_753[%parallel_loop3A_748] : memref<2048xf32, #tpu.memory_space<vmem>>[vector<16xi32>], vector<16xf32>,
          %parallel_loop3A_755 = arith.constant 256 : i32
          %parallel_loop3A_756 = arith.addi %parallel_loop3A_309, %parallel_loop3A_755 : i32
          %parallel_loop3A_757 = arith.constant 3 : i32
          %parallel_loop3A_758 = arith.constant 0 : i32
          %parallel_loop3A_759 = arith.constant 0 : i32
          %parallel_loop3A_760 = arith.constant 0 : i32
          %parallel_loop3A_761 = tpu.memref_slice %run_scoped3A_8[%rem3A_199, %parallel_loop3A_758, %parallel_loop3A_759, %parallel_loop3A_760] : memref<2x4x8x1024xf32, #tpu.memory_space<vmem>> -> memref<1x4x8x1024xf32, #tpu.memory_space<vmem>>
          %parallel_loop3A_762 = tpu.memref_squeeze %parallel_loop3A_761 : memref<1x4x8x1024xf32, #tpu.memory_space<vmem>> -> memref<4x8x1024xf32, #tpu.memory_space<vmem>>
          %parallel_loop3A_763 = arith.index_cast %parallel_loop3A_757 : i32 to index
          %parallel_loop3A_764 = arith.index_cast %parallel_loop3A_305 : i32 to index
          %parallel_loop3A_765 = arith.index_cast %parallel_loop3A_756 : i32 to index
          %parallel_loop3A_766 = tpu.vector_load %parallel_loop3A_762[%parallel_loop3A_763, %parallel_loop3A_764, %parallel_loop3A_765] {strides = array<i32>} : memref<4x8x1024xf32, #tpu.memory_space<vmem>>, vector<16xf32>,
          tpu.vector_store %parallel_loop3A_762[%parallel_loop3A_763, %parallel_loop3A_764, %parallel_loop3A_765], %parallel_loop3A_751 {strides = array<i32>} : memref<4x8x1024xf32, #tpu.memory_space<vmem>>, vector<16xf32>,
          %parallel_loop3A_767 = arith.constant 384 : i32
          %parallel_loop3A_768 = arith.addi %parallel_loop3A_309, %parallel_loop3A_767 : i32
          %parallel_loop3A_769 = arith.constant 3 : i32
          %parallel_loop3A_770 = arith.constant 0 : i32
          %parallel_loop3A_771 = arith.constant 0 : i32
          %parallel_loop3A_772 = arith.constant 0 : i32
          %parallel_loop3A_773 = tpu.memref_slice %run_scoped3A_8[%rem3A_199, %parallel_loop3A_770, %parallel_loop3A_771, %parallel_loop3A_772] : memref<2x4x8x1024xf32, #tpu.memory_space<vmem>> -> memref<1x4x8x1024xf32, #tpu.memory_space<vmem>>
          %parallel_loop3A_774 = tpu.memref_squeeze %parallel_loop3A_773 : memref<1x4x8x1024xf32, #tpu.memory_space<vmem>> -> memref<4x8x1024xf32, #tpu.memory_space<vmem>>
          %parallel_loop3A_775 = arith.index_cast %parallel_loop3A_769 : i32 to index
          %parallel_loop3A_776 = arith.index_cast %parallel_loop3A_305 : i32 to index
          %parallel_loop3A_777 = arith.index_cast %parallel_loop3A_768 : i32 to index
          %parallel_loop3A_778 = tpu.vector_load %parallel_loop3A_774[%parallel_loop3A_775, %parallel_loop3A_776, %parallel_loop3A_777] {strides = array<i32>} : memref<4x8x1024xf32, #tpu.memory_space<vmem>>, vector<16xf32>,
          tpu.vector_store %parallel_loop3A_774[%parallel_loop3A_775, %parallel_loop3A_776, %parallel_loop3A_777], %parallel_loop3A_754 {strides = array<i32>} : memref<4x8x1024xf32, #tpu.memory_space<vmem>>, vector<16xf32>,
          %parallel_loop3A_779 = arith.mulf %parallel_loop3A_316, %get3A_228 : vector<16xf32>
          %parallel_loop3A_780 = arith.addf %parallel_loop3A_779, %broadcast_in_dim3A_235 : vector<16xf32>
          %parallel_loop3A_781 = arith.fptosi %parallel_loop3A_780 : vector<16xf32> to vector<16xi32>
          %parallel_loop3A_782 = arith.constant 0 : i32
          %parallel_loop3A_783 = tpu.memref_slice %arg5[%parallel_loop3A_782] : memref<4384xf32, #tpu.memory_space<vmem>> -> memref<2048xf32, #tpu.memory_space<vmem>>
          %parallel_loop3A_784 = tpu.vector_load_idx %parallel_loop3A_783[%parallel_loop3A_781] : memref<2048xf32, #tpu.memory_space<vmem>>[vector<16xi32>], vector<16xf32>,
          %parallel_loop3A_785 = arith.constant 2048 : i32
          %parallel_loop3A_786 = tpu.memref_slice %arg5[%parallel_loop3A_785] : memref<4384xf32, #tpu.memory_space<vmem>> -> memref<2048xf32, #tpu.memory_space<vmem>>
          %parallel_loop3A_787 = tpu.vector_load_idx %parallel_loop3A_786[%parallel_loop3A_781] : memref<2048xf32, #tpu.memory_space<vmem>>[vector<16xi32>], vector<16xf32>,
          %parallel_loop3A_788 = arith.constant 512 : i32
          %parallel_loop3A_789 = arith.addi %parallel_loop3A_309, %parallel_loop3A_788 : i32
          %parallel_loop3A_790 = arith.constant 3 : i32
          %parallel_loop3A_791 = arith.constant 0 : i32
          %parallel_loop3A_792 = arith.constant 0 : i32
          %parallel_loop3A_793 = arith.constant 0 : i32
          %parallel_loop3A_794 = tpu.memref_slice %run_scoped3A_8[%rem3A_199, %parallel_loop3A_791, %parallel_loop3A_792, %parallel_loop3A_793] : memref<2x4x8x1024xf32, #tpu.memory_space<vmem>> -> memref<1x4x8x1024xf32, #tpu.memory_space<vmem>>
          %parallel_loop3A_795 = tpu.memref_squeeze %parallel_loop3A_794 : memref<1x4x8x1024xf32, #tpu.memory_space<vmem>> -> memref<4x8x1024xf32, #tpu.memory_space<vmem>>
          %parallel_loop3A_796 = arith.index_cast %parallel_loop3A_790 : i32 to index
          %parallel_loop3A_797 = arith.index_cast %parallel_loop3A_305 : i32 to index
          %parallel_loop3A_798 = arith.index_cast %parallel_loop3A_789 : i32 to index
          %parallel_loop3A_799 = tpu.vector_load %parallel_loop3A_795[%parallel_loop3A_796, %parallel_loop3A_797, %parallel_loop3A_798] {strides = array<i32>} : memref<4x8x1024xf32, #tpu.memory_space<vmem>>, vector<16xf32>,
          tpu.vector_store %parallel_loop3A_795[%parallel_loop3A_796, %parallel_loop3A_797, %parallel_loop3A_798], %parallel_loop3A_784 {strides = array<i32>} : memref<4x8x1024xf32, #tpu.memory_space<vmem>>, vector<16xf32>,
          %parallel_loop3A_800 = arith.constant 640 : i32
          %parallel_loop3A_801 = arith.addi %parallel_loop3A_309, %parallel_loop3A_800 : i32
          %parallel_loop3A_802 = arith.constant 3 : i32
          %parallel_loop3A_803 = arith.constant 0 : i32
          %parallel_loop3A_804 = arith.constant 0 : i32
          %parallel_loop3A_805 = arith.constant 0 : i32
          %parallel_loop3A_806 = tpu.memref_slice %run_scoped3A_8[%rem3A_199, %parallel_loop3A_803, %parallel_loop3A_804, %parallel_loop3A_805] : memref<2x4x8x1024xf32, #tpu.memory_space<vmem>> -> memref<1x4x8x1024xf32, #tpu.memory_space<vmem>>
          %parallel_loop3A_807 = tpu.memref_squeeze %parallel_loop3A_806 : memref<1x4x8x1024xf32, #tpu.memory_space<vmem>> -> memref<4x8x1024xf32, #tpu.memory_space<vmem>>
          %parallel_loop3A_808 = arith.index_cast %parallel_loop3A_802 : i32 to index
          %parallel_loop3A_809 = arith.index_cast %parallel_loop3A_305 : i32 to index
          %parallel_loop3A_810 = arith.index_cast %parallel_loop3A_801 : i32 to index
          %parallel_loop3A_811 = tpu.vector_load %parallel_loop3A_807[%parallel_loop3A_808, %parallel_loop3A_809, %parallel_loop3A_810] {strides = array<i32>} : memref<4x8x1024xf32, #tpu.memory_space<vmem>>, vector<16xf32>,
          tpu.vector_store %parallel_loop3A_807[%parallel_loop3A_808, %parallel_loop3A_809, %parallel_loop3A_810], %parallel_loop3A_787 {strides = array<i32>} : memref<4x8x1024xf32, #tpu.memory_space<vmem>>, vector<16xf32>,
          %parallel_loop3A_812 = arith.mulf %parallel_loop3A_316, %get3A_230 : vector<16xf32>
          %parallel_loop3A_813 = arith.addf %parallel_loop3A_812, %broadcast_in_dim3A_235 : vector<16xf32>
          %parallel_loop3A_814 = arith.fptosi %parallel_loop3A_813 : vector<16xf32> to vector<16xi32>
          %parallel_loop3A_815 = arith.constant 0 : i32
          %parallel_loop3A_816 = tpu.memref_slice %arg5[%parallel_loop3A_815] : memref<4384xf32, #tpu.memory_space<vmem>> -> memref<2048xf32, #tpu.memory_space<vmem>>
          %parallel_loop3A_817 = tpu.vector_load_idx %parallel_loop3A_816[%parallel_loop3A_814] : memref<2048xf32, #tpu.memory_space<vmem>>[vector<16xi32>], vector<16xf32>,
          %parallel_loop3A_818 = arith.constant 2048 : i32
          %parallel_loop3A_819 = tpu.memref_slice %arg5[%parallel_loop3A_818] : memref<4384xf32, #tpu.memory_space<vmem>> -> memref<2048xf32, #tpu.memory_space<vmem>>
          %parallel_loop3A_820 = tpu.vector_load_idx %parallel_loop3A_819[%parallel_loop3A_814] : memref<2048xf32, #tpu.memory_space<vmem>>[vector<16xi32>], vector<16xf32>,
          %parallel_loop3A_821 = arith.constant 768 : i32
          %parallel_loop3A_822 = arith.addi %parallel_loop3A_309, %parallel_loop3A_821 : i32
          %parallel_loop3A_823 = arith.constant 3 : i32
          %parallel_loop3A_824 = arith.constant 0 : i32
          %parallel_loop3A_825 = arith.constant 0 : i32
          %parallel_loop3A_826 = arith.constant 0 : i32
          %parallel_loop3A_827 = tpu.memref_slice %run_scoped3A_8[%rem3A_199, %parallel_loop3A_824, %parallel_loop3A_825, %parallel_loop3A_826] : memref<2x4x8x1024xf32, #tpu.memory_space<vmem>> -> memref<1x4x8x1024xf32, #tpu.memory_space<vmem>>
          %parallel_loop3A_828 = tpu.memref_squeeze %parallel_loop3A_827 : memref<1x4x8x1024xf32, #tpu.memory_space<vmem>> -> memref<4x8x1024xf32, #tpu.memory_space<vmem>>
          %parallel_loop3A_829 = arith.index_cast %parallel_loop3A_823 : i32 to index
          %parallel_loop3A_830 = arith.index_cast %parallel_loop3A_305 : i32 to index
          %parallel_loop3A_831 = arith.index_cast %parallel_loop3A_822 : i32 to index
          %parallel_loop3A_832 = tpu.vector_load %parallel_loop3A_828[%parallel_loop3A_829, %parallel_loop3A_830, %parallel_loop3A_831] {strides = array<i32>} : memref<4x8x1024xf32, #tpu.memory_space<vmem>>, vector<16xf32>,
          tpu.vector_store %parallel_loop3A_828[%parallel_loop3A_829, %parallel_loop3A_830, %parallel_loop3A_831], %parallel_loop3A_817 {strides = array<i32>} : memref<4x8x1024xf32, #tpu.memory_space<vmem>>, vector<16xf32>,
          %parallel_loop3A_833 = arith.constant 896 : i32
          %parallel_loop3A_834 = arith.addi %parallel_loop3A_309, %parallel_loop3A_833 : i32
          %parallel_loop3A_835 = arith.constant 3 : i32
          %parallel_loop3A_836 = arith.constant 0 : i32
          %parallel_loop3A_837 = arith.constant 0 : i32
          %parallel_loop3A_838 = arith.constant 0 : i32
          %parallel_loop3A_839 = tpu.memref_slice %run_scoped3A_8[%rem3A_199, %parallel_loop3A_836, %parallel_loop3A_837, %parallel_loop3A_838] : memref<2x4x8x1024xf32, #tpu.memory_space<vmem>> -> memref<1x4x8x1024xf32, #tpu.memory_space<vmem>>
          %parallel_loop3A_840 = tpu.memref_squeeze %parallel_loop3A_839 : memref<1x4x8x1024xf32, #tpu.memory_space<vmem>> -> memref<4x8x1024xf32, #tpu.memory_space<vmem>>
          %parallel_loop3A_841 = arith.index_cast %parallel_loop3A_835 : i32 to index
          %parallel_loop3A_842 = arith.index_cast %parallel_loop3A_305 : i32 to index
          %parallel_loop3A_843 = arith.index_cast %parallel_loop3A_834 : i32 to index
          %parallel_loop3A_844 = tpu.vector_load %parallel_loop3A_840[%parallel_loop3A_841, %parallel_loop3A_842, %parallel_loop3A_843] {strides = array<i32>} : memref<4x8x1024xf32, #tpu.memory_space<vmem>>, vector<16xf32>,
          tpu.vector_store %parallel_loop3A_840[%parallel_loop3A_841, %parallel_loop3A_842, %parallel_loop3A_843], %parallel_loop3A_820 {strides = array<i32>} : memref<4x8x1024xf32, #tpu.memory_space<vmem>>, vector<16xf32>,
        } {sc.loop_unroll_factor = 4 : i64, sc.parallel_access}
        "tpu.trace_stop"() : () -> ()
        %ne3A_238 = arith.cmpi ne, %add3A_131, %add3A_149 : i32
        %or3A_239 = arith.constant false
        %or3A_240 = arith.ori %or3A_239, %ne3A_238 : i1
        %or3A_241 = arith.ori %or3A_240, %eq3A_130 : i1
        %convert_element_type3A_242 = arith.extui %or3A_241 : i1 to i32
        %cond3A_243 = arith.constant 0 : i32
        %cond3A_244 = arith.cmpi ne, %convert_element_type3A_242, %cond3A_243 : i32
        scf.if %cond3A_244 {
        } else {
        }
        %and3A_245 = arith.constant false
        %and3A_246 = arith.andi %or3A_241, %and3A_245 : i1
        %ne3A_247 = arith.cmpi ne, %add3A_131, %add3A_149 : i32
        %or3A_248 = arith.constant false
        %or3A_249 = arith.ori %or3A_248, %ne3A_247 : i1
        %or3A_250 = arith.constant false
        %or3A_251 = arith.ori %or3A_249, %or3A_250 : i1
        %or3A_252 = arith.ori %or3A_251, %eq3A_130 : i1
        %convert_element_type3A_253 = arith.extui %or3A_252 : i1 to i32
        %cond3A_254 = arith.constant 0 : i32
        %cond3A_255 = arith.cmpi ne, %convert_element_type3A_253, %cond3A_254 : i32
        scf.if %cond3A_255 {
          "tpu.trace_start"() <{level = 10 : i32, message = "ep_copy_out"}> : () -> ()
          %rem3A_303 = arith.constant 2 : i32
          %rem3A_304 = arith.remui %scan3A_124, %rem3A_303 : i32
          %mul3A_305 = arith.constant 8 : i32
          %mul3A_306 = arith.muli %mul3A_305, %add3A_131 : i32
          %dma_start3A_307 = arith.constant 0 : i32
          %dma_start3A_308 = arith.constant 0 : i32
          %dma_start3A_309 = arith.constant 0 : i32
          %dma_start3A_310 = tpu.memref_slice %run_scoped3A_8[%rem3A_304, %dma_start3A_307, %dma_start3A_308, %dma_start3A_309] : memref<2x4x8x1024xf32, #tpu.memory_space<vmem>> -> memref<1x4x8x1024xf32, #tpu.memory_space<vmem>>
          %dma_start3A_311 = tpu.memref_squeeze %dma_start3A_310 : memref<1x4x8x1024xf32, #tpu.memory_space<vmem>> -> memref<4x8x1024xf32, #tpu.memory_space<vmem>>
          %dma_start3A_312 = arith.constant 0 : i32
          %dma_start3A_313 = arith.constant 0 : i32
          %dma_start3A_314 = tpu.memref_slice %arg4[%dma_start3A_312, %mul3A_306, %dma_start3A_313] : memref<4x8192x1024xf32, #tpu.memory_space<hbm>> -> memref<4x8x1024xf32, #tpu.memory_space<hbm>>
          %dma_start3A_315 = tpu.memref_slice %run_scoped3A_9[%rem3A_304] : memref<2x!tpu.dma_semaphore, #tpu.memory_space<semaphore_mem>> -> memref<1x!tpu.dma_semaphore, #tpu.memory_space<semaphore_mem>>
          %dma_start3A_316 = tpu.memref_squeeze %dma_start3A_315 : memref<1x!tpu.dma_semaphore, #tpu.memory_space<semaphore_mem>> -> memref<!tpu.dma_semaphore, #tpu.memory_space<semaphore_mem>>
          %dma_start3A_317 = arith.constant 0 : i32
          %dma_start3A_318 = arith.constant 0 : i32
          %dma_start3A_319 = tpu.memref_slice %arg4[%dma_start3A_317, %mul3A_306, %dma_start3A_318] : memref<4x8192x1024xf32, #tpu.memory_space<hbm>> -> memref<4x8x1024xf32, #tpu.memory_space<hbm>>
          %dma_start3A_320 = arith.constant 0 : i32
          %dma_start3A_321 = arith.constant 0 : i32
          %dma_start3A_322 = arith.constant 0 : i32
          %dma_start3A_323 = tpu.memref_slice %run_scoped3A_8[%rem3A_304, %dma_start3A_320, %dma_start3A_321, %dma_start3A_322] : memref<2x4x8x1024xf32, #tpu.memory_space<vmem>> -> memref<1x4x8x1024xf32, #tpu.memory_space<vmem>>
          %dma_start3A_324 = tpu.memref_squeeze %dma_start3A_323 : memref<1x4x8x1024xf32, #tpu.memory_space<vmem>> -> memref<4x8x1024xf32, #tpu.memory_space<vmem>>
          tpu.enqueue_dma source(%dma_start3A_324 : memref<4x8x1024xf32, #tpu.memory_space<vmem>>) target(%dma_start3A_319 : memref<4x8x1024xf32, #tpu.memory_space<hbm>>) target_semaphore(%dma_start3A_316 : memref<!tpu.dma_semaphore, #tpu.memory_space<semaphore_mem>>)
          "tpu.trace_stop"() : () -> ()
        } else {
        }
        %and3A_256 = arith.constant true
        %and3A_257 = arith.andi %or3A_252, %and3A_256 : i1
        %add3A_258 = arith.constant 1 : i32
        %add3A_259 = arith.addi %scan3A_124, %add3A_258 : i32
        %select_n3A_260 = arith.select %and3A_257, %add3A_259, %scan3A_124 : i32
        %ne3A_261 = arith.cmpi ne, %add3A_131, %add3A_140 : i32
        %or3A_262 = arith.constant false
        %or3A_263 = arith.ori %or3A_262, %ne3A_261 : i1
        %not3A_264 = arith.constant true
        %not3A_265 = arith.xori %eq3A_128, %not3A_264 : i1
        %and3A_266 = arith.andi %or3A_263, %not3A_265 : i1
        %convert_element_type3A_267 = arith.extui %and3A_266 : i1 to i32
        %cond3A_268 = arith.constant 0 : i32
        %cond3A_269 = arith.cmpi ne, %convert_element_type3A_267, %cond3A_268 : i32
        scf.if %cond3A_269 {
        } else {
        }
        %and3A_270 = arith.constant false
        %and3A_271 = arith.andi %and3A_266, %and3A_270 : i1
        %ne3A_272 = arith.cmpi ne, %add3A_131, %add3A_140 : i32
        %or3A_273 = arith.constant false
        %or3A_274 = arith.ori %or3A_273, %ne3A_272 : i1
        %or3A_275 = arith.constant false
        %or3A_276 = arith.ori %or3A_274, %or3A_275 : i1
        %not3A_277 = arith.constant true
        %not3A_278 = arith.xori %eq3A_128, %not3A_277 : i1
        %and3A_279 = arith.andi %or3A_276, %not3A_278 : i1
        %convert_element_type3A_280 = arith.extui %and3A_279 : i1 to i32
        %cond3A_281 = arith.constant 0 : i32
        %cond3A_282 = arith.cmpi ne, %convert_element_type3A_280, %cond3A_281 : i32
        scf.if %cond3A_282 {
          "tpu.trace_start"() <{level = 10 : i32, message = "ep_wait_out"}> : () -> ()
          %rem3A_303 = arith.constant 2 : i32
          %rem3A_304 = arith.remui %scan3A_125, %rem3A_303 : i32
          %mul3A_305 = arith.constant 8 : i32
          %mul3A_306 = arith.muli %mul3A_305, %add3A_140 : i32
          %dma_wait3A_307 = arith.constant 0 : i32
          %dma_wait3A_308 = arith.constant 0 : i32
          %dma_wait3A_309 = arith.constant 0 : i32
          %dma_wait3A_310 = tpu.memref_slice %run_scoped3A_8[%rem3A_304, %dma_wait3A_307, %dma_wait3A_308, %dma_wait3A_309] : memref<2x4x8x1024xf32, #tpu.memory_space<vmem>> -> memref<1x4x8x1024xf32, #tpu.memory_space<vmem>>
          %dma_wait3A_311 = tpu.memref_squeeze %dma_wait3A_310 : memref<1x4x8x1024xf32, #tpu.memory_space<vmem>> -> memref<4x8x1024xf32, #tpu.memory_space<vmem>>
          %dma_wait3A_312 = arith.constant 0 : i32
          %dma_wait3A_313 = arith.constant 0 : i32
          %dma_wait3A_314 = tpu.memref_slice %arg4[%dma_wait3A_312, %mul3A_306, %dma_wait3A_313] : memref<4x8192x1024xf32, #tpu.memory_space<hbm>> -> memref<4x8x1024xf32, #tpu.memory_space<hbm>>
          %dma_wait3A_315 = tpu.memref_slice %run_scoped3A_9[%rem3A_304] : memref<2x!tpu.dma_semaphore, #tpu.memory_space<semaphore_mem>> -> memref<1x!tpu.dma_semaphore, #tpu.memory_space<semaphore_mem>>
          %dma_wait3A_316 = tpu.memref_squeeze %dma_wait3A_315 : memref<1x!tpu.dma_semaphore, #tpu.memory_space<semaphore_mem>> -> memref<!tpu.dma_semaphore, #tpu.memory_space<semaphore_mem>>
          %dma_wait3A_317 = arith.constant 0 : i32
          %dma_wait3A_318 = arith.constant 0 : i32
          %dma_wait3A_319 = tpu.memref_slice %arg4[%dma_wait3A_317, %mul3A_306, %dma_wait3A_318] : memref<4x8192x1024xf32, #tpu.memory_space<hbm>> -> memref<4x8x1024xf32, #tpu.memory_space<hbm>>
          %dma_wait3A_320 = arith.constant 0 : i32
          %dma_wait3A_321 = arith.constant 0 : i32
          %dma_wait3A_322 = arith.constant 0 : i32
          %dma_wait3A_323 = tpu.memref_slice %run_scoped3A_8[%rem3A_304, %dma_wait3A_320, %dma_wait3A_321, %dma_wait3A_322] : memref<2x4x8x1024xf32, #tpu.memory_space<vmem>> -> memref<1x4x8x1024xf32, #tpu.memory_space<vmem>>
          %dma_wait3A_324 = tpu.memref_squeeze %dma_wait3A_323 : memref<1x4x8x1024xf32, #tpu.memory_space<vmem>> -> memref<4x8x1024xf32, #tpu.memory_space<vmem>>
          tpu.wait_dma2 semaphore(%dma_wait3A_316 : memref<!tpu.dma_semaphore, #tpu.memory_space<semaphore_mem>>) src(%dma_wait3A_324 : memref<4x8x1024xf32, #tpu.memory_space<vmem>>) dst(%dma_wait3A_319 : memref<4x8x1024xf32, #tpu.memory_space<hbm>>)
          "tpu.trace_stop"() : () -> ()
        } else {
        }
        %and3A_283 = arith.constant true
        %and3A_284 = arith.andi %and3A_279, %and3A_283 : i1
        %add3A_285 = arith.constant 1 : i32
        %add3A_286 = arith.addi %scan3A_125, %add3A_285 : i32
        %select_n3A_287 = arith.select %and3A_284, %add3A_286, %scan3A_125 : i32
        %ne3A_288 = arith.cmpi ne, %add3A_131, %add3A_149 : i32
        %or3A_289 = arith.constant false
        %or3A_290 = arith.ori %or3A_289, %ne3A_288 : i1
        %or3A_291 = arith.ori %or3A_290, %eq3A_130 : i1
        %add3A_292 = arith.constant 1 : i32
        %add3A_293 = arith.addi %scan3A_123, %add3A_292 : i32
        %select_n3A_294 = arith.select %or3A_291, %add3A_293, %scan3A_123 : i32
        %add3A_295 = arith.constant 1 : i32
        %add3A_296 = arith.addi %scan3A_126, %add3A_295 : i32
        %select_n3A_297 = arith.constant true
        %select_n3A_298 = arith.select %select_n3A_297, %add3A_296, %scan3A_126 : i32
        %eq3A_299 = arith.constant 32 : i32
        %eq3A_300 = arith.cmpi eq, %select_n3A_298, %eq3A_299 : i32
        %select_n3A_301 = arith.constant 0 : i32
        %select_n3A_302 = arith.select %eq3A_300, %select_n3A_301, %select_n3A_298 : i32
        scf.yield %select_n3A_167, %select_n3A_294, %select_n3A_260, %select_n3A_287, %select_n3A_302 : i32, i32, i32, i32, i32
      }
      %scan3A_64 = arith.constant 32 : i32
      %sub3A = arith.constant 1 : i32
      %sub3A_65 = arith.subi %scan3A_63#4, %sub3A : i32
      %select_n3A_66 = arith.constant true
      %select_n3A_67 = arith.select %select_n3A_66, %sub3A_65, %scan3A_63#4 : i32
      %eq3A_68 = arith.constant -1 : i32
      %eq3A_69 = arith.cmpi eq, %select_n3A_67, %eq3A_68 : i32
      %select_n3A_70 = arith.constant 31 : i32
      %select_n3A_71 = arith.select %eq3A_69, %select_n3A_70, %select_n3A_67 : i32
      %add3A_72 = arith.addi %select_n3A_71, %mul3A_6 : i32
      %sub3A_73 = arith.constant 1 : i32
      %sub3A_74 = arith.subi %select_n3A_71, %sub3A_73 : i32
      %select_n3A_75 = arith.constant true
      %select_n3A_76 = arith.select %select_n3A_75, %sub3A_74, %select_n3A_71 : i32
      %eq3A_77 = arith.constant -1 : i32
      %eq3A_78 = arith.cmpi eq, %select_n3A_76, %eq3A_77 : i32
      %select_n3A_79 = arith.constant 31 : i32
      %select_n3A_80 = arith.select %eq3A_78, %select_n3A_79, %select_n3A_76 : i32
      %add3A_81 = arith.addi %select_n3A_80, %mul3A_6 : i32
      %add3A_82 = arith.constant 1 : i32
      %add3A_83 = arith.addi %select_n3A_71, %add3A_82 : i32
      %select_n3A_84 = arith.constant true
      %select_n3A_85 = arith.select %select_n3A_84, %add3A_83, %select_n3A_71 : i32
      %eq3A_86 = arith.constant 32 : i32
      %eq3A_87 = arith.cmpi eq, %select_n3A_85, %eq3A_86 : i32
      %select_n3A_88 = arith.constant 0 : i32
      %select_n3A_89 = arith.select %eq3A_87, %select_n3A_88, %select_n3A_85 : i32
      %add3A_90 = arith.addi %select_n3A_89, %mul3A_6 : i32
      %add3A_91 = arith.constant 1 : i32
      %add3A_92 = arith.addi %select_n3A_89, %add3A_91 : i32
      %select_n3A_93 = arith.constant true
      %select_n3A_94 = arith.select %select_n3A_93, %add3A_92, %select_n3A_89 : i32
      %eq3A_95 = arith.constant 32 : i32
      %eq3A_96 = arith.cmpi eq, %select_n3A_94, %eq3A_95 : i32
      %select_n3A_97 = arith.constant 0 : i32
      %select_n3A_98 = arith.select %eq3A_96, %select_n3A_97, %select_n3A_94 : i32
      %add3A_99 = arith.addi %select_n3A_98, %mul3A_6 : i32
      "tpu.trace_start"() <{level = 10 : i32, message = "ep_finalize"}> : () -> ()
      %rem3A_100 = arith.constant 2 : i32
      %rem3A_101 = arith.remui %scan3A_63#3, %rem3A_100 : i32
      %mul3A_102 = arith.constant 8 : i32
      %mul3A_103 = arith.muli %mul3A_102, %add3A_72 : i32
      %dma_wait3A = arith.constant 0 : i32
      %dma_wait3A_104 = arith.constant 0 : i32
      %dma_wait3A_105 = arith.constant 0 : i32
      %dma_wait3A_106 = tpu.memref_slice %run_scoped3A_8[%rem3A_101, %dma_wait3A, %dma_wait3A_104, %dma_wait3A_105] : memref<2x4x8x1024xf32, #tpu.memory_space<vmem>> -> memref<1x4x8x1024xf32, #tpu.memory_space<vmem>>
      %dma_wait3A_107 = tpu.memref_squeeze %dma_wait3A_106 : memref<1x4x8x1024xf32, #tpu.memory_space<vmem>> -> memref<4x8x1024xf32, #tpu.memory_space<vmem>>
      %dma_wait3A_108 = arith.constant 0 : i32
      %dma_wait3A_109 = arith.constant 0 : i32
      %dma_wait3A_110 = tpu.memref_slice %arg4[%dma_wait3A_108, %mul3A_103, %dma_wait3A_109] : memref<4x8192x1024xf32, #tpu.memory_space<hbm>> -> memref<4x8x1024xf32, #tpu.memory_space<hbm>>
      %dma_wait3A_111 = tpu.memref_slice %run_scoped3A_9[%rem3A_101] : memref<2x!tpu.dma_semaphore, #tpu.memory_space<semaphore_mem>> -> memref<1x!tpu.dma_semaphore, #tpu.memory_space<semaphore_mem>>
      %dma_wait3A_112 = tpu.memref_squeeze %dma_wait3A_111 : memref<1x!tpu.dma_semaphore, #tpu.memory_space<semaphore_mem>> -> memref<!tpu.dma_semaphore, #tpu.memory_space<semaphore_mem>>
      %dma_wait3A_113 = arith.constant 0 : i32
      %dma_wait3A_114 = arith.constant 0 : i32
      %dma_wait3A_115 = tpu.memref_slice %arg4[%dma_wait3A_113, %mul3A_103, %dma_wait3A_114] : memref<4x8192x1024xf32, #tpu.memory_space<hbm>> -> memref<4x8x1024xf32, #tpu.memory_space<hbm>>
      %dma_wait3A_116 = arith.constant 0 : i32
      %dma_wait3A_117 = arith.constant 0 : i32
      %dma_wait3A_118 = arith.constant 0 : i32
      %dma_wait3A_119 = tpu.memref_slice %run_scoped3A_8[%rem3A_101, %dma_wait3A_116, %dma_wait3A_117, %dma_wait3A_118] : memref<2x4x8x1024xf32, #tpu.memory_space<vmem>> -> memref<1x4x8x1024xf32, #tpu.memory_space<vmem>>
      %dma_wait3A_120 = tpu.memref_squeeze %dma_wait3A_119 : memref<1x4x8x1024xf32, #tpu.memory_space<vmem>> -> memref<4x8x1024xf32, #tpu.memory_space<vmem>>
      tpu.wait_dma2 semaphore(%dma_wait3A_112 : memref<!tpu.dma_semaphore, #tpu.memory_space<semaphore_mem>>) src(%dma_wait3A_120 : memref<4x8x1024xf32, #tpu.memory_space<vmem>>) dst(%dma_wait3A_115 : memref<4x8x1024xf32, #tpu.memory_space<hbm>>)
      "tpu.trace_stop"() : () -> ()
      tpu.yield
    }) : () -> ()
    return
  }
}

</mosaic_0001>

<sc_bundles>
// kernel: kernel.3.cloned.1.call-start
scs
__scs_entry_jumppad:
0x0: {  	(pc) =	sbr.rel $0x88, $3  }
0x1: {  	(tag) =	ssettag $0x0;
	lr =	simm.s32 $0x1  }
0x2: {  	[smem:$0x3F9E] =	sst lr;
	_ =	strace $0xD0000000  }
0x3: {  	_ = 	snop  }
0x4: {  	_ = 	snop  }
0x5: {  	_ = 	snop  }
0x6: {  	_ = 	snop  }
0x7: {  	_ = 	snop  }
__scs_overlays_trampoline_lowered:
0x8: {  	[smem:$0x3FAD] =	sst s0  }
0x9: {  	[smem:$0x3FAE] =	sst s1  }
0xa: {  	[smem:$0x3FAF] =	sst s2  }
0xb: {  	[smem:$0x3FB0] =	sst s3  }
0xc: {  	[smem:$0x3FB1] =	sst s4  }
0xd: {  	[smem:$0x3FB2] =	sst s5  }
0xe: {  	[smem:$0x3FB3] =	sst s6  }
0xf: {  	[smem:$0x3FB4] =	sst s7  }
0x10: {  	[smem:$0x3FB5] =	sst s8  }
0x11: {  	[smem:$0x3FB6] =	sst s9;
	s0 =	simm.s32 @!p0 $0x0  }
0x12: {  	s1 =	sld [smem:$0x3F9C];
	s0 =	simm.s32 @p0 $0x1  }
0x13: {  	[smem:$0x3FB7] =	sst s0;
	s0 =	simm.s32 @!p1 $0x0  }
0x14: {  	s2 =	sld [smem:$0x3F9B];
	s0 =	simm.s32 @p1 $0x1  }
0x15: {  	[smem:$0x3FB8] =	sst s0;
	s0 =	simm.s32 @!p2 $0x0  }
0x16: {  	s3 =	sld [smem:$0x3FDB];
	s0 =	simm.s32 @p2 $0x1  }
0x17: {  	s4 =	simm.s32 $0x1BF5;
	[smem:$0x3FBA] =	sst s0  }
0x18: {  	s0 =	sld [smem:$0x3F9D];
	_ =	swait.ge [sflag:s4], $0x0  }
0x19: {  	s7 =	sld [smem:$0x3F9E]  }
0x1a: {  	s8 =	sadd.s32 $0xFFFFE003, lr  }
0x1b: {  	s9 =	sadd.s32 $0xFFFFFEF7, lr;
	s5 =	simm.s32 $0xFFFFFFFF;
	p2 =	slt.u32 s8, $0xFFFFF086  }
0x1c: {  	p1 =	slt.u32 s9, $0xF7A;
	s5 =	simm.s32 @!p2 $0x0  }
0x1d: {  	s5 =	simm.s32 @p1 $0x1;
	p0 =	seq.s32 s7, s2  }
0x1e: {  	s7 =	smul.u32 @!p0 $0xF7A, s2;
	p2 =	seq.s32 @!p0 s5, $0x0  }
0x1f: {  	s9 =	smul.u32 $0xF7A, s1;
	s8 =	simm.s32 @!p0 $0x1BF5;
	p2 =	por !p2, p0  }
0x20: {  	[sflag:s8] =	ssyncset.s32 @!p0 $0xFFFFF086;
	s6 =	sadd.s32 @!p0 s3, s7;
	s7 =	simm.s32 @!p0 $0x108  }
0x21: {  	s3 =	sadd.s32 s3, s9;
	s6 =	sadd.s32 @!p0 $0x88, s6;
	s7 =	simm.s32 @p2 $0x1082  }
0x22: {  	[simem:s7], [sflag:s8] =	dma.local @!p0 [hbm:s6], $0xF7A  }
0x23: {  	s9 =	sor.u32 $0xD0000000, s2;
	s6 =	simm.s32 $0x108;
	_ =	swait.ge @!p0 [sflag:s8], $0x0  }
0x24: {  	s3 =	sadd.s32 $0x88, s3;
	s6 =	simm.s32 @!p1 $0x1082;
	[sflag:s4] =	ssyncset.s32 $0xFFFFF086  }
0x25: {  	[simem:s6], [sflag:s4] =	dma.local [hbm:s3], $0xF7A  }
0x26: {  	[smem:$0x3F9E] =	sst s1;
	(tag) =	ssettag s2;
	_ =	strace s9  }
0x27: {  	s1 =	sld [smem:$0x3FAE]  }
0x28: {  	s2 =	sld [smem:$0x3FAF]  }
0x29: {  	s4 =	sld [smem:$0x3FB1]  }
0x2a: {  	p0 =	seq.s32 s5, $0x0;
	s5 =	sld [smem:$0x3FB2]  }
0x2b: {  	s6 =	sld [smem:$0x3FB3]  }
0x2c: {  	s7 =	sld [smem:$0x3FB4]  }
0x2d: {  	s3 =	simm.s32 $0x108;
	s8 =	sld [smem:$0x3FB5]  }
0x2e: {  	s3 =	simm.s32 @!p0 $0x1082;
	s9 =	sld [smem:$0x3FB6]  }
0x2f: {  	lr =	sadd.s32 s0, s3;
	s0 =	sld [smem:$0x3FAD]  }
0x30: {  	s3 =	sld [smem:$0x3FB0]  }
0x31: {  	[smem:$0x3FB9] =	sst s10  }
0x32: {  	s10 =	sld [smem:$0x3FB7];
	_ =	sdelay $0x3  }
0x33: {  	p0 =	seq.s32 s10, $0x1;
	s10 =	sld [smem:$0x3FB9];
	_ =	sdelay $0x3  }
0x34: {  	[smem:$0x3FB9] =	sst s10  }
0x35: {  	s10 =	sld [smem:$0x3FB8];
	_ =	sdelay $0x3  }
0x36: {  	p1 =	seq.s32 s10, $0x1;
	s10 =	sld [smem:$0x3FB9];
	_ =	sdelay $0x3  }
0x37: {  	[smem:$0x3FB9] =	sst s10  }
0x38: {  	s10 =	sld [smem:$0x3FBA]  }
0x39: {  	_ = 	snop;
	(pc) =	sbr.ind lr, $3  }
0x3a: {  	_ = 	snop  }
0x3b: {  	_ = 	snop  }
0x3c: {  	p2 =	seq.s32 s10, $0x1;
	s10 =	sld [smem:$0x3FB9]  }
0x3d: {  	_ =	shalt  }
0x3e: {  	_ =	shalt  }
0x3f: {  	_ =	shalt  }
0x40: {  	_ =	shalt  }
0x41: {  	_ =	shalt  }
0x42: {  	_ =	shalt  }
0x43: {  	_ =	shalt  }
0x44: {  	_ =	shalt  }
0x45: {  	_ =	shalt  }
0x46: {  	_ =	shalt  }
0x47: {  	_ =	shalt  }
0x48: {  	_ =	shalt  }
0x49: {  	_ =	shalt  }
0x4a: {  	_ =	shalt  }
0x4b: {  	_ =	shalt  }
0x4c: {  	_ =	shalt  }
0x4d: {  	_ =	shalt  }
0x4e: {  	_ =	shalt  }
0x4f: {  	_ =	shalt  }
0x50: {  	_ =	shalt  }
0x51: {  	_ =	shalt  }
0x52: {  	_ =	shalt  }
0x53: {  	_ =	shalt  }
0x54: {  	_ =	shalt  }
0x55: {  	_ =	shalt  }
0x56: {  	_ =	shalt  }
0x57: {  	_ =	shalt  }
0x58: {  	_ =	shalt  }
0x59: {  	_ =	shalt  }
0x5a: {  	_ =	shalt  }
0x5b: {  	_ =	shalt  }
0x5c: {  	_ =	shalt  }
0x5d: {  	_ =	shalt  }
0x5e: {  	_ =	shalt  }
0x5f: {  	_ =	shalt  }
0x60: {  	_ =	shalt  }
0x61: {  	_ =	shalt  }
0x62: {  	_ =	shalt  }
0x63: {  	_ =	shalt  }
0x64: {  	_ =	shalt  }
0x65: {  	_ =	shalt  }
0x66: {  	_ =	shalt  }
0x67: {  	_ =	shalt  }
0x68: {  	_ =	shalt  }
0x69: {  	_ =	shalt  }
0x6a: {  	_ =	shalt  }
0x6b: {  	_ =	shalt  }
0x6c: {  	_ =	shalt  }
0x6d: {  	_ =	shalt  }
0x6e: {  	_ =	shalt  }
0x6f: {  	_ =	shalt  }
0x70: {  	_ =	shalt  }
0x71: {  	_ =	shalt  }
0x72: {  	_ =	shalt  }
0x73: {  	_ =	shalt  }
0x74: {  	_ =	shalt  }
0x75: {  	_ =	shalt  }
0x76: {  	_ =	shalt  }
0x77: {  	_ =	shalt  }
0x78: {  	_ =	shalt  }
0x79: {  	_ =	shalt  }
0x7a: {  	_ =	shalt  }
0x7b: {  	_ =	shalt  }
0x7c: {  	_ =	shalt  }
0x7d: {  	_ =	shalt  }
0x7e: {  	_ =	shalt  }
0x7f: {  	_ =	shalt  }
0x80: {  	_ =	shalt  }
0x81: {  	_ =	shalt  }
0x82: {  	_ =	shalt  }
0x83: {  	_ =	shalt  }
0x84: {  	_ =	shalt  }
0x85: {  	_ =	shalt  }
0x86: {  	_ =	shalt  }
0x87: {  	_ =	shalt  }
.Lfunc_end0:
.L_simem_size_0:
called_computation_lowered:
.L_overlay_start_0:
0x88: {  	s2 =	sld [smem:$0x3FD9]  }
0x89: {  	s3 =	sld [smem:$0x3FFE];
	_ =	sdelay $0x1  }
0x8a: {  	s1 =	srdreg.scid  }
0x8b: {  	s0 =	sand.u32 $0x1, s1  }
0x8c: {  	s17 =	sshll.u32 s0, $0xA;
	s2 =	sadd.s32 s3, s2  }
0x8d: {  	s2 =	sadd.s32 s2, s17  }
0x8e: {  	[smem:$0x3FC5] =	sst s2  }
0x8f: {  	_ = 	snop  }
0x90: {  	s2 =	sld [smem:$0x3FC9]  }
0x91: {  	s18 =	sld [smem:$0x3FD0];
	(tm) =	ssettm $0x1  }
0x92: {  	s4 =	sld [smem:$0x3FFB];
	_ =	sdelay $0x3  }
0x93: {  	_ =	strace s4  }
0x94: {  	s4 =	sld [smem:$0x3FFC];
	_ =	sdelay $0x3  }
0x95: {  	_ =	strace s4  }
0x96: {  	s4 =	sld [smem:$0x3FFD];
	_ =	sdelay $0x3  }
0x97: {  	_ =	strace s4  }
0x98: {  	_ =	strace $0x8FFFFFFF  }
0x99: {  	s19 =	sld [smem:$0x3FDB];
	_ =	sdelay $0x1  }
0x9a: {  	s5 =	simm.s32 $_scs_section_size  }
0x9b: {  	s6 =	simm.s32 $_size__tile_overlayer_lowered;
	s7 =	simm.s32 $_tile_overlayer_lowered  }
0x9c: {  	s22 =	simm.s32 $0x1BFF;
	s21 =	sshll.u32 s7, $0x1;
	s4 =	sadd.s32 s5, s19  }
0x9d: {  	s8 =	simm.s32 $0x0;
	s20 =	sshll.u32 s6, $0x1;
	s6 =	sadd.s32 s21, s4  }
0x9e: {  	[timem:s8], [sflag:s22] =	dma.local [hbm:s6], s20  }
0x9f: {  	_ =	swait.ge [sflag:s22], s20  }
0xa0: {  	s5 =	ssub.s32 $0x0, s20;
	[sflag:s22] =	ssyncset.done $0x0  }
0xa1: {  	[sflag:s22] =	ssyncadd.s32 s5;
	_ =	sdelay $0x1  }
0xa2: {  	s23 =	simm.s32 $0x1B8B  }
0xa3: {  	_ =	swait.ge [sflag:s23], $0x1  }
0xa4: {  	[sflag:s23] =	ssyncset.done $0x0  }
0xa5: {  	s25 =	simm.s32 $0x1B8E;
	s24 =	sld [smem:$0x3FFE];
	[sflag:s23] =	ssyncadd.s32 $0xFFFFFFFF  }
0xa6: {  	s26 =	simm.s32 $execute0_lowered;
	[smem:$0x3FD2] =	sst s25  }
0xa7: {  	s6 =	sshll.u32 s26, $0x1;
	_ =	strace $0x80000046;
	[dreg:$0x1] =	wrdreg $0xFFFFFFFF  }
0xa8: {  	s28 =	simm.s32 $_size_execute0_lowered;
	s4 =	sadd.s32 s4, s6;
	[dreg:$0x0] =	wrdreg $0x0  }
0xa9: {  	s6 =	sshll.u32 s28, $0x1;
	[dreg:$0x2] =	wrdreg s4  }
0xaa: {  	[dreg:$0x3] =	wrdreg s6  }
0xab: {  	[dreg:$0x4] =	wrdreg $0xC0  }
0xac: {  	_ =	task [dreg:s8], $0x5FFFF  }
0xad: {  	[dreg:$0x1] =	wrdreg $0xFFFFFFFF  }
0xae: {  	[dreg:$0x0] =	wrdreg $0x60  }
0xaf: {  	[dreg:$0x2] =	wrdreg s2  }
0xb0: {  	[dreg:$0x3] =	wrdreg s24  }
0xb1: {  	[dreg:$0x4] =	wrdreg s18  }
0xb2: {  	[dreg:$0x5] =	wrdreg $0x9  }
0xb3: {  	_ =	task.clear_ibuf [dreg:s8], $0x6FFFF;
	_ =	strace $0x90000046  }
0xb4: {  	s29 =	simm.s32 $0x9;
	_ =	strace $0x8000004F  }
0xb5: {  	_ =	swait.ge [sflag:s29], $0x1  }
0xb6: {  	[sflag:s29] =	ssyncadd.s32 $0xFFFFFFFF  }
0xb7: {  	_ =	strace $0x9000004F  }
0xb8: {  	_ =	sfence  }
0xb9: {  	s30 =	sld [smem:$0x0];
	_ =	sdelay $0x2  }
0xba: {  	s31 =	sshll.u32 s1, $0xD;
	s1 =	sshrl.u32 s1, $0x2  }
0xbb: {  	s3 =	sand.u32 $0x4000, s31;
	s1 =	sadd.s32 s1, s30  }
0xbc: {  	s0 =	sor.u32 s3, s0;
	s1 =	sshll.u32 s1, $0x11  }
0xbd: {  	s0 =	sor.u32 s1, s0  }
0xbe: {  	s0 =	sadd.s32 $0x8F2B, s0  }
0xbf: {  	[sflag:s0] =	ssyncadd.remote.s32 $0x1  }
0xc0: {  	_ =	sfence.sel $0xFFFF  }
0xc1: {  	[dreg:$0x0] =	wrdreg $0xFFFFFFFF;
	(pc) =	sbr.abs _section_cstart, $3  }
0xc2: {  	[dreg:$0x1] =	wrdreg $0xFFFFFFFF  }
0xc3: {  	_ =	task.clear_ibuf [dreg:s8], $0x2FFFF;
	_ =	strace $0x9FFFFFFF  }
0xc4: {  	(tm) =	ssettm $0x7FFFFFFF  }
0xc5: {  	_ =	shalt  }
tec
execute0_lowered:
.L_overlay_start_1:
0x0: {  	(tag) =	ssettag $0x1  }
0x1: {  	s4 =	rddreg [dreg:$0x0]  }
0x2: {  	s0 =	rddreg [dreg:$0x1];
	s1 =	srdreg.scid;
	s6 =	simm.s32 $0x0  }
0x3: {  	s3 =	stileid.u32;
	s1 =	sand.u32 $0x1, s1;
	[smem:$0x7FF] =	sst s6  }
0x4: {  	s0 =	sadd.s32 $0x600, s0;
	s2 =	sshll.u32 s1, $0x4;
	_ =	strace $0x80000047  }
0x5: {  	s1 =	ssub.s32 $0x2, s1;
	[smem:$0x7FA] =	sst s0;
	s2 =	sor.u32 s3, s2  }
0x6: {  	s29 =	sshrl.u32 s1, $0x1;
	s3 =	sshll.u32 s2, $0xC;
	s30 =	sshll.u32 s2, $0x5  }
0x7: {  	s0 =	ssub.s32 s1, s29;
	[smem:$0x7FB] =	sst s30;
	s31 =	sadd.s32 s4, s3  }
0x8: {  	s0 =	smax.u32 s0, $0x1;
	[smem:$0x7FC] =	sst s31  }
0x9: {  	s5 =	simm.s32 $0x800;
	s1 =	simm.s32 $0x0;
	[smem:$0x7FD] =	sst s0  }
.LBB2_1:
0xa: {  	s0 =	sld [smem:$0x7FA];
	_ =	sdelay $0x1  }
0xb: {  	[smem:$0x7F9] =	sst s1;
	s29 =	simm.s32 $0x1  }
0xc: {  	[tilespmem:s6], [sflag:$0x1] =	stream.linear.gather [hbm4b:s0+s6], $0x1120, $0x38;
	[tilespmem:$0x11920] =	vst v63  }
0xd: {  	_ =	swait.ge [sflag:s29], $0x1120  }
0xe: {  	[sflag:s29] =	ssyncset.done $0x0  }
0xf: {  	[sflag:s29] =	ssyncadd.s32 $0xFFFFEEE0  }
0x10: {  	_ =	strace $0x80000048  }
0x11: {  	s30 =	sld [smem:$0x7FC]  }
0x12: {  	s31 =	simm.s32 $0x1120;
	s2 =	simm.s32 $0x0  }
0x13: {  	s4 =	simm.s32 $0x0;
	s7 =	simm.s32 $0x0;
	s3 =	simm.s32 $0x1  }
0x14: {  	[tilespmem:s31], [sflag:$0x1] =	stream.linear.gather [hbm4b:s30+s6], $0x400, $0x200038;
	[tilespmem:$0x11920] =	vst v63  }
0x15: {  	s8 =	simm.s32 $0x0;
	s0 =	simm.s32 $0x0;
	_ =	strace $0x90000048  }
.LBB2_2:
0x16: {  	s1 =	sadd.s32 $0x1, s0  }
0x17: {  	[smem:$0x7BF] =	sst s2;
	p0 =	seq.s32 s1, $0x20  }
0x18: {  	[smem:$0x7EA] =	sst s0;
	s1 =	simm.s32 @p0 $0x0  }
0x19: {  	p6 =	sne.s32 s8, $0x1F;
	s2 =	sld [smem:$0x7FB];
	p1 =	sne.s32 s0, s1  }
0x1a: {  	[smem:$0x7C0] =	sst s8;
	p0 =	por !p6, !p1  }
0x1b: {  	[smem:$0x7C1] =	sst s3;
	p0 =	por !p0, !p0  }
0x1c: {  	[smem:$0x7C2] =	sst s1;
	s0 =	sand.u32 @p0 $0x1, s3;
	s1 =	sadd.s32 @p0 s2, s1  }
0x1d: {  	_ =	strace @p0 $0x80000049;
	s2 =	sshll.u32 @p0 s0, $0xA;
	s1 =	sshll.u32 @p0 s1, $0x7  }
0x1e: {  	s0 =	sadd.s32 @p0 $0x1, s0;
	s3 =	rddreg [dreg:$0x0];
	s1 =	sand.u32 @p0 $0x1FFFFF80, s1  }
0x1f: {  	s2 =	sor.u32 @p0 $0x1120, s2;
	s1 =	sadd.s32 @p0 s3, s1;
	s3 =	simm.s32 @p0 $0x0  }
0x20: {  	[tilespmem:s2], [sflag:s0] =	stream.linear.gather @p0 [hbm4b:s1+s3], $0x400, $0x200038;
	[tilespmem:$0x11920] =	vst v63  }
0x21: {  	s8 =	sand.u32 $0x1, s7;
	_ =	strace @p0 $0x90000049;
	[smem:$0x7C3] =	sst s7  }
0x22: {  	s9 =	sadd.s32 $0x1, s8;
	_ =	strace $0x8000004A  }
0x23: {  	_ =	swait.ge [sflag:s9], $0x400  }
0x24: {  	[sflag:s9] =	ssyncset.done $0x0  }
0x25: {  	[sflag:s9] =	ssyncadd.s32 $0xFFFFFC00  }
0x26: {  	_ =	strace $0x9000004A  }
0x27: {  	s0 =	sshll.u32 s8, $0xA;
	_ =	strace $0x8000004B  }
0x28: {  	s0 =	sor.u32 $0x1140, s0;
	v0 =	vld [tilespmem:$0x1000]  }
0x29: {  	[smem:$0x7D7] =	sst s0;
	v1 =	vld [tilespmem:$0x1100]  }
0x2a: {  	v4 =	vld [tilespmem:s0+$0x10]  }
0x2b: {  	v2 =	vld [tilespmem:$0x1110]  }
0x2c: {  	v6 =	vld [tilespmem:s0+$0xFFFFFFE0]  }
0x2d: {  	v3 =	vld [tilespmem:$0x1010]  }
0x2e: {  	v8 =	vld [tilespmem:s0+$0xFFFFFFF0]  }
0x2f: {  	v9 =	vld [tilespmem:s0+$0x0];
	v7 =	vadd.f32 v4, v1  }
0x30: {  	v5 =	vld [tilespmem:$0x1030]  }
0x31: {  	v4 =	vld [tilespmem:$0x1020];
	v10 =	vadd.f32 v6, v1;
	v22 =	vmul.f32 v7, v2  }
0x32: {  	v6 =	vld [tilespmem:$0x1040]  }
0x33: {  	v11 =	vadd.f32 v8, v1;
	v8 =	vld [tilespmem:$0x1060];
	v21 =	vmul.f32 v10, v2;
	v10 =	vmul.f32 v22, v0  }
0x34: {  	v12 =	vadd.f32 v9, v1;
	v9 =	vld [tilespmem:$0x1070]  }
0x35: {  	v7 =	vld [tilespmem:$0x1050];
	v19 =	vmul.f32 v11, v2;
	v13 =	vmul.f32 v21, v0;
	v14 =	vadd.f32 $5.000000000e-01, v10  }
0x36: {  	v20 =	vmul.f32 v12, v2;
	v11 =	vld [tilespmem:$0x1090]  }
0x37: {  	v12 =	vld [tilespmem:$0x10A0];
	v15 =	vmul.f32 v19, v0;
	v16 =	vadd.f32 $5.000000000e-01, v13;
	v13 =	vtrunc.f32 v14  }
0x38: {  	v10 =	vld [tilespmem:$0x1080];
	v18 =	vcvt.f32.s32 v13  }
0x39: {  	v17 =	vmul.f32 v20, v0;
	v23 =	vadd.f32 $5.000000000e-01, v15;
	v15 =	vtrunc.f32 v16;
	v14 =	vld [tilespmem:$0x10C0]  }
0x3a: {  	v25 =	vmul.f32 v22, v3;
	v16 =	vld [tilespmem:$0x10E0];
	v24 =	vcvt.f32.s32 v15  }
0x3b: {  	v26 =	vadd.f32 $5.000000000e-01, v17;
	v17 =	vtrunc.f32 v23;
	v13 =	vld [tilespmem:$0x10B0]  }
0x3c: {  	v25 =	vadd.f32 $5.000000000e-01, v25;
	v15 =	vld [tilespmem:$0x10D0];
	v23 =	vcvt.f32.s32 v17  }
0x3d: {  	s10 =	sand.u32 $0x1, s4;
	[smem:$0x7C4] =	sst s4;
	v27 =	vmul.f32 v21, v3;
	v26 =	vtrunc.f32 v26;
	v17 =	vld [tilespmem:$0x10F0]  }
0x3e: {  	v25 =	vtrunc.f32 v25;
	v26 =	vcvt.f32.s32 v26;
	v28 =	vld.idx.msk [tilespmem:v18+s6+$0x0], $0xffff;
	[smem:$0x7C5] =	sst s10  }
0x3f: {  	s3 =	simm.s32 $0x0;
	s0 =	sshll.u32 s10, $0xF;
	v27 =	vadd.f32 $5.000000000e-01, v27;
	v25 =	vcvt.f32.s32 v25;
	v18 =	vld.idx.msk [tilespmem:v18+s5+$0x0], $0xffff  }
0x40: {  	s1 =	simm.s32 $0x30;
	s11 =	sand.u32 $0x1C00, s3;
	v29 =	vmul.f32 v19, v3;
	s10 =	sor.u32 $0x1920, s0;
	v30 =	vld.idx.msk [tilespmem:v24+s6+$0x0], $0xffff  }
0x41: {  	s17 =	sand.u32 $0x70, s1;
	v27 =	vtrunc.f32 v27;
	v24 =	vld.idx.msk [tilespmem:v24+s5+$0x0], $0xffff;
	s4 =	sadd.s32 s11, s10;
	[dreg:$0x4] =	wrdreg s10  }
0x42: {  	s23 =	sor.u32 $0x80, s17;
	v31 =	vmul.f32 v22, v4;
	v29 =	vadd.f32 $5.000000000e-01, v29;
	v27 =	vcvt.f32.s32 v27;
	v32 =	vld.idx.msk [tilespmem:v23+s6+$0x0], $0xffff;
	s0 =	sadd.s32 s17, s4  }
0x43: {  	s26 =	sand.u32 $0x40, s3;
	v23 =	vld.idx.msk [tilespmem:v23+s5+$0x0], $0xffff;
	s12 =	sadd.s32 s23, s4;
	[tilespmem:s0+$0x0] =	vst v28  }
0x44: {  	s9 =	sor.u32 $0x80, s26;
	v29 =	vtrunc.f32 v29;
	s13 =	sadd.s32 s26, s4;
	v28 =	vadd.f32 $5.000000000e-01, v31;
	v31 =	vld.idx.msk [tilespmem:v26+s6+$0x0], $0xffff;
	s0 =	simm.s32 $0x10;
	[tilespmem:s12+$0x0] =	vst v18  }
0x45: {  	v33 =	vmul.f32 v20, v3;
	v29 =	vcvt.f32.s32 v29;
	s14 =	sadd.s32 s9, s4;
	s24 =	sand.u32 $0x50, s0;
	[tilespmem:s13+$0x0] =	vst v30;
	v34 =	vld.idx.msk [tilespmem:v25+s6+$0x0], $0xffff  }
0x46: {  	v26 =	vld.idx.msk [tilespmem:v26+s5+$0x0], $0xffff;
	s15 =	sadd.s32 s24, s4;
	[tilespmem:s14+$0x0] =	vst v24  }
0x47: {  	s18 =	sor.u32 $0x100, s17;
	v41 =	vmul.f32 v21, v4;
	v18 =	vadd.f32 $5.000000000e-01, v33;
	v28 =	vtrunc.f32 v28;
	v25 =	vld.idx.msk [tilespmem:v25+s5+$0x0], $0xffff;
	s8 =	sor.u32 $0x80, s24;
	[tilespmem:s15+$0x0] =	vst v32  }
0x48: {  	s11 =	simm.s32 $0x20;
	v28 =	vcvt.f32.s32 v28;
	s16 =	sadd.s32 s8, s4;
	v35 =	vld.idx.msk [tilespmem:v27+s6+$0x0], $0xffff;
	[smem:$0x7C6] =	sst s18  }
0x49: {  	s7 =	simm.s32 $0x800;
	s19 =	sadd.s32 s18, s4;
	s29 =	sand.u32 $0x60, s11;
	v30 =	vmul.f32 v19, v4;
	v33 =	vadd.f32 $5.000000000e-01, v41;
	v18 =	vtrunc.f32 v18;
	[tilespmem:s16+$0x0] =	vst v23  }
0x4a: {  	s11 =	sor.u32 $0x80, s29;
	v24 =	vcvt.f32.s32 v18;
	s18 =	sor.u32 $0x180, s17;
	v27 =	vld.idx.msk [tilespmem:v27+s7+$0x0], $0xffff;
	[tilespmem:s19+$0x0] =	vst v34  }
0x4b: {  	v18 =	vadd.f32 $5.000000000e-01, v30;
	v30 =	vtrunc.f32 v33;
	s20 =	sadd.s32 s18, s4;
	v32 =	vld.idx.msk [tilespmem:v29+s6+$0x0], $0xffff;
	[smem:$0x7C7] =	sst s11  }
0x4c: {  	s21 =	sadd.s32 s29, s4;
	v30 =	vcvt.f32.s32 v30;
	s19 =	sor.u32 $0x100, s26;
	[tilespmem:s20+$0x0] =	vst v25  }
0x4d: {  	s25 =	sadd.s32 s19, s4;
	v29 =	vld.idx.msk [tilespmem:v29+s7+$0x0], $0xffff;
	[tilespmem:s21+$0x0] =	vst v31  }
0x4e: {  	s22 =	sadd.s32 s11, s4;
	s13 =	sor.u32 $0x180, s26;
	v23 =	vmul.f32 v22, v5;
	v43 =	vtrunc.f32 v18;
	[tilespmem:s25+$0x0] =	vst v35;
	v31 =	vld.idx.msk [tilespmem:v28+s6+$0x0], $0xffff  }
0x4f: {  	s28 =	sadd.s32 s13, s4;
	s15 =	sor.u32 $0x100, s24;
	v18 =	vmov s10;
	v25 =	vcvt.f32.s32 v43;
	[tilespmem:s22+$0x0] =	vst v26;
	v26 =	vld.idx.msk [tilespmem:v28+s7+$0x0], $0xffff  }
0x50: {  	s16 =	sor.u32 $0x180, s24;
	s10 =	sadd.s32 s15, s4;
	v23 =	vadd.f32 $5.000000000e-01, v23;
	[tilespmem:s28+$0x0] =	vst v27;
	v28 =	vld.idx.msk [tilespmem:v24+s6+$0x0], $0xffff  }
0x51: {  	v42 =	vmul.f32 v20, v4;
	s11 =	sadd.s32 s16, s4;
	s22 =	simm.s32 $0x0;
	v24 =	vld.idx.msk [tilespmem:v24+s7+$0x0], $0xffff;
	[tilespmem:s10+$0x0] =	vst v32  }
0x52: {  	v23 =	vtrunc.f32 v23;
	s25 =	sor.u32 $0x200, s17;
	v46 =	vld.idx.msk [tilespmem:v30+s22+$0x0], $0xffff;
	[tilespmem:s11+$0x0] =	vst v29  }
0x53: {  	v33 =	vadd.f32 $5.000000000e-01, v42;
	v23 =	vcvt.f32.s32 v23;
	s12 =	sor.u32 s3, s25;
	v29 =	vld.idx.msk [tilespmem:v30+s7+$0x0], $0xffff;
	[smem:$0x7CC] =	sst s25  }
0x54: {  	s14 =	sor.u32 $0x100, s29;
	[tilespmem:v18+s12+$0x0 ss:$0x1] =	vst.idx.msk $0xffff, v31  }
0x55: {  	v33 =	vtrunc.f32 v33;
	s21 =	sor.u32 $0x280, s17;
	v48 =	vld.idx.msk [tilespmem:v25+s22+$0x0], $0xffff;
	[smem:$0x7C8] =	sst s14  }
0x56: {  	v44 =	vmul.f32 v21, v5;
	v27 =	vcvt.f32.s32 v33;
	s20 =	sor.u32 s3, s21;
	[smem:$0x7CD] =	sst s21  }
0x57: {  	s28 =	sadd.s32 s14, s4;
	[tilespmem:v18+s20+$0x0 ss:$0x1] =	vst.idx.msk $0xffff, v26  }
0x58: {  	v34 =	vadd.f32 $5.000000000e-01, v44;
	v25 =	vld.idx.msk [tilespmem:v25+s7+$0x0], $0xffff;
	s20 =	sor.u32 $0x180, s29;
	[tilespmem:s28+$0x0] =	vst v28  }
0x59: {  	v45 =	vmul.f32 v19, v5;
	s28 =	sor.u32 $0x200, s26;
	v49 =	vld.idx.msk [tilespmem:v23+s22+$0x0], $0xffff;
	s2 =	sadd.s32 s20, s4;
	[smem:$0x7CE] =	sst s20  }
0x5a: {  	v34 =	vtrunc.f32 v34;
	s5 =	sor.u32 s3, s28;
	[tilespmem:s2+$0x0] =	vst v24  }
0x5b: {  	v47 =	vadd.f32 $5.000000000e-01, v45;
	s10 =	sor.u32 $0x200, s24;
	v31 =	vcvt.f32.s32 v34;
	v23 =	vld.idx.msk [tilespmem:v23+s7+$0x0], $0xffff;
	[tilespmem:v18+s5+$0x0 ss:$0x1] =	vst.idx.msk $0xffff, v46  }
0x5c: {  	s12 =	sor.u32 $0x280, s26;
	v50 =	vld.idx.msk [tilespmem:v27+s22+$0x0], $0xffff;
	[smem:$0x7C9] =	sst s10  }
0x5d: {  	v33 =	vtrunc.f32 v47;
	v30 =	vmul.f32 v22, v6;
	s11 =	sor.u32 s3, s12;
	[smem:$0x7CF] =	sst s12  }
0x5e: {  	s14 =	sor.u32 $0x280, s24;
	v28 =	vcvt.f32.s32 v33;
	[tilespmem:v18+s11+$0x0 ss:$0x1] =	vst.idx.msk $0xffff, v29  }
0x5f: {  	v30 =	vadd.f32 $5.000000000e-01, v30;
	s2 =	sor.u32 s3, s10;
	v27 =	vld.idx.msk [tilespmem:v27+s7+$0x0], $0xffff;
	[smem:$0x7CA] =	sst s14  }
0x60: {  	v26 =	vmul.f32 v20, v5;
	s11 =	sor.u32 $0x300, s17;
	[tilespmem:v18+s2+$0x0 ss:$0x1] =	vst.idx.msk $0xffff, v48  }
0x61: {  	v30 =	vtrunc.f32 v30;
	s10 =	sor.u32 s3, s14;
	v29 =	vmul.f32 v19, v6;
	v51 =	vld.idx.msk [tilespmem:v31+s22+$0x0], $0xffff;
	[smem:$0x7DA] =	sst s11  }
0x62: {  	v30 =	vcvt.f32.s32 v30;
	s5 =	sor.u32 s3, s11;
	[tilespmem:v18+s10+$0x0 ss:$0x1] =	vst.idx.msk $0xffff, v25  }
0x63: {  	v24 =	vadd.f32 $5.000000000e-01, v26;
	v25 =	vadd.f32 $5.000000000e-01, v29;
	v29 =	vld.idx.msk [tilespmem:v31+s7+$0x0], $0xffff;
	[tilespmem:v18+s5+$0x0 ss:$0x1] =	vst.idx.msk $0xffff, v49;
	s10 =	sor.u32 $0x200, s29  }
0x64: {  	v26 =	vmul.f32 v21, v6;
	s14 =	sor.u32 $0x380, s1;
	v52 =	vld.idx.msk [tilespmem:v28+s22+$0x0], $0xffff;
	[smem:$0x7CB] =	sst s10  }
0x65: {  	v24 =	vtrunc.f32 v24;
	s11 =	sor.u32 s3, s14;
	[smem:$0x7D0] =	sst s14  }
0x66: {  	v26 =	vadd.f32 $5.000000000e-01, v26;
	v24 =	vcvt.f32.s32 v24;
	s2 =	sor.u32 s3, s10;
	[tilespmem:v18+s11+$0x0 ss:$0x1] =	vst.idx.msk $0xffff, v23  }
0x67: {  	s30 =	sor.u32 $0x280, s29;
	v28 =	vld.idx.msk [tilespmem:v28+s7+$0x0], $0xffff;
	[tilespmem:v18+s2+$0x0 ss:$0x1] =	vst.idx.msk $0xffff, v50  }
0x68: {  	v26 =	vtrunc.f32 v26;
	s5 =	sor.u32 s3, s30;
	v53 =	vld.idx.msk [tilespmem:v30+s22+$0x0], $0xffff;
	[smem:$0x7D1] =	sst s30  }
0x69: {  	v26 =	vcvt.f32.s32 v26;
	s11 =	sor.u32 $0x300, s26;
	[tilespmem:v18+s5+$0x0 ss:$0x1] =	vst.idx.msk $0xffff, v27  }
0x6a: {  	v31 =	vmul.f32 v22, v7;
	v25 =	vtrunc.f32 v25;
	s10 =	sor.u32 s3, s11;
	v30 =	vld.idx.msk [tilespmem:v30+s7+$0x0], $0xffff;
	[smem:$0x7D2] =	sst s11  }
0x6b: {  	s31 =	sor.u32 $0x380, s3;
	s1 =	sor.u32 $0x300, s24;
	v25 =	vcvt.f32.s32 v25;
	[tilespmem:v18+s10+$0x0 ss:$0x1] =	vst.idx.msk $0xffff, v51  }
0x6c: {  	v23 =	vmul.f32 v20, v6;
	v31 =	vadd.f32 $5.000000000e-01, v31;
	s5 =	sor.u32 s3, s31;
	v54 =	vld.idx.msk [tilespmem:v24+s22+$0x0], $0xffff;
	[smem:$0x7DB] =	sst s1  }
0x6d: {  	s6 =	sor.u32 s3, s1;
	s10 =	sor.u32 $0x380, s0;
	s0 =	sadd.s32 $0x2000, s4;
	[tilespmem:v18+s5+$0x0 ss:$0x1] =	vst.idx.msk $0xffff, v29  }
0x6e: {  	v23 =	vadd.f32 $5.000000000e-01, v23;
	v31 =	vtrunc.f32 v31;
	s2 =	sadd.s32 s17, s0;
	v24 =	vld.idx.msk [tilespmem:v24+s7+$0x0], $0xffff;
	[tilespmem:v18+s6+$0x0 ss:$0x1] =	vst.idx.msk $0xffff, v52  }
0x6f: {  	v27 =	vmul.f32 v21, v7;
	v31 =	vcvt.f32.s32 v31;
	s1 =	sor.u32 s3, s10;
	[tilespmem:s2+$0x0] =	vst v53;
	v55 =	vld.idx.msk [tilespmem:v26+s22+$0x0], $0xffff  }
0x70: {  	v23 =	vtrunc.f32 v23;
	s2 =	sor.u32 $0x300, s29;
	[tilespmem:v18+s1+$0x0 ss:$0x1] =	vst.idx.msk $0xffff, v28;
	v26 =	vld.idx.msk [tilespmem:v26+s7+$0x0], $0xffff  }
0x71: {  	v27 =	vadd.f32 $5.000000000e-01, v27;
	v23 =	vcvt.f32.s32 v23;
	v56 =	vld.idx.msk [tilespmem:v25+s22+$0x0], $0xffff;
	[smem:$0x7E7] =	sst s2  }
0x72: {  	s5 =	sadd.s32 s23, s0;
	s6 =	simm.s32 $0x20;
	[smem:$0x7D3] =	sst s23  }
0x73: {  	v27 =	vtrunc.f32 v27;
	s1 =	sor.u32 $0x380, s6;
	s2 =	sor.u32 s3, s2;
	[tilespmem:s5+$0x0] =	vst v30  }
0x74: {  	v27 =	vcvt.f32.s32 v27;
	s3 =	sor.u32 s3, s1;
	v25 =	vld.idx.msk [tilespmem:v25+s7+$0x0], $0xffff;
	[tilespmem:v18+s2+$0x0 ss:$0x1] =	vst.idx.msk $0xffff, v54  }
0x75: {  	v57 =	vld.idx.msk [tilespmem:v31+s22+$0x0], $0xffff;
	[tilespmem:v18+s3+$0x0 ss:$0x1] =	vst.idx.msk $0xffff, v24;
	s3 =	sadd.s32 s26, s0  }
0x76: {  	v29 =	vmul.f32 v19, v7;
	v31 =	vld.idx.msk [tilespmem:v31+s7+$0x0], $0xffff;
	[tilespmem:s3+$0x0] =	vst v55  }
0x77: {  	s5 =	sadd.s32 s9, s0;
	v33 =	vld.idx.msk [tilespmem:v23+s22+$0x0], $0xffff;
	[smem:$0x7D4] =	sst s9  }
0x78: {  	s6 =	sadd.s32 s24, s0;
	v28 =	vadd.f32 $5.000000000e-01, v29;
	[tilespmem:s5+$0x0] =	vst v26  }
0x79: {  	v23 =	vld.idx.msk [tilespmem:v23+s7+$0x0], $0xffff;
	[tilespmem:s6+$0x0] =	vst v56  }
0x7a: {  	v28 =	vtrunc.f32 v28;
	s5 =	smov.u32 s8;
	v58 =	vld.idx.msk [tilespmem:v27+s22+$0x0], $0xffff;
	[smem:$0x7D5] =	sst s8;
	s8 =	sadd.s32 s8, s0  }
0x7b: {  	v28 =	vcvt.f32.s32 v28;
	[tilespmem:s8+$0x0] =	vst v25  }
0x7c: {  	s8 =	sld [smem:$0x7C6]  }
0x7d: {  	v29 =	vmul.f32 v22, v8  }
0x7e: {  	v26 =	vmul.f32 v19, v8  }
0x7f: {  	v30 =	vmul.f32 v20, v7;
	v29 =	vadd.f32 $5.000000000e-01, v29;
	s3 =	smov.u32 s9;
	s9 =	sadd.s32 s8, s0  }
0x80: {  	v25 =	vadd.f32 $5.000000000e-01, v26;
	v26 =	vld.idx.msk [tilespmem:v27+s7+$0x0], $0xffff;
	[tilespmem:s9+$0x0] =	vst v57  }
0x81: {  	v30 =	vadd.f32 $5.000000000e-01, v30;
	v29 =	vtrunc.f32 v29;
	s6 =	sadd.s32 s18, s0;
	v59 =	vld.idx.msk [tilespmem:v28+s22+$0x0], $0xffff;
	[smem:$0x7D6] =	sst s18  }
0x82: {  	v29 =	vcvt.f32.s32 v29;
	s9 =	smov.u32 s18;
	s18 =	sadd.s32 s29, s0;
	[tilespmem:s6+$0x0] =	vst v31  }
0x83: {  	v30 =	vtrunc.f32 v30;
	[tilespmem:s18+$0x0] =	vst v33  }
0x84: {  	v24 =	vmul.f32 v21, v8;
	v30 =	vcvt.f32.s32 v30;
	s18 =	sld [smem:$0x7C7];
	_ =	sdelay $0x1  }
0x85: {  	v24 =	vadd.f32 $5.000000000e-01, v24  }
0x86: {  	v28 =	vld.idx.msk [tilespmem:v28+s7+$0x0], $0xffff;
	s6 =	sadd.s32 s18, s0  }
0x87: {  	v24 =	vtrunc.f32 v24;
	v60 =	vld.idx.msk [tilespmem:v29+s22+$0x0], $0xffff;
	[tilespmem:s6+$0x0] =	vst v23;
	s6 =	sadd.s32 s19, s0  }
0x88: {  	v24 =	vcvt.f32.s32 v24;
	v29 =	vld.idx.msk [tilespmem:v29+s7+$0x0], $0xffff;
	[tilespmem:s6+$0x0] =	vst v58  }
0x89: {  	v61 =	vld.idx.msk [tilespmem:v30+s22+$0x0], $0xffff;
	s6 =	sadd.s32 s13, s0;
	[smem:$0x7D8] =	sst s13  }
0x8a: {  	[tilespmem:s6+$0x0] =	vst v26  }
0x8b: {  	v30 =	vld.idx.msk [tilespmem:v30+s7+$0x0], $0xffff;
	s6 =	sadd.s32 s15, s0;
	[smem:$0x7D9] =	sst s15  }
0x8c: {  	s25 =	sadd.s32 s25, s0;
	[tilespmem:s6+$0x0] =	vst v59  }
0x8d: {  	s6 =	sadd.s32 s16, s0;
	[tilespmem:s25+$0x0] =	vst v60  }
0x8e: {  	v62 =	vld.idx.msk [tilespmem:v24+s22+$0x0], $0xffff;
	[tilespmem:s6+$0x0] =	vst v28;
	s6 =	sadd.s32 s21, s0  }
0x8f: {  	v25 =	vtrunc.f32 v25;
	[tilespmem:s6+$0x0] =	vst v29  }
0x90: {  	v25 =	vcvt.f32.s32 v25;
	s25 =	sld [smem:$0x7C8]  }
0x91: {  	v24 =	vld.idx.msk [tilespmem:v24+s7+$0x0], $0xffff  }
0x92: {  	s6 =	sadd.s32 s20, s0;
	s20 =	sadd.s32 s28, s0  }
0x93: {  	[tilespmem:s20+$0x0] =	vst v62;
	s21 =	sadd.s32 s25, s0  }
0x94: {  	[tilespmem:s21+$0x0] =	vst v61  }
0x95: {  	v27 =	vmul.f32 v22, v9;
	s21 =	sadd.s32 s12, s0;
	[tilespmem:s6+$0x0] =	vst v30  }
0x96: {  	v63 =	vld.idx.msk [tilespmem:v25+s22+$0x0], $0xffff;
	[tilespmem:s21+$0x0] =	vst v24  }
0x97: {  	v27 =	vadd.f32 $5.000000000e-01, v27;
	s21 =	sld [smem:$0x7C9];
	_ =	sdelay $0x1  }
0x98: {  	v27 =	vtrunc.f32 v27  }
0x99: {  	v27 =	vcvt.f32.s32 v27;
	s6 =	sadd.s32 s21, s0  }
0x9a: {  	v31 =	vmul.f32 v20, v8;
	v25 =	vld.idx.msk [tilespmem:v25+s7+$0x0], $0xffff;
	[tilespmem:s6+$0x0] =	vst v63  }
0x9b: {  	s20 =	sld [smem:$0x7CA]  }
0x9c: {  	v31 =	vadd.f32 $5.000000000e-01, v31;
	v23 =	vmul.f32 v21, v9;
	_ =	sdelay $0x1  }
0x9d: {  	v31 =	vtrunc.f32 v31;
	v23 =	vadd.f32 $5.000000000e-01, v23;
	s12 =	sadd.s32 s20, s0  }
0x9e: {  	v31 =	vcvt.f32.s32 v31;
	v36 =	vld.idx.msk [tilespmem:v27+s22+$0x0], $0xffff;
	[tilespmem:s12+$0x0] =	vst v25  }
0x9f: {  	v23 =	vtrunc.f32 v23;
	v27 =	vld.idx.msk [tilespmem:v27+s7+$0x0], $0xffff;
	s12 =	sld [smem:$0x7DA]  }
0xa0: {  	v23 =	vcvt.f32.s32 v23  }
0xa1: {  	v26 =	vmul.f32 v19, v9  }
0xa2: {  	s6 =	sadd.s32 s12, s0  }
0xa3: {  	s14 =	sadd.s32 s14, s0;
	v26 =	vadd.f32 $5.000000000e-01, v26;
	v28 =	vmul.f32 v22, v10;
	[tilespmem:s6+$0x0] =	vst v36  }
0xa4: {  	v37 =	vld.idx.msk [tilespmem:v31+s22+$0x0], $0xffff;
	[tilespmem:s14+$0x0] =	vst v27  }
0xa5: {  	v29 =	vmul.f32 v20, v9;
	v26 =	vtrunc.f32 v26;
	v28 =	vadd.f32 $5.000000000e-01, v28;
	v31 =	vld.idx.msk [tilespmem:v31+s7+$0x0], $0xffff;
	s14 =	sld [smem:$0x7CB]  }
0xa6: {  	v26 =	vcvt.f32.s32 v26;
	v38 =	vld.idx.msk [tilespmem:v23+s22+$0x0], $0xffff  }
0xa7: {  	v29 =	vadd.f32 $5.000000000e-01, v29;
	v28 =	vtrunc.f32 v28;
	v30 =	vmul.f32 v21, v10;
	v23 =	vld.idx.msk [tilespmem:v23+s7+$0x0], $0xffff  }
0xa8: {  	v28 =	vcvt.f32.s32 v28;
	s6 =	sadd.s32 s14, s0  }
0xa9: {  	v24 =	vtrunc.f32 v29;
	v29 =	vadd.f32 $5.000000000e-01, v30;
	[tilespmem:s6+$0x0] =	vst v37;
	s6 =	sadd.s32 s30, s0  }
0xaa: {  	v24 =	vcvt.f32.s32 v24;
	[tilespmem:s6+$0x0] =	vst v31;
	s6 =	sadd.s32 s11, s0  }
0xab: {  	v25 =	vtrunc.f32 v29;
	s11 =	sadd.s32 s31, s0;
	[tilespmem:s6+$0x0] =	vst v38  }
0xac: {  	v25 =	vcvt.f32.s32 v25;
	v39 =	vld.idx.msk [tilespmem:v26+s22+$0x0], $0xffff;
	[tilespmem:s11+$0x0] =	vst v23  }
0xad: {  	v26 =	vld.idx.msk [tilespmem:v26+s7+$0x0], $0xffff;
	s11 =	sld [smem:$0x7DB]  }
0xae: {  	v30 =	vmul.f32 v19, v10;
	v40 =	vld.idx.msk [tilespmem:v28+s22+$0x0], $0xffff  }
0xaf: {  	v28 =	vld.idx.msk [tilespmem:v28+s7+$0x0], $0xffff  }
0xb0: {  	v29 =	vadd.f32 $5.000000000e-01, v30;
	v41 =	vld.idx.msk [tilespmem:v24+s22+$0x0], $0xffff;
	s6 =	sadd.s32 s11, s0  }
0xb1: {  	s2 =	smov.u32 s1;
	v30 =	vmul.f32 v22, v11;
	v24 =	vld.idx.msk [tilespmem:v24+s7+$0x0], $0xffff;
	[tilespmem:s6+$0x0] =	vst v39  }
0xb2: {  	s1 =	sadd.s32 $0x4000, s4;
	v29 =	vtrunc.f32 v29;
	v42 =	vld.idx.msk [tilespmem:v25+s22+$0x0], $0xffff;
	s6 =	sadd.s32 s10, s0;
	[smem:$0x7E6] =	sst s10  }
0xb3: {  	v30 =	vadd.f32 $5.000000000e-01, v30;
	v29 =	vcvt.f32.s32 v29;
	v27 =	vmul.f32 v20, v10;
	s30 =	smov.u32 s10;
	s10 =	sadd.s32 s17, s1;
	[tilespmem:s6+$0x0] =	vst v26  }
0xb4: {  	v31 =	vmul.f32 v21, v11;
	[tilespmem:s10+$0x0] =	vst v40;
	s10 =	sadd.s32 s23, s1  }
0xb5: {  	v30 =	vtrunc.f32 v30;
	v27 =	vadd.f32 $5.000000000e-01, v27;
	[tilespmem:s10+$0x0] =	vst v28  }
0xb6: {  	v30 =	vcvt.f32.s32 v30;
	v23 =	vadd.f32 $5.000000000e-01, v31;
	v31 =	vmul.f32 v19, v11;
	s10 =	sld [smem:$0x7E7]  }
0xb7: {  	v27 =	vtrunc.f32 v27  }
0xb8: {  	v27 =	vcvt.f32.s32 v27;
	v26 =	vadd.f32 $5.000000000e-01, v31  }
0xb9: {  	v23 =	vtrunc.f32 v23;
	v43 =	vld.idx.msk [tilespmem:v29+s22+$0x0], $0xffff;
	s23 =	sadd.s32 s10, s0  }
0xba: {  	v23 =	vcvt.f32.s32 v23;
	v25 =	vld.idx.msk [tilespmem:v25+s7+$0x0], $0xffff;
	v26 =	vtrunc.f32 v26;
	[tilespmem:s23+$0x0] =	vst v41  }
0xbb: {  	v29 =	vld.idx.msk [tilespmem:v29+s7+$0x0], $0xffff;
	v26 =	vcvt.f32.s32 v26;
	s0 =	sadd.s32 s2, s0;
	[smem:$0x7E9] =	sst s2  }
0xbc: {  	s6 =	sadd.s32 s26, s1;
	v44 =	vld.idx.msk [tilespmem:v30+s22+$0x0], $0xffff;
	[tilespmem:s0+$0x0] =	vst v24  }
0xbd: {  	v31 =	vmul.f32 v22, v12;
	s23 =	sadd.s32 s3, s1;
	s3 =	sadd.s32 s24, s1;
	v30 =	vld.idx.msk [tilespmem:v30+s7+$0x0], $0xffff;
	[tilespmem:s6+$0x0] =	vst v42  }
0xbe: {  	[tilespmem:s3+$0x0] =	vst v43;
	v45 =	vld.idx.msk [tilespmem:v27+s22+$0x0], $0xffff  }
0xbf: {  	s5 =	sadd.s32 s5, s1;
	v31 =	vadd.f32 $5.000000000e-01, v31;
	[tilespmem:s23+$0x0] =	vst v25;
	v27 =	vld.idx.msk [tilespmem:v27+s7+$0x0], $0xffff  }
0xc0: {  	s6 =	sadd.s32 s8, s1;
	[tilespmem:s5+$0x0] =	vst v29;
	v46 =	vld.idx.msk [tilespmem:v23+s22+$0x0], $0xffff  }
0xc1: {  	s9 =	sadd.s32 s9, s1;
	v28 =	vmul.f32 v20, v11;
	v31 =	vtrunc.f32 v31;
	v47 =	vld.idx.msk [tilespmem:v26+s22+$0x0], $0xffff;
	[tilespmem:s6+$0x0] =	vst v44  }
0xc2: {  	v31 =	vcvt.f32.s32 v31;
	s3 =	sadd.s32 s29, s1;
	v23 =	vld.idx.msk [tilespmem:v23+s7+$0x0], $0xffff;
	[tilespmem:s9+$0x0] =	vst v30  }
0xc3: {  	v24 =	vadd.f32 $5.000000000e-01, v28;
	s5 =	sadd.s32 s18, s1;
	v26 =	vld.idx.msk [tilespmem:v26+s7+$0x0], $0xffff;
	[tilespmem:s3+$0x0] =	vst v45  }
0xc4: {  	s6 =	sadd.s32 s19, s1;
	[tilespmem:s5+$0x0] =	vst v27  }
0xc5: {  	v24 =	vtrunc.f32 v24;
	s9 =	sadd.s32 s15, s1;
	[tilespmem:s6+$0x0] =	vst v46  }
0xc6: {  	v28 =	vmul.f32 v21, v12;
	s23 =	smov.u32 s8;
	s8 =	sadd.s32 s13, s1;
	v24 =	vcvt.f32.s32 v24;
	[tilespmem:s9+$0x0] =	vst v47  }
0xc7: {  	s13 =	sadd.s32 s16, s1;
	[tilespmem:s8+$0x0] =	vst v23  }
0xc8: {  	v28 =	vadd.f32 $5.000000000e-01, v28;
	v48 =	vld.idx.msk [tilespmem:v31+s22+$0x0], $0xffff;
	[tilespmem:s13+$0x0] =	vst v26  }
0xc9: {  	v25 =	vmul.f32 v19, v12;
	s5 =	sld [smem:$0x7CC]  }
0xca: {  	v29 =	vmul.f32 v22, v13;
	v28 =	vtrunc.f32 v28  }
0xcb: {  	v25 =	vadd.f32 $5.000000000e-01, v25;
	v28 =	vcvt.f32.s32 v28  }
0xcc: {  	v29 =	vadd.f32 $5.000000000e-01, v29;
	v49 =	vld.idx.msk [tilespmem:v24+s22+$0x0], $0xffff;
	s15 =	sadd.s32 s5, s1  }
0xcd: {  	v25 =	vtrunc.f32 v25;
	v31 =	vld.idx.msk [tilespmem:v31+s7+$0x0], $0xffff;
	[tilespmem:s15+$0x0] =	vst v48  }
0xce: {  	v29 =	vtrunc.f32 v29;
	v25 =	vcvt.f32.s32 v25;
	s6 =	sld [smem:$0x7CD]  }
0xcf: {  	v29 =	vcvt.f32.s32 v29;
	v27 =	vmul.f32 v21, v13  }
0xd0: {  	v30 =	vmul.f32 v20, v12;
	s8 =	sadd.s32 s25, s1;
	v24 =	vld.idx.msk [tilespmem:v24+s7+$0x0], $0xffff  }
0xd1: {  	v23 =	vadd.f32 $5.000000000e-01, v27;
	v27 =	vmul.f32 v19, v13;
	v50 =	vld.idx.msk [tilespmem:v28+s22+$0x0], $0xffff;
	[tilespmem:s8+$0x0] =	vst v49;
	s3 =	sadd.s32 s6, s1  }
0xd2: {  	v30 =	vadd.f32 $5.000000000e-01, v30;
	[tilespmem:s3+$0x0] =	vst v31  }
0xd3: {  	v26 =	vadd.f32 $5.000000000e-01, v27;
	v27 =	vld.idx.msk [tilespmem:v28+s7+$0x0], $0xffff;
	s13 =	sld [smem:$0x7CE]  }
0xd4: {  	v30 =	vtrunc.f32 v30;
	v51 =	vld.idx.msk [tilespmem:v25+s22+$0x0], $0xffff  }
0xd5: {  	v30 =	vcvt.f32.s32 v30;
	s15 =	smov.u32 s25;
	s25 =	sadd.s32 s28, s1;
	v52 =	vld.idx.msk [tilespmem:v29+s22+$0x0], $0xffff  }
0xd6: {  	v25 =	vld.idx.msk [tilespmem:v25+s7+$0x0], $0xffff;
	[tilespmem:s25+$0x0] =	vst v50;
	s9 =	sadd.s32 s13, s1  }
0xd7: {  	[tilespmem:s9+$0x0] =	vst v24  }
0xd8: {  	s8 =	sadd.s32 s21, s1;
	s25 =	sld [smem:$0x7CF]  }
0xd9: {  	s12 =	sadd.s32 s12, s1;
	[tilespmem:s8+$0x0] =	vst v51  }
0xda: {  	v29 =	vld.idx.msk [tilespmem:v29+s7+$0x0], $0xffff;
	s9 =	sadd.s32 s20, s1;
	[tilespmem:s12+$0x0] =	vst v52  }
0xdb: {  	v53 =	vld.idx.msk [tilespmem:v30+s22+$0x0], $0xffff;
	[tilespmem:s9+$0x0] =	vst v25;
	s3 =	sadd.s32 s25, s1  }
0xdc: {  	[tilespmem:s3+$0x0] =	vst v27  }
0xdd: {  	s8 =	sld [smem:$0x7D0];
	_ =	sdelay $0x1  }
0xde: {  	v23 =	vtrunc.f32 v23;
	v28 =	vmul.f32 v22, v14;
	s9 =	sadd.s32 s14, s1  }
0xdf: {  	v23 =	vcvt.f32.s32 v23;
	v30 =	vld.idx.msk [tilespmem:v30+s7+$0x0], $0xffff;
	[tilespmem:s9+$0x0] =	vst v53;
	s3 =	sadd.s32 s8, s1  }
0xe0: {  	v26 =	vtrunc.f32 v26;
	v28 =	vadd.f32 $5.000000000e-01, v28;
	v31 =	vmul.f32 v20, v13;
	[tilespmem:s3+$0x0] =	vst v29  }
0xe1: {  	v26 =	vcvt.f32.s32 v26;
	s9 =	sld [smem:$0x7D1]  }
0xe2: {  	v28 =	vtrunc.f32 v28;
	v31 =	vadd.f32 $5.000000000e-01, v31;
	v24 =	vmul.f32 v21, v14  }
0xe3: {  	v28 =	vcvt.f32.s32 v28  }
0xe4: {  	v24 =	vadd.f32 $5.000000000e-01, v24;
	v27 =	vtrunc.f32 v31;
	s12 =	sadd.s32 s9, s1  }
0xe5: {  	v27 =	vcvt.f32.s32 v27;
	v54 =	vld.idx.msk [tilespmem:v23+s22+$0x0], $0xffff;
	[tilespmem:s12+$0x0] =	vst v30  }
0xe6: {  	v24 =	vtrunc.f32 v24;
	v23 =	vld.idx.msk [tilespmem:v23+s7+$0x0], $0xffff;
	s12 =	sld [smem:$0x7D2]  }
0xe7: {  	v55 =	vld.idx.msk [tilespmem:v26+s22+$0x0], $0xffff;
	v31 =	vmul.f32 v19, v14;
	v24 =	vcvt.f32.s32 v24  }
0xe8: {  	v26 =	vld.idx.msk [tilespmem:v26+s7+$0x0], $0xffff  }
0xe9: {  	v25 =	vadd.f32 $5.000000000e-01, v31;
	v56 =	vld.idx.msk [tilespmem:v28+s22+$0x0], $0xffff;
	s3 =	sadd.s32 s12, s1  }
0xea: {  	[tilespmem:s3+$0x0] =	vst v54;
	s3 =	sadd.s32 s31, s1  }
0xeb: {  	v25 =	vtrunc.f32 v25;
	v57 =	vld.idx.msk [tilespmem:v27+s22+$0x0], $0xffff;
	[tilespmem:s3+$0x0] =	vst v23;
	s3 =	sadd.s32 s11, s1  }
0xec: {  	v31 =	vmul.f32 v22, v15;
	v25 =	vcvt.f32.s32 v25;
	v27 =	vld.idx.msk [tilespmem:v27+s7+$0x0], $0xffff;
	s11 =	sadd.s32 s30, s1;
	[tilespmem:s3+$0x0] =	vst v55;
	s3 =	sadd.s32 $0x6000, s4  }
0xed: {  	v58 =	vld.idx.msk [tilespmem:v24+s22+$0x0], $0xffff;
	[tilespmem:s11+$0x0] =	vst v26;
	s4 =	sadd.s32 s17, s3  }
0xee: {  	v31 =	vadd.f32 $5.000000000e-01, v31;
	v28 =	vld.idx.msk [tilespmem:v28+s7+$0x0], $0xffff;
	[tilespmem:s4+$0x0] =	vst v56  }
0xef: {  	s11 =	sadd.s32 s10, s1;
	s0 =	sld [smem:$0x7D3]  }
0xf0: {  	v31 =	vtrunc.f32 v31;
	s17 =	sadd.s32 s2, s1;
	[tilespmem:s11+$0x0] =	vst v57  }
0xf1: {  	v31 =	vcvt.f32.s32 v31;
	v30 =	vmul.f32 v21, v15;
	v24 =	vld.idx.msk [tilespmem:v24+s7+$0x0], $0xffff;
	s1 =	sadd.s32 s26, s3;
	[tilespmem:s17+$0x0] =	vst v27  }
0xf2: {  	v59 =	vld.idx.msk [tilespmem:v25+s22+$0x0], $0xffff;
	[tilespmem:s1+$0x0] =	vst v58;
	s0 =	sadd.s32 s0, s3  }
0xf3: {  	v29 =	vmul.f32 v20, v14;
	v23 =	vadd.f32 $5.000000000e-01, v30;
	v30 =	vmul.f32 v19, v15;
	[tilespmem:s0+$0x0] =	vst v28  }
0xf4: {  	s0 =	sld [smem:$0x7D4]  }
0xf5: {  	v29 =	vadd.f32 $5.000000000e-01, v29;
	v26 =	vadd.f32 $5.000000000e-01, v30;
	v30 =	vmul.f32 v22, v16  }
0xf6: {  	s2 =	sadd.s32 s24, s3;
	v25 =	vld.idx.msk [tilespmem:v25+s7+$0x0], $0xffff  }
0xf7: {  	v29 =	vtrunc.f32 v29;
	v28 =	vadd.f32 $5.000000000e-01, v30;
	v30 =	vld.idx.msk [tilespmem:v31+s22+$0x0], $0xffff;
	[tilespmem:s2+$0x0] =	vst v59;
	s0 =	sadd.s32 s0, s3  }
0xf8: {  	v29 =	vcvt.f32.s32 v29;
	[tilespmem:s0+$0x0] =	vst v24  }
0xf9: {  	v23 =	vtrunc.f32 v23;
	s0 =	sld [smem:$0x7D5]  }
0xfa: {  	v23 =	vcvt.f32.s32 v23  }
0xfb: {  	s4 =	sadd.s32 s23, s3;
	v26 =	vtrunc.f32 v26  }
0xfc: {  	v26 =	vcvt.f32.s32 v26;
	v27 =	vld.idx.msk [tilespmem:v31+s7+$0x0], $0xffff;
	[tilespmem:s4+$0x0] =	vst v30;
	s0 =	sadd.s32 s0, s3  }
0xfd: {  	v28 =	vtrunc.f32 v28;
	[tilespmem:s0+$0x0] =	vst v25  }
0xfe: {  	v31 =	vld.idx.msk [tilespmem:v29+s22+$0x0], $0xffff;
	v28 =	vcvt.f32.s32 v28;
	s10 =	sld [smem:$0x7D7]  }
0xff: {  	v29 =	vld.idx.msk [tilespmem:v29+s7+$0x0], $0xffff;
	s0 =	sld [smem:$0x7D6]  }
0x100: {  	v60 =	vld.idx.msk [tilespmem:v23+s22+$0x0], $0xffff  }
0x101: {  	v24 =	vmul.f32 v20, v15;
	v25 =	vld.idx.msk [tilespmem:v23+s7+$0x0], $0xffff;
	s1 =	sadd.s32 $0x40, s10  }
0x102: {  	v30 =	vld.idx.msk [tilespmem:v26+s22+$0x0], $0xffff;
	s0 =	sadd.s32 s0, s3;
	[smem:$0x7F8] =	sst s1  }
0x103: {  	v22 =	vmul.f32 v22, v17;
	v24 =	vadd.f32 $5.000000000e-01, v24;
	[tilespmem:s0+$0x0] =	vst v27  }
0x104: {  	v23 =	vmul.f32 v21, v16;
	v61 =	vld.idx.msk [tilespmem:v28+s22+$0x0], $0xffff  }
0x105: {  	v22 =	vadd.f32 $5.000000000e-01, v22;
	s11 =	sadd.s32 s29, s3;
	v24 =	vtrunc.f32 v24;
	v28 =	vld.idx.msk [tilespmem:v28+s7+$0x0], $0xffff  }
0x106: {  	v62 =	vmul.f32 v19, v16;
	s17 =	sadd.s32 s18, s3;
	s18 =	sadd.s32 s19, s3;
	v24 =	vcvt.f32.s32 v24;
	v23 =	vadd.f32 $5.000000000e-01, v23;
	v27 =	vld [tilespmem:s1+$0x10];
	[tilespmem:s11+$0x0] =	vst v31  }
0x107: {  	v36 =	vmul.f32 v20, v16;
	v22 =	vtrunc.f32 v22;
	[tilespmem:s18+$0x0] =	vst v60  }
0x108: {  	s19 =	sadd.s32 s5, s3;
	v37 =	vcvt.f32.s32 v22;
	v23 =	vtrunc.f32 v23;
	v63 =	vld [tilespmem:s1+$0xFFFFFFE0];
	[tilespmem:s17+$0x0] =	vst v29  }
0x109: {  	v34 =	vadd.f32 $5.000000000e-01, v62;
	s23 =	sadd.s32 s6, s3;
	v22 =	vld [tilespmem:s1+$0xFFFFFFF0];
	v31 =	vcvt.f32.s32 v23;
	[tilespmem:s19+$0x0] =	vst v61  }
0x10a: {  	v38 =	vld [tilespmem:s1+$0x0];
	v29 =	vadd.f32 $5.000000000e-01, v36;
	s24 =	sld [smem:$0x7D8];
	[tilespmem:s23+$0x0] =	vst v28  }
0x10b: {  	v26 =	vld.idx.msk [tilespmem:v26+s7+$0x0], $0xffff;
	v23 =	vadd.f32 v27, v1;
	v27 =	vmul.f32 v21, v17;
	v21 =	vtrunc.f32 v34;
	s0 =	sld [smem:$0x7D9]  }
0x10c: {  	v41 =	vld.idx.msk [tilespmem:v24+s22+$0x0], $0xffff;
	v40 =	vcvt.f32.s32 v21  }
0x10d: {  	v42 =	vld.idx.msk [tilespmem:v24+s7+$0x0], $0xffff;
	v29 =	vtrunc.f32 v29;
	v21 =	vmul.f32 v23, v2;
	v27 =	vadd.f32 $5.000000000e-01, v27;
	s1 =	sadd.s32 s24, s3  }
0x10e: {  	v29 =	vcvt.f32.s32 v29;
	v35 =	vadd.f32 v63, v1;
	v47 =	vld.idx.msk [tilespmem:v37+s22+$0x0], $0xffff;
	s0 =	sadd.s32 s0, s3;
	[tilespmem:s1+$0x0] =	vst v25  }
0x10f: {  	v22 =	vadd.f32 v22, v1;
	v28 =	vmul.f32 v21, v0;
	v27 =	vtrunc.f32 v27;
	[tilespmem:s0+$0x0] =	vst v30;
	v30 =	vld.idx.msk [tilespmem:v31+s22+$0x0], $0xffff  }
0x110: {  	s26 =	sadd.s32 s16, s3;
	v43 =	vadd.f32 v38, v1;
	v23 =	vmul.f32 v35, v2;
	v27 =	vcvt.f32.s32 v27;
	v31 =	vld.idx.msk [tilespmem:v31+s7+$0x0], $0xffff  }
0x111: {  	s2 =	sadd.s32 s15, s3;
	v24 =	vmul.f32 v22, v2;
	v25 =	vld.idx.msk [tilespmem:v37+s7+$0x0], $0xffff;
	v28 =	vadd.f32 $5.000000000e-01, v28;
	[tilespmem:s26+$0x0] =	vst v26  }
0x112: {  	s4 =	sadd.s32 s13, s3;
	v22 =	vmul.f32 v43, v2;
	[tilespmem:s2+$0x0] =	vst v41;
	v44 =	vmul.f32 v23, v0;
	v45 =	vld.idx.msk [tilespmem:v40+s22+$0x0], $0xffff  }
0x113: {  	s5 =	sadd.s32 s28, s3;
	[tilespmem:s4+$0x0] =	vst v42;
	v28 =	vtrunc.f32 v28;
	v32 =	vld.idx.msk [tilespmem:v40+s7+$0x0], $0xffff  }
0x114: {  	s6 =	sadd.s32 s25, s3;
	v46 =	vmul.f32 v22, v0;
	v36 =	vadd.f32 $5.000000000e-01, v44;
	v28 =	vcvt.f32.s32 v28;
	[tilespmem:s5+$0x0] =	vst v30;
	v30 =	vld.idx.msk [tilespmem:v29+s22+$0x0], $0xffff  }
0x115: {  	s8 =	sadd.s32 s8, s3;
	v29 =	vld.idx.msk [tilespmem:v29+s7+$0x0], $0xffff;
	[tilespmem:s6+$0x0] =	vst v31  }
0x116: {  	s10 =	sadd.s32 s21, s3;
	v34 =	vadd.f32 $5.000000000e-01, v46;
	v26 =	vmul.f32 v24, v0;
	v36 =	vtrunc.f32 v36;
	[tilespmem:s8+$0x0] =	vst v25;
	v48 =	vld.idx.msk [tilespmem:v27+s22+$0x0], $0xffff  }
0x117: {  	s11 =	sadd.s32 s20, s3;
	v36 =	vcvt.f32.s32 v36;
	[tilespmem:s10+$0x0] =	vst v45  }
0x118: {  	s13 =	sadd.s32 s14, s3;
	v26 =	vadd.f32 $5.000000000e-01, v26;
	v25 =	vtrunc.f32 v34;
	[tilespmem:s11+$0x0] =	vst v32  }
0x119: {  	s14 =	sadd.s32 s9, s3;
	v25 =	vcvt.f32.s32 v25;
	v31 =	vmul.f32 v21, v3;
	v27 =	vld.idx.msk [tilespmem:v27+s7+$0x0], $0xffff;
	[tilespmem:s13+$0x0] =	vst v30  }
0x11a: {  	s15 =	sadd.s32 s12, s3;
	v26 =	vtrunc.f32 v26;
	v50 =	vld.idx.msk [tilespmem:v28+s22+$0x0], $0xffff;
	[tilespmem:s14+$0x0] =	vst v29  }
0x11b: {  	s21 =	simm.s32 $0x200;
	v26 =	vcvt.f32.s32 v26;
	v31 =	vadd.f32 $5.000000000e-01, v31;
	[tilespmem:s15+$0x0] =	vst v48  }
0x11c: {  	v19 =	vmul.f32 v19, v17;
	s16 =	sand.u32 $0x1C00, s21;
	s2 =	simm.s32 $0x70;
	v28 =	vld.idx.msk [tilespmem:v28+s7+$0x0], $0xffff;
	s1 =	rddreg [dreg:$0x4]  }
0x11d: {  	s17 =	sadd.s32 s31, s3;
	v49 =	vmul.f32 v23, v3;
	s19 =	sand.u32 $0x70, s2;
	v31 =	vtrunc.f32 v31;
	v30 =	vld.idx.msk [tilespmem:v36+s22+$0x0], $0xffff;
	s10 =	sadd.s32 s16, s1  }
0x11e: {  	v19 =	vadd.f32 $5.000000000e-01, v19;
	v31 =	vcvt.f32.s32 v31;
	v29 =	vld.idx.msk [tilespmem:v36+s7+$0x0], $0xffff;
	[tilespmem:s17+$0x0] =	vst v27;
	s0 =	sadd.s32 s19, s10  }
0x11f: {  	v51 =	vmul.f32 v24, v3;
	s28 =	sor.u32 $0x80, s19;
	v34 =	vadd.f32 $5.000000000e-01, v49;
	s8 =	simm.s32 $0x40;
	v53 =	vld.idx.msk [tilespmem:v25+s22+$0x0], $0xffff;
	[tilespmem:s0+$0x0] =	vst v50  }
0x120: {  	v19 =	vtrunc.f32 v19;
	s4 =	sand.u32 $0x40, s8;
	v25 =	vld.idx.msk [tilespmem:v25+s7+$0x0], $0xffff;
	s18 =	sadd.s32 s28, s10;
	s20 =	sld [smem:$0x7DA]  }
0x121: {  	v19 =	vcvt.f32.s32 v19;
	v34 =	vtrunc.f32 v34;
	s24 =	sor.u32 $0x80, s4;
	v32 =	vadd.f32 $5.000000000e-01, v51;
	v52 =	vld.idx.msk [tilespmem:v26+s22+$0x0], $0xffff;
	[tilespmem:s18+$0x0] =	vst v28  }
0x122: {  	v34 =	vcvt.f32.s32 v34;
	v26 =	vld.idx.msk [tilespmem:v26+s7+$0x0], $0xffff;
	s1 =	simm.s32 $0x50;
	s25 =	sadd.s32 s4, s10;
	[smem:$0x7EE] =	sst s24  }
0x123: {  	v32 =	vtrunc.f32 v32;
	s11 =	sand.u32 $0x50, s1;
	[tilespmem:s25+$0x0] =	vst v30;
	s23 =	sadd.s32 s20, s3  }
0x124: {  	v32 =	vcvt.f32.s32 v32;
	v27 =	vmul.f32 v21, v4;
	s6 =	sor.u32 $0x80, s11;
	v28 =	vld.idx.msk [tilespmem:v31+s22+$0x0], $0xffff;
	[tilespmem:s23+$0x0] =	vst v47  }
0x125: {  	s26 =	sadd.s32 s24, s10;
	s0 =	simm.s32 $0x60;
	v30 =	vld.idx.msk [tilespmem:v31+s7+$0x0], $0xffff;
	[smem:$0x7DC] =	sst s6  }
0x126: {  	v27 =	vadd.f32 $5.000000000e-01, v27;
	s12 =	sadd.s32 s11, s10;
	s17 =	sand.u32 $0x60, s0;
	[tilespmem:s26+$0x0] =	vst v29  }
0x127: {  	s14 =	sadd.s32 s17, s10;
	v29 =	vld.idx.msk [tilespmem:v19+s22+$0x0], $0xffff;
	[tilespmem:s12+$0x0] =	vst v52  }
0x128: {  	v27 =	vtrunc.f32 v27;
	s13 =	sadd.s32 s6, s10;
	[tilespmem:s14+$0x0] =	vst v53;
	v58 =	vld.idx.msk [tilespmem:v34+s22+$0x0], $0xffff  }
0x129: {  	s29 =	sor.u32 $0x100, s19;
	s16 =	sor.u32 $0x180, s19;
	v27 =	vcvt.f32.s32 v27;
	v34 =	vld.idx.msk [tilespmem:v34+s7+$0x0], $0xffff;
	[tilespmem:s13+$0x0] =	vst v26  }
0x12a: {  	v54 =	vmul.f32 v22, v3;
	v57 =	vmul.f32 v24, v4;
	s15 =	sadd.s32 s29, s10;
	v60 =	vld.idx.msk [tilespmem:v32+s22+$0x0], $0xffff;
	[smem:$0x7F6] =	sst s16  }
0x12b: {  	s18 =	sadd.s32 s16, s10;
	[tilespmem:s15+$0x0] =	vst v28  }
0x12c: {  	v56 =	vmul.f32 v23, v4;
	v55 =	vadd.f32 $5.000000000e-01, v54;
	s30 =	sor.u32 $0x80, s17;
	v26 =	vadd.f32 $5.000000000e-01, v57;
	v32 =	vld.idx.msk [tilespmem:v32+s7+$0x0], $0xffff;
	[tilespmem:s18+$0x0] =	vst v30  }
0x12d: {  	s20 =	sadd.s32 s30, s10;
	v19 =	vld.idx.msk [tilespmem:v19+s7+$0x0], $0xffff;
	[smem:$0x7DF] =	sst s30  }
0x12e: {  	v35 =	vadd.f32 $5.000000000e-01, v56;
	v31 =	vtrunc.f32 v55;
	s23 =	sor.u32 $0x180, s4;
	v26 =	vtrunc.f32 v26;
	[tilespmem:s20+$0x0] =	vst v25  }
0x12f: {  	v31 =	vcvt.f32.s32 v31;
	s26 =	sor.u32 $0x100, s4;
	v25 =	vcvt.f32.s32 v26;
	v26 =	vld.idx.msk [tilespmem:v27+s22+$0x0], $0xffff;
	[smem:$0x7F0] =	sst s23  }
0x130: {  	v59 =	vtrunc.f32 v35;
	s24 =	sadd.s32 s26, s10;
	[smem:$0x7E0] =	sst s26  }
0x131: {  	s25 =	sor.u32 $0x100, s11;
	v28 =	vcvt.f32.s32 v59;
	[tilespmem:s24+$0x0] =	vst v58  }
0x132: {  	s9 =	sadd.s32 s23, s10;
	v27 =	vld.idx.msk [tilespmem:v27+s7+$0x0], $0xffff;
	[smem:$0x7F1] =	sst s25  }
0x133: {  	v61 =	vmul.f32 v21, v5;
	s12 =	sadd.s32 s25, s10;
	s23 =	sor.u32 $0x180, s11;
	[tilespmem:s9+$0x0] =	vst v34  }
0x134: {  	s13 =	sadd.s32 s23, s10;
	[tilespmem:s12+$0x0] =	vst v60  }
0x135: {  	v62 =	vadd.f32 $5.000000000e-01, v61;
	v30 =	vmul.f32 v22, v4;
	v40 =	vld.idx.msk [tilespmem:v31+s22+$0x0], $0xffff;
	[tilespmem:s13+$0x0] =	vst v32  }
0x136: {  	s14 =	sor.u32 $0x200, s19;
	v31 =	vld.idx.msk [tilespmem:v31+s7+$0x0], $0xffff;
	s5 =	sld [smem:$0x7DB]  }
0x137: {  	s31 =	sor.u32 $0x280, s19;
	v33 =	vtrunc.f32 v62;
	s15 =	sor.u32 s21, s14;
	v30 =	vadd.f32 $5.000000000e-01, v30;
	v42 =	vld.idx.msk [tilespmem:v28+s22+$0x0], $0xffff;
	[dreg:$0xc] =	wrdreg s14  }
0x138: {  	v33 =	vcvt.f32.s32 v33;
	s16 =	sor.u32 s21, s31;
	[tilespmem:v18+s15+$0x0 ss:$0x1] =	vst.idx.msk $0xffff, v26  }
0x139: {  	v63 =	vmul.f32 v23, v5;
	v30 =	vtrunc.f32 v30;
	v28 =	vld.idx.msk [tilespmem:v28+s7+$0x0], $0xffff;
	[tilespmem:v18+s16+$0x0 ss:$0x1] =	vst.idx.msk $0xffff, v27;
	s5 =	sadd.s32 s5, s3  }
0x13a: {  	s18 =	sor.u32 $0x180, s17;
	v30 =	vcvt.f32.s32 v30;
	v45 =	vld.idx.msk [tilespmem:v25+s22+$0x0], $0xffff;
	[tilespmem:s5+$0x0] =	vst v29  }
0x13b: {  	v36 =	vadd.f32 $5.000000000e-01, v63;
	s24 =	sor.u32 $0x100, s17;
	v25 =	vld.idx.msk [tilespmem:v25+s7+$0x0], $0xffff;
	[smem:$0x7F3] =	sst s18  }
0x13c: {  	s20 =	sadd.s32 s24, s10;
	[smem:$0x7E1] =	sst s24  }
0x13d: {  	v41 =	vmul.f32 v24, v5;
	v43 =	vtrunc.f32 v36;
	s25 =	sadd.s32 s18, s10;
	[tilespmem:s20+$0x0] =	vst v40;
	s20 =	sor.u32 $0x200, s4  }
0x13e: {  	v26 =	vcvt.f32.s32 v43;
	v46 =	vld.idx.msk [tilespmem:v33+s22+$0x0], $0xffff;
	[tilespmem:s25+$0x0] =	vst v31;
	s6 =	sor.u32 s21, s20  }
0x13f: {  	s9 =	sor.u32 $0x200, s11;
	v29 =	vadd.f32 $5.000000000e-01, v41;
	v33 =	vld.idx.msk [tilespmem:v33+s7+$0x0], $0xffff;
	[tilespmem:v18+s6+$0x0 ss:$0x1] =	vst.idx.msk $0xffff, v42  }
0x140: {  	s25 =	sor.u32 $0x280, s4;
	v47 =	vld.idx.msk [tilespmem:v30+s22+$0x0], $0xffff;
	[smem:$0x7F4] =	sst s9  }
0x141: {  	v29 =	vtrunc.f32 v29;
	s12 =	sor.u32 s21, s25;
	[smem:$0x7E2] =	sst s25  }
0x142: {  	v44 =	vmul.f32 v21, v6;
	s13 =	sor.u32 s21, s9;
	v29 =	vcvt.f32.s32 v29;
	[tilespmem:v18+s12+$0x0 ss:$0x1] =	vst.idx.msk $0xffff, v28  }
0x143: {  	s14 =	sor.u32 $0x280, s11;
	v30 =	vld.idx.msk [tilespmem:v30+s7+$0x0], $0xffff;
	[tilespmem:v18+s13+$0x0 ss:$0x1] =	vst.idx.msk $0xffff, v45  }
0x144: {  	v36 =	vadd.f32 $5.000000000e-01, v44;
	s16 =	sor.u32 $0x300, s19;
	v48 =	vld.idx.msk [tilespmem:v26+s22+$0x0], $0xffff;
	[smem:$0x7E3] =	sst s14  }
0x145: {  	s15 =	sor.u32 s21, s14;
	[smem:$0x7F7] =	sst s16  }
0x146: {  	v36 =	vtrunc.f32 v36;
	v27 =	vmul.f32 v22, v5;
	s9 =	sor.u32 s21, s16;
	[tilespmem:v18+s15+$0x0 ss:$0x1] =	vst.idx.msk $0xffff, v25  }
0x147: {  	v36 =	vcvt.f32.s32 v36;
	s18 =	sor.u32 $0x380, s2;
	v26 =	vld.idx.msk [tilespmem:v26+s7+$0x0], $0xffff;
	[tilespmem:v18+s9+$0x0 ss:$0x1] =	vst.idx.msk $0xffff, v46  }
0x148: {  	v27 =	vadd.f32 $5.000000000e-01, v27;
	s12 =	sor.u32 s21, s18;
	v49 =	vld.idx.msk [tilespmem:v29+s22+$0x0], $0xffff;
	[dreg:$0x12] =	wrdreg s18  }
0x149: {  	v31 =	vmul.f32 v23, v6;
	s13 =	sor.u32 $0x280, s17;
	[tilespmem:v18+s12+$0x0 ss:$0x1] =	vst.idx.msk $0xffff, v33  }
0x14a: {  	v27 =	vtrunc.f32 v27;
	s16 =	sor.u32 $0x200, s17;
	v29 =	vld.idx.msk [tilespmem:v29+s7+$0x0], $0xffff;
	[smem:$0x7E5] =	sst s13  }
0x14b: {  	v27 =	vcvt.f32.s32 v27;
	v31 =	vadd.f32 $5.000000000e-01, v31;
	v28 =	vmul.f32 v24, v6;
	s15 =	sor.u32 s21, s16;
	[smem:$0x7E4] =	sst s16  }
0x14c: {  	s5 =	sor.u32 s21, s13;
	[tilespmem:v18+s15+$0x0 ss:$0x1] =	vst.idx.msk $0xffff, v47  }
0x14d: {  	s6 =	simm.s32 $0x40;
	v25 =	vadd.f32 $5.000000000e-01, v28;
	v28 =	vtrunc.f32 v31;
	v51 =	vld.idx.msk [tilespmem:v36+s22+$0x0], $0xffff;
	[tilespmem:v18+s5+$0x0 ss:$0x1] =	vst.idx.msk $0xffff, v30  }
0x14e: {  	v28 =	vcvt.f32.s32 v28;
	s13 =	sor.u32 $0x300, s4;
	v36 =	vld.idx.msk [tilespmem:v36+s7+$0x0], $0xffff;
	[dreg:$0x6] =	wrdreg s6  }
0x14f: {  	s15 =	sor.u32 $0x380, s8;
	s9 =	sor.u32 s21, s13;
	[smem:$0x7E8] =	sst s13  }
0x150: {  	v25 =	vtrunc.f32 v25;
	s12 =	sor.u32 s21, s15;
	[tilespmem:v18+s9+$0x0 ss:$0x1] =	vst.idx.msk $0xffff, v48  }
0x151: {  	v31 =	vmul.f32 v21, v7;
	v25 =	vcvt.f32.s32 v25;
	s6 =	sor.u32 $0x300, s11;
	v52 =	vld.idx.msk [tilespmem:v27+s22+$0x0], $0xffff;
	[tilespmem:v18+s12+$0x0 ss:$0x1] =	vst.idx.msk $0xffff, v26  }
0x152: {  	v27 =	vld.idx.msk [tilespmem:v27+s7+$0x0], $0xffff;
	s2 =	sor.u32 s21, s6;
	[smem:$0x7EC] =	sst s6  }
0x153: {  	v31 =	vadd.f32 $5.000000000e-01, v31;
	s12 =	sor.u32 $0x380, s1;
	[tilespmem:v18+s2+$0x0 ss:$0x1] =	vst.idx.msk $0xffff, v49  }
0x154: {  	s8 =	sadd.s32 $0x2000, s10;
	s5 =	sor.u32 s21, s12;
	v53 =	vld.idx.msk [tilespmem:v28+s22+$0x0], $0xffff;
	[smem:$0x7ED] =	sst s12  }
0x155: {  	v31 =	vtrunc.f32 v31;
	s9 =	sadd.s32 s19, s8;
	[tilespmem:v18+s5+$0x0 ss:$0x1] =	vst.idx.msk $0xffff, v29  }
0x156: {  	v31 =	vcvt.f32.s32 v31;
	v28 =	vld.idx.msk [tilespmem:v28+s7+$0x0], $0xffff;
	[tilespmem:s9+$0x0] =	vst v51;
	s5 =	sor.u32 $0x300, s17  }
0x157: {  	v54 =	vld.idx.msk [tilespmem:v25+s22+$0x0], $0xffff;
	[smem:$0x7DD] =	sst s5  }
0x158: {  	s1 =	sadd.s32 s28, s8;
	[smem:$0x7EF] =	sst s28  }
0x159: {  	s2 =	sor.u32 $0x380, s0;
	[tilespmem:s1+$0x0] =	vst v36  }
0x15a: {  	s5 =	sor.u32 s21, s5;
	[smem:$0x7DE] =	sst s2  }
0x15b: {  	v50 =	vmul.f32 v22, v6;
	s9 =	smov.u32 s28;
	s28 =	simm.s32 $0x200;
	v25 =	vld.idx.msk [tilespmem:v25+s7+$0x0], $0xffff;
	[tilespmem:v18+s5+$0x0 ss:$0x1] =	vst.idx.msk $0xffff, v52  }
0x15c: {  	s1 =	sor.u32 s21, s2;
	v56 =	vld.idx.msk [tilespmem:v31+s22+$0x0], $0xffff;
	[dreg:$0x5] =	wrdreg s28  }
0x15d: {  	v33 =	vadd.f32 $5.000000000e-01, v50;
	v30 =	vmul.f32 v23, v7;
	s2 =	sadd.s32 s4, s8;
	[tilespmem:v18+s1+$0x0 ss:$0x1] =	vst.idx.msk $0xffff, v27  }
0x15e: {  	[tilespmem:s2+$0x0] =	vst v53  }
0x15f: {  	v33 =	vtrunc.f32 v33;
	v30 =	vadd.f32 $5.000000000e-01, v30;
	s2 =	sld [smem:$0x7EE]  }
0x160: {  	v33 =	vcvt.f32.s32 v33  }
0x161: {  	v29 =	vtrunc.f32 v30;
	s21 =	sadd.s32 s11, s8  }
0x162: {  	v29 =	vcvt.f32.s32 v29;
	[tilespmem:s21+$0x0] =	vst v54;
	s5 =	sadd.s32 s2, s8  }
0x163: {  	[tilespmem:s5+$0x0] =	vst v28  }
0x164: {  	s21 =	sld [smem:$0x7DC]  }
0x165: {  	v31 =	vld.idx.msk [tilespmem:v31+s7+$0x0], $0xffff  }
0x166: {  	v57 =	vld.idx.msk [tilespmem:v33+s22+$0x0], $0xffff  }
0x167: {  	v33 =	vld.idx.msk [tilespmem:v33+s7+$0x0], $0xffff;
	v28 =	vmul.f32 v24, v8;
	s28 =	sadd.s32 s21, s8  }
0x168: {  	v59 =	vld.idx.msk [tilespmem:v29+s22+$0x0], $0xffff;
	[tilespmem:s28+$0x0] =	vst v25  }
0x169: {  	s1 =	sadd.s32 s29, s8;
	v25 =	vadd.f32 $5.000000000e-01, v28;
	v28 =	vld.idx.msk [tilespmem:v29+s7+$0x0], $0xffff;
	[smem:$0x7F5] =	sst s29  }
0x16a: {  	v26 =	vmul.f32 v24, v7;
	[tilespmem:s1+$0x0] =	vst v56  }
0x16b: {  	s1 =	sld [smem:$0x7F6]  }
0x16c: {  	v26 =	vadd.f32 $5.000000000e-01, v26;
	v30 =	vmul.f32 v21, v8;
	s28 =	sadd.s32 s17, s8  }
0x16d: {  	[tilespmem:s28+$0x0] =	vst v57;
	s28 =	sadd.s32 s26, s8  }
0x16e: {  	v55 =	vmul.f32 v22, v7;
	v26 =	vtrunc.f32 v26;
	v30 =	vadd.f32 $5.000000000e-01, v30;
	[tilespmem:s28+$0x0] =	vst v59;
	s5 =	sadd.s32 s1, s8  }
0x16f: {  	v26 =	vcvt.f32.s32 v26;
	[tilespmem:s5+$0x0] =	vst v31;
	s5 =	sadd.s32 s30, s8  }
0x170: {  	v36 =	vadd.f32 $5.000000000e-01, v55;
	v30 =	vtrunc.f32 v30;
	v27 =	vmul.f32 v23, v8;
	[tilespmem:s5+$0x0] =	vst v33  }
0x171: {  	v30 =	vcvt.f32.s32 v30;
	s28 =	sld [smem:$0x7F0]  }
0x172: {  	v36 =	vtrunc.f32 v36;
	v27 =	vadd.f32 $5.000000000e-01, v27  }
0x173: {  	v58 =	vcvt.f32.s32 v36  }
0x174: {  	v27 =	vtrunc.f32 v27;
	s5 =	sadd.s32 s28, s8  }
0x175: {  	v27 =	vcvt.f32.s32 v27;
	v60 =	vld.idx.msk [tilespmem:v26+s22+$0x0], $0xffff;
	[tilespmem:s5+$0x0] =	vst v28  }
0x176: {  	v26 =	vld.idx.msk [tilespmem:v26+s7+$0x0], $0xffff;
	s5 =	sld [smem:$0x7F1]  }
0x177: {  	v61 =	vld.idx.msk [tilespmem:v30+s22+$0x0], $0xffff  }
0x178: {  	v30 =	vld.idx.msk [tilespmem:v30+s7+$0x0], $0xffff  }
0x179: {  	v25 =	vtrunc.f32 v25;
	v63 =	vld.idx.msk [tilespmem:v58+s22+$0x0], $0xffff;
	s26 =	sadd.s32 s5, s8  }
0x17a: {  	v25 =	vcvt.f32.s32 v25;
	v32 =	vld.idx.msk [tilespmem:v58+s7+$0x0], $0xffff;
	[tilespmem:s26+$0x0] =	vst v60  }
0x17b: {  	s0 =	sadd.s32 s23, s8;
	v40 =	vld.idx.msk [tilespmem:v27+s22+$0x0], $0xffff;
	[smem:$0x7F2] =	sst s23  }
0x17c: {  	[tilespmem:s0+$0x0] =	vst v26  }
0x17d: {  	s26 =	smov.u32 s23;
	s23 =	rddreg [dreg:$0xc]  }
0x17e: {  	s0 =	sadd.s32 s23, s8  }
0x17f: {  	v27 =	vld.idx.msk [tilespmem:v27+s7+$0x0], $0xffff;
	[tilespmem:s0+$0x0] =	vst v61  }
0x180: {  	v42 =	vld.idx.msk [tilespmem:v25+s22+$0x0], $0xffff;
	s0 =	sadd.s32 s31, s8;
	[dreg:$0x10] =	wrdreg s31  }
0x181: {  	s24 =	sadd.s32 s24, s8;
	[tilespmem:s0+$0x0] =	vst v30  }
0x182: {  	[tilespmem:s24+$0x0] =	vst v63  }
0x183: {  	s24 =	sld [smem:$0x7F3]  }
0x184: {  	v29 =	vmul.f32 v21, v9;
	_ =	sdelay $0x1  }
0x185: {  	v29 =	vadd.f32 $5.000000000e-01, v29;
	v31 =	vmul.f32 v22, v8;
	s0 =	sadd.s32 s24, s8  }
0x186: {  	v62 =	vmul.f32 v23, v9;
	[tilespmem:s0+$0x0] =	vst v32;
	s0 =	sadd.s32 s20, s8  }
0x187: {  	s25 =	sadd.s32 s25, s8;
	v29 =	vtrunc.f32 v29;
	v31 =	vadd.f32 $5.000000000e-01, v31;
	[tilespmem:s0+$0x0] =	vst v40  }
0x188: {  	v39 =	vmul.f32 v24, v9;
	v29 =	vcvt.f32.s32 v29;
	v28 =	vadd.f32 $5.000000000e-01, v62;
	[tilespmem:s25+$0x0] =	vst v27  }
0x189: {  	v31 =	vtrunc.f32 v31;
	v25 =	vld.idx.msk [tilespmem:v25+s7+$0x0], $0xffff;
	s25 =	sld [smem:$0x7F4]  }
0x18a: {  	v31 =	vcvt.f32.s32 v31;
	v26 =	vtrunc.f32 v28;
	v28 =	vadd.f32 $5.000000000e-01, v39  }
0x18b: {  	v41 =	vmul.f32 v21, v10  }
0x18c: {  	v26 =	vcvt.f32.s32 v26;
	v28 =	vtrunc.f32 v28;
	s0 =	sadd.s32 s25, s8  }
0x18d: {  	s14 =	sadd.s32 s14, s8;
	v28 =	vcvt.f32.s32 v28;
	[tilespmem:s0+$0x0] =	vst v42  }
0x18e: {  	v33 =	vadd.f32 $5.000000000e-01, v41;
	v43 =	vld.idx.msk [tilespmem:v29+s22+$0x0], $0xffff;
	[tilespmem:s14+$0x0] =	vst v25  }
0x18f: {  	v29 =	vld.idx.msk [tilespmem:v29+s7+$0x0], $0xffff;
	s14 =	sld [smem:$0x7F7]  }
0x190: {  	v33 =	vtrunc.f32 v33;
	v45 =	vld.idx.msk [tilespmem:v31+s22+$0x0], $0xffff  }
0x191: {  	v33 =	vcvt.f32.s32 v33  }
0x192: {  	v30 =	vmul.f32 v22, v9;
	v47 =	vld.idx.msk [tilespmem:v26+s22+$0x0], $0xffff;
	s0 =	sadd.s32 s14, s8  }
0x193: {  	s18 =	sadd.s32 s18, s8;
	v49 =	vld.idx.msk [tilespmem:v28+s22+$0x0], $0xffff;
	[tilespmem:s0+$0x0] =	vst v43  }
0x194: {  	v30 =	vadd.f32 $5.000000000e-01, v30;
	v26 =	vld.idx.msk [tilespmem:v26+s7+$0x0], $0xffff;
	[tilespmem:s18+$0x0] =	vst v29;
	s18 =	sadd.s32 s16, s8  }
0x195: {  	v31 =	vld.idx.msk [tilespmem:v31+s7+$0x0], $0xffff;
	[tilespmem:s18+$0x0] =	vst v45  }
0x196: {  	v44 =	vmul.f32 v23, v10;
	v27 =	vtrunc.f32 v30;
	v28 =	vld.idx.msk [tilespmem:v28+s7+$0x0], $0xffff;
	s16 =	sadd.s32 s13, s8;
	s0 =	sld [smem:$0x7E5]  }
0x197: {  	s6 =	sadd.s32 s6, s8;
	v27 =	vcvt.f32.s32 v27;
	v50 =	vld.idx.msk [tilespmem:v33+s22+$0x0], $0xffff;
	[tilespmem:s16+$0x0] =	vst v47  }
0x198: {  	v46 =	vmul.f32 v24, v10;
	v48 =	vmul.f32 v21, v11;
	v30 =	vadd.f32 $5.000000000e-01, v44;
	v33 =	vld.idx.msk [tilespmem:v33+s7+$0x0], $0xffff;
	s18 =	sadd.s32 s15, s8;
	[tilespmem:s6+$0x0] =	vst v49  }
0x199: {  	[tilespmem:s18+$0x0] =	vst v26;
	s0 =	sadd.s32 s0, s8  }
0x19a: {  	s12 =	sadd.s32 s12, s8;
	v32 =	vadd.f32 $5.000000000e-01, v48;
	v25 =	vtrunc.f32 v30;
	v30 =	vadd.f32 $5.000000000e-01, v46;
	[tilespmem:s0+$0x0] =	vst v31;
	s0 =	sadd.s32 $0x4000, s10  }
0x19b: {  	v25 =	vcvt.f32.s32 v25;
	[tilespmem:s12+$0x0] =	vst v28;
	s13 =	sadd.s32 s19, s0  }
0x19c: {  	v32 =	vtrunc.f32 v32;
	v30 =	vtrunc.f32 v30;
	s16 =	sadd.s32 s9, s0;
	[tilespmem:s13+$0x0] =	vst v50  }
0x19d: {  	v30 =	vcvt.f32.s32 v30;
	v29 =	vmul.f32 v22, v10;
	v51 =	vld.idx.msk [tilespmem:v27+s22+$0x0], $0xffff;
	[tilespmem:s16+$0x0] =	vst v33  }
0x19e: {  	v32 =	vcvt.f32.s32 v32;
	s30 =	sld [smem:$0x7DD]  }
0x19f: {  	v29 =	vadd.f32 $5.000000000e-01, v29  }
0x1a0: {  	v31 =	vmul.f32 v23, v11  }
0x1a1: {  	v29 =	vtrunc.f32 v29;
	v52 =	vld.idx.msk [tilespmem:v25+s22+$0x0], $0xffff;
	s18 =	sadd.s32 s30, s8  }
0x1a2: {  	v29 =	vcvt.f32.s32 v29;
	v27 =	vld.idx.msk [tilespmem:v27+s7+$0x0], $0xffff;
	v26 =	vadd.f32 $5.000000000e-01, v31;
	v31 =	vmul.f32 v24, v11;
	[tilespmem:s18+$0x0] =	vst v51  }
0x1a3: {  	v53 =	vld.idx.msk [tilespmem:v30+s22+$0x0], $0xffff;
	s9 =	sld [smem:$0x7DE]  }
0x1a4: {  	v28 =	vadd.f32 $5.000000000e-01, v31;
	v31 =	vmul.f32 v21, v12;
	v55 =	vld.idx.msk [tilespmem:v32+s22+$0x0], $0xffff  }
0x1a5: {  	v25 =	vld.idx.msk [tilespmem:v25+s7+$0x0], $0xffff;
	s12 =	sadd.s32 s4, s0  }
0x1a6: {  	v30 =	vld.idx.msk [tilespmem:v30+s7+$0x0], $0xffff;
	v31 =	vadd.f32 $5.000000000e-01, v31;
	[tilespmem:s12+$0x0] =	vst v52;
	s8 =	sadd.s32 s9, s8  }
0x1a7: {  	s16 =	sadd.s32 s11, s0;
	v32 =	vld.idx.msk [tilespmem:v32+s7+$0x0], $0xffff;
	v28 =	vtrunc.f32 v28;
	[tilespmem:s8+$0x0] =	vst v27  }
0x1a8: {  	s13 =	sadd.s32 s2, s0;
	s2 =	sadd.s32 s29, s0;
	v28 =	vcvt.f32.s32 v28;
	v31 =	vtrunc.f32 v31;
	[tilespmem:s16+$0x0] =	vst v53;
	v57 =	vld.idx.msk [tilespmem:v29+s22+$0x0], $0xffff  }
0x1a9: {  	v31 =	vcvt.f32.s32 v31;
	[tilespmem:s2+$0x0] =	vst v55  }
0x1aa: {  	s18 =	sadd.s32 s21, s0;
	[tilespmem:s13+$0x0] =	vst v25  }
0x1ab: {  	v26 =	vtrunc.f32 v26;
	[tilespmem:s18+$0x0] =	vst v30;
	s8 =	sadd.s32 s1, s0  }
0x1ac: {  	v26 =	vcvt.f32.s32 v26;
	s12 =	sadd.s32 s17, s0;
	[tilespmem:s8+$0x0] =	vst v32  }
0x1ad: {  	v54 =	vmul.f32 v22, v11;
	v29 =	vld.idx.msk [tilespmem:v29+s7+$0x0], $0xffff;
	[tilespmem:s12+$0x0] =	vst v57  }
0x1ae: {  	v60 =	vld.idx.msk [tilespmem:v28+s22+$0x0], $0xffff;
	s29 =	sld [smem:$0x7DF]  }
0x1af: {  	v56 =	vmul.f32 v23, v12;
	v27 =	vadd.f32 $5.000000000e-01, v54;
	v62 =	vld.idx.msk [tilespmem:v31+s22+$0x0], $0xffff  }
0x1b0: {  	v28 =	vld.idx.msk [tilespmem:v28+s7+$0x0], $0xffff  }
0x1b1: {  	v33 =	vadd.f32 $5.000000000e-01, v56;
	v27 =	vtrunc.f32 v27;
	v31 =	vld.idx.msk [tilespmem:v31+s7+$0x0], $0xffff;
	s13 =	sadd.s32 s29, s0  }
0x1b2: {  	v58 =	vld.idx.msk [tilespmem:v26+s22+$0x0], $0xffff;
	s1 =	sadd.s32 s5, s0;
	v27 =	vcvt.f32.s32 v27;
	[tilespmem:s13+$0x0] =	vst v29  }
0x1b3: {  	v25 =	vmul.f32 v24, v12;
	v30 =	vtrunc.f32 v33;
	v26 =	vld.idx.msk [tilespmem:v26+s7+$0x0], $0xffff;
	s5 =	sadd.s32 s23, s0;
	s18 =	sld [smem:$0x7E0];
	[tilespmem:s1+$0x0] =	vst v60  }
0x1b4: {  	s2 =	sadd.s32 s26, s0;
	v30 =	vcvt.f32.s32 v30;
	[tilespmem:s5+$0x0] =	vst v62  }
0x1b5: {  	v25 =	vadd.f32 $5.000000000e-01, v25;
	s8 =	sadd.s32 s31, s0;
	[tilespmem:s2+$0x0] =	vst v28  }
0x1b6: {  	[tilespmem:s8+$0x0] =	vst v31;
	s16 =	sadd.s32 s18, s0  }
0x1b7: {  	s28 =	sadd.s32 s28, s0;
	v25 =	vtrunc.f32 v25;
	[tilespmem:s16+$0x0] =	vst v58  }
0x1b8: {  	v59 =	vmul.f32 v21, v13;
	v25 =	vcvt.f32.s32 v25;
	v37 =	vld.idx.msk [tilespmem:v27+s22+$0x0], $0xffff;
	[tilespmem:s28+$0x0] =	vst v26  }
0x1b9: {  	v27 =	vld.idx.msk [tilespmem:v27+s7+$0x0], $0xffff;
	s16 =	sld [smem:$0x7E1]  }
0x1ba: {  	v33 =	vadd.f32 $5.000000000e-01, v59;
	v40 =	vld.idx.msk [tilespmem:v30+s22+$0x0], $0xffff;
	_ =	sdelay $0x1  }
0x1bb: {  	v33 =	vtrunc.f32 v33;
	s12 =	sadd.s32 s16, s0  }
0x1bc: {  	v33 =	vcvt.f32.s32 v33;
	s13 =	sadd.s32 s24, s0;
	[tilespmem:s12+$0x0] =	vst v37  }
0x1bd: {  	s23 =	sadd.s32 s20, s0;
	v41 =	vld.idx.msk [tilespmem:v25+s22+$0x0], $0xffff;
	[tilespmem:s13+$0x0] =	vst v27  }
0x1be: {  	v28 =	vld.idx.msk [tilespmem:v30+s7+$0x0], $0xffff;
	[tilespmem:s23+$0x0] =	vst v40  }
0x1bf: {  	s13 =	sld [smem:$0x7E2]  }
0x1c0: {  	v61 =	vmul.f32 v22, v12  }
0x1c1: {  	s25 =	sadd.s32 s25, s0;
	v25 =	vld.idx.msk [tilespmem:v25+s7+$0x0], $0xffff  }
0x1c2: {  	v32 =	vadd.f32 $5.000000000e-01, v61;
	v29 =	vmul.f32 v23, v13;
	v43 =	vld.idx.msk [tilespmem:v33+s22+$0x0], $0xffff;
	[tilespmem:s25+$0x0] =	vst v41;
	s24 =	sadd.s32 s13, s0  }
0x1c3: {  	[tilespmem:s24+$0x0] =	vst v28  }
0x1c4: {  	v26 =	vadd.f32 $5.000000000e-01, v29;
	v29 =	vtrunc.f32 v32;
	s31 =	sld [smem:$0x7E3]  }
0x1c5: {  	v29 =	vcvt.f32.s32 v29  }
0x1c6: {  	v44 =	vld.idx.msk [tilespmem:v33+s7+$0x0], $0xffff;
	s28 =	sadd.s32 s14, s0  }
0x1c7: {  	[tilespmem:s28+$0x0] =	vst v43;
	s26 =	sadd.s32 s31, s0  }
0x1c8: {  	[tilespmem:s26+$0x0] =	vst v25  }
0x1c9: {  	s28 =	rddreg [dreg:$0x12]  }
0x1ca: {  	s1 =	sadd.s32 s28, s0  }
0x1cb: {  	v46 =	vld.idx.msk [tilespmem:v29+s22+$0x0], $0xffff;
	[tilespmem:s1+$0x0] =	vst v44  }
0x1cc: {  	s26 =	sld [smem:$0x7E4]  }
0x1cd: {  	v63 =	vmul.f32 v24, v13;
	_ =	sdelay $0x1  }
0x1ce: {  	v39 =	vadd.f32 $5.000000000e-01, v63;
	v30 =	vmul.f32 v21, v14;
	v26 =	vtrunc.f32 v26;
	s2 =	sadd.s32 s26, s0  }
0x1cf: {  	v26 =	vcvt.f32.s32 v26;
	v29 =	vld.idx.msk [tilespmem:v29+s7+$0x0], $0xffff;
	[tilespmem:s2+$0x0] =	vst v46  }
0x1d0: {  	v34 =	vtrunc.f32 v39;
	v30 =	vadd.f32 $5.000000000e-01, v30;
	s12 =	sld [smem:$0x7E5]  }
0x1d1: {  	v34 =	vcvt.f32.s32 v34  }
0x1d2: {  	v30 =	vtrunc.f32 v30  }
0x1d3: {  	v30 =	vcvt.f32.s32 v30;
	s5 =	sadd.s32 s12, s0  }
0x1d4: {  	[tilespmem:s5+$0x0] =	vst v29  }
0x1d5: {  	v39 =	vld.idx.msk [tilespmem:v26+s22+$0x0], $0xffff;
	s6 =	sld [smem:$0x7E6]  }
0x1d6: {  	v26 =	vld.idx.msk [tilespmem:v26+s7+$0x0], $0xffff;
	s8 =	sld [smem:$0x7E7]  }
0x1d7: {  	v50 =	vld.idx.msk [tilespmem:v34+s22+$0x0], $0xffff;
	s23 =	sld [smem:$0x7E9]  }
0x1d8: {  	v34 =	vld.idx.msk [tilespmem:v34+s7+$0x0], $0xffff;
	s5 =	sld [smem:$0x7E8];
	s1 =	sadd.s32 s6, s3  }
0x1d9: {  	v52 =	vld.idx.msk [tilespmem:v30+s22+$0x0], $0xffff;
	[dreg:$0x8] =	wrdreg s1;
	s1 =	sadd.s32 s8, s3  }
0x1da: {  	[dreg:$0x7] =	wrdreg s1;
	s1 =	sadd.s32 s23, s3  }
0x1db: {  	s14 =	sadd.s32 s5, s0;
	v30 =	vld.idx.msk [tilespmem:v30+s7+$0x0], $0xffff;
	[dreg:$0xb] =	wrdreg s1  }
0x1dc: {  	[tilespmem:s14+$0x0] =	vst v39  }
0x1dd: {  	s24 =	sld [smem:$0x7EA]  }
0x1de: {  	s25 =	sld [smem:$0x7FB];
	_ =	sdelay $0x1  }
0x1df: {  	v38 =	vmul.f32 v22, v13  }
0x1e0: {  	s1 =	sadd.s32 s25, s24  }
0x1e1: {  	v32 =	vadd.f32 $5.000000000e-01, v38;
	s2 =	sadd.s32 s15, s0;
	[smem:$0x7EB] =	sst s1  }
0x1e2: {  	v31 =	vmul.f32 v23, v14;
	[tilespmem:s2+$0x0] =	vst v26  }
0x1e3: {  	v32 =	vtrunc.f32 v32;
	s23 =	smov.u32 s15;
	s15 =	sld [smem:$0x7EC]  }
0x1e4: {  	v27 =	vadd.f32 $5.000000000e-01, v31;
	v31 =	vcvt.f32.s32 v32;
	s2 =	sld [smem:$0x7ED]  }
0x1e5: {  	v28 =	vmul.f32 v23, v15  }
0x1e6: {  	v42 =	vmul.f32 v24, v14;
	s6 =	sadd.s32 s15, s0  }
0x1e7: {  	v45 =	vmul.f32 v22, v14;
	v25 =	vadd.f32 $5.000000000e-01, v28;
	s8 =	sadd.s32 $0x6000, s10;
	s10 =	sadd.s32 s2, s0;
	[tilespmem:s6+$0x0] =	vst v50  }
0x1e8: {  	v49 =	vmul.f32 v21, v15;
	v37 =	vadd.f32 $5.000000000e-01, v42;
	v27 =	vtrunc.f32 v27;
	s19 =	sadd.s32 s19, s8;
	[tilespmem:s10+$0x0] =	vst v34  }
0x1e9: {  	v47 =	vcvt.f32.s32 v27;
	v25 =	vtrunc.f32 v25;
	s14 =	sld [smem:$0x7EE];
	[tilespmem:s19+$0x0] =	vst v52  }
0x1ea: {  	v28 =	vtrunc.f32 v37;
	v37 =	vadd.f32 $5.000000000e-01, v49;
	v53 =	vcvt.f32.s32 v25;
	v25 =	vld.idx.msk [tilespmem:v31+s22+$0x0], $0xffff;
	s24 =	sld [smem:$0x7EF]  }
0x1eb: {  	v28 =	vcvt.f32.s32 v28  }
0x1ec: {  	v27 =	vadd.f32 $5.000000000e-01, v45;
	v37 =	vtrunc.f32 v37  }
0x1ed: {  	v37 =	vcvt.f32.s32 v37;
	v31 =	vld.idx.msk [tilespmem:v31+s7+$0x0], $0xffff;
	s10 =	sadd.s32 s11, s8;
	s11 =	sadd.s32 s24, s8  }
0x1ee: {  	v27 =	vtrunc.f32 v27;
	s3 =	sadd.s32 s30, s0;
	s25 =	smov.u32 s9;
	[tilespmem:s11+$0x0] =	vst v30  }
0x1ef: {  	v51 =	vcvt.f32.s32 v27;
	s1 =	smov.u32 s30;
	v54 =	vld.idx.msk [tilespmem:v47+s22+$0x0], $0xffff;
	s0 =	sadd.s32 s9, s0;
	s11 =	sld [smem:$0x7F0];
	[tilespmem:s3+$0x0] =	vst v25  }
0x1f0: {  	v48 =	vmul.f32 v24, v15;
	v36 =	vld.idx.msk [tilespmem:v47+s7+$0x0], $0xffff;
	s9 =	sadd.s32 s4, s8;
	s19 =	sadd.s32 s18, s8;
	s3 =	sld [smem:$0x7F1]  }
0x1f1: {  	v29 =	vmul.f32 v23, v16;
	v23 =	vmul.f32 v23, v17;
	v57 =	vld.idx.msk [tilespmem:v28+s22+$0x0], $0xffff;
	s6 =	sadd.s32 s14, s8;
	s14 =	sadd.s32 s20, s8;
	s20 =	sadd.s32 s16, s8  }
0x1f2: {  	v40 =	vmul.f32 v24, v16;
	v24 =	vmul.f32 v24, v17;
	v58 =	vld.idx.msk [tilespmem:v28+s7+$0x0], $0xffff;
	s16 =	sadd.s32 s13, s8;
	s30 =	sadd.s32 s11, s8;
	s11 =	sld [smem:$0x7F2];
	[tilespmem:s0+$0x0] =	vst v31  }
0x1f3: {  	v55 =	vmul.f32 v22, v16;
	v33 =	vadd.f32 $5.000000000e-01, v48;
	v23 =	vadd.f32 $5.000000000e-01, v23;
	v59 =	vld.idx.msk [tilespmem:v37+s22+$0x0], $0xffff;
	s24 =	sadd.s32 s3, s8;
	s0 =	sld [smem:$0x7F3];
	s3 =	sadd.s32 s5, s8  }
0x1f4: {  	v24 =	vadd.f32 $5.000000000e-01, v24;
	v27 =	vmul.f32 v22, v15;
	v25 =	vmul.f32 v22, v17;
	v22 =	vld.idx.msk [tilespmem:v37+s7+$0x0], $0xffff;
	[tilespmem:s9+$0x0] =	vst v54;
	s5 =	simm.s32 $0x800;
	s9 =	sadd.s32 s26, s8;
	s26 =	smov.u32 s28  }
0x1f5: {  	v20 =	vmul.f32 v20, v17;
	v31 =	vtrunc.f32 v23;
	v23 =	vld.idx.msk [tilespmem:v51+s22+$0x0], $0xffff;
	s28 =	sadd.s32 s15, s8;
	s13 =	sld [smem:$0x7F4];
	[tilespmem:s6+$0x0] =	vst v36;
	s6 =	simm.s32 $0x0  }
0x1f6: {  	v33 =	vtrunc.f32 v33;
	v61 =	vadd.f32 $5.000000000e-01, v25;
	v25 =	vtrunc.f32 v24;
	v24 =	vld.idx.msk [tilespmem:v51+s5+$0x0], $0xffff;
	s18 =	sadd.s32 s11, s8;
	s11 =	sadd.s32 s31, s8;
	s31 =	rddreg [dreg:$0x10];
	[tilespmem:s10+$0x0] =	vst v57  }
0x1f7: {  	v20 =	vadd.f32 $5.000000000e-01, v20;
	v26 =	vcvt.f32.s32 v33;
	s4 =	sadd.s32 s21, s8;
	v33 =	vld.idx.msk [tilespmem:v53+s6+$0x0], $0xffff;
	[dreg:$0x1c] =	wrdreg s28  }
0x1f8: {  	s10 =	rddreg [dreg:$0xc];
	[tilespmem:s4+$0x0] =	vst v58  }
0x1f9: {  	v20 =	vtrunc.f32 v20;
	v27 =	vadd.f32 $5.000000000e-01, v27;
	s7 =	sld [smem:$0x7F5]  }
0x1fa: {  	v60 =	vmul.f32 v21, v16;
	v29 =	vadd.f32 $5.000000000e-01, v29;
	v34 =	vadd.f32 $5.000000000e-01, v55  }
0x1fb: {  	v20 =	vcvt.f32.s32 v20;
	v27 =	vtrunc.f32 v27  }
0x1fc: {  	v29 =	vtrunc.f32 v29;
	s21 =	sadd.s32 s17, s8;
	v28 =	vtrunc.f32 v34;
	v34 =	vadd.f32 $5.000000000e-01, v60;
	s17 =	sadd.s32 s0, s8;
	s0 =	sadd.s32 s7, s8  }
0x1fd: {  	v56 =	vadd.f32 $5.000000000e-01, v40;
	v27 =	vcvt.f32.s32 v27;
	v29 =	vcvt.f32.s32 v29;
	s4 =	sadd.s32 s25, s8;
	s25 =	sld [smem:$0x7F6];
	[tilespmem:s0+$0x0] =	vst v59  }
0x1fe: {  	v28 =	vcvt.f32.s32 v28;
	v63 =	vtrunc.f32 v34;
	s0 =	sld [smem:$0x7F7]  }
0x1ff: {  	s29 =	sadd.s32 s29, s8;
	v35 =	vcvt.f32.s32 v63;
	v30 =	vtrunc.f32 v56;
	s28 =	sld [smem:$0x7F8]  }
0x200: {  	s12 =	sadd.s32 s12, s8;
	v30 =	vcvt.f32.s32 v30;
	v25 =	vcvt.f32.s32 v25;
	s22 =	sadd.s32 s23, s8;
	s23 =	sadd.s32 s2, s8  }
0x201: {  	v31 =	vcvt.f32.s32 v31;
	v62 =	vtrunc.f32 v61;
	s15 =	sadd.s32 s1, s8;
	s13 =	sadd.s32 s13, s8;
	v34 =	vld.idx.msk [tilespmem:v53+s5+$0x0], $0xffff;
	s1 =	sadd.s32 s25, s8  }
0x202: {  	v32 =	vcvt.f32.s32 v62;
	v36 =	vmul.f32 v21, v17;
	v21 =	vld.idx.msk [tilespmem:v26+s6+$0x0], $0xffff;
	s7 =	simm.s32 $0x4;
	s0 =	sadd.s32 s0, s8;
	s2 =	sadd.s32 $0x40, s28  }
.LBB2_3:
0x203: {  	_ = 	snop  }
0x204: {  	v37 =	vld [tilespmem:s2+$0x10];
	[tilespmem:s21+$0x0] =	vst v23  }
0x205: {  	v60 =	vld [tilespmem:s2+$0xFFFFFFE0];
	[tilespmem:s29+$0x0] =	vst v24  }
0x206: {  	[tilespmem:s1+$0x0] =	vst v22;
	v22 =	vadd.f32 $5.000000000e-01, v36;
	v62 =	vld [tilespmem:s2+$0x0]  }
0x207: {  	v63 =	vld.idx.msk [tilespmem:v27+s6+$0x0], $0xffff  }
0x208: {  	s21 =	rddreg [dreg:$0x8];
	v23 =	vld.idx.msk [tilespmem:v35+s6+$0x0], $0xffff;
	v22 =	vtrunc.f32 v22  }
0x209: {  	v61 =	vcvt.f32.s32 v22;
	v22 =	vld [tilespmem:s2+$0xFFFFFFF0];
	[tilespmem:s21+$0x0] =	vst v19  }
0x20a: {  	[tilespmem:s19+$0x0] =	vst v33;
	v19 =	vadd.f32 v37, v1;
	v26 =	vld.idx.msk [tilespmem:v26+s5+$0x0], $0xffff  }
0x20b: {  	[tilespmem:s30+$0x0] =	vst v34;
	v24 =	vld.idx.msk [tilespmem:v35+s5+$0x0], $0xffff  }
0x20c: {  	[tilespmem:s24+$0x0] =	vst v21;
	v21 =	vmul.f32 v19, v2;
	v19 =	vld.idx.msk [tilespmem:v27+s5+$0x0], $0xffff  }
0x20d: {  	v44 =	vld.idx.msk [tilespmem:v29+s6+$0x0], $0xffff  }
0x20e: {  	v29 =	vld.idx.msk [tilespmem:v29+s5+$0x0], $0xffff  }
0x20f: {  	[smem:$0x7A6] =	sst s4;
	[tilespmem:s18+$0x0] =	vst v26;
	v26 =	vld.idx.msk [tilespmem:v20+s6+$0x0], $0xffff  }
0x210: {  	[dreg:$0x9] =	wrdreg s2;
	s28 =	sadd.s32 s10, s8;
	[tilespmem:s20+$0x0] =	vst v63;
	v40 =	vld.idx.msk [tilespmem:v30+s6+$0x0], $0xffff  }
0x211: {  	s7 =	sadd.s32 $0x4, s7;
	s10 =	smov.u32 s15;
	s15 =	rddreg [dreg:$0x4];
	v30 =	vld.idx.msk [tilespmem:v30+s5+$0x0], $0xffff;
	[tilespmem:s17+$0x0] =	vst v19  }
0x212: {  	s25 =	smov.u32 s23;
	[dreg:$0xa] =	wrdreg s7;
	[tilespmem:s28+$0x0] =	vst v23;
	v23 =	vadd.f32 v60, v1;
	v51 =	vld.idx.msk [tilespmem:v28+s6+$0x0], $0xffff  }
0x213: {  	[dreg:$0x8] =	wrdreg s25;
	s2 =	sadd.s32 s31, s8;
	v28 =	vld.idx.msk [tilespmem:v28+s5+$0x0], $0xffff  }
0x214: {  	s19 =	rddreg [dreg:$0xb];
	[tilespmem:s2+$0x0] =	vst v24;
	v43 =	vmul.f32 v21, v0;
	v22 =	vadd.f32 v22, v1;
	v24 =	vmul.f32 v23, v2  }
0x215: {  	s4 =	sadd.s32 s26, s8;
	s8 =	rddreg [dreg:$0x7];
	v23 =	vadd.f32 v62, v1;
	v27 =	vld.idx.msk [tilespmem:v61+s5+$0x0], $0xffff  }
0x216: {  	[dreg:$0x7] =	wrdreg s10;
	[tilespmem:s14+$0x0] =	vst v44;
	v34 =	vadd.f32 $5.000000000e-01, v43;
	v22 =	vmul.f32 v22, v2;
	v45 =	vmul.f32 v24, v0  }
0x217: {  	p2 =	slt.u32 s7, $0x3C;
	v52 =	vmul.f32 v21, v3;
	v23 =	vmul.f32 v23, v2;
	[tilespmem:s11+$0x0] =	vst v30;
	s11 =	rddreg [dreg:$0x6]  }
0x218: {  	s7 =	simm.s32 $0x800;
	v34 =	vtrunc.f32 v34;
	v39 =	vmul.f32 v22, v0;
	v46 =	vadd.f32 $5.000000000e-01, v45;
	v30 =	vld.idx.msk [tilespmem:v20+s5+$0x0], $0xffff;
	[tilespmem:s12+$0x0] =	vst v28;
	s24 =	sadd.s32 $0x40, s11;
	s12 =	rddreg [dreg:$0x5]  }
0x219: {  	[tilespmem:s16+$0x0] =	vst v29;
	v47 =	vmul.f32 v23, v0;
	v34 =	vcvt.f32.s32 v34;
	s16 =	sadd.s32 $0x200, s12;
	s14 =	sadd.s32 $0x30, s24;
	[dreg:$0x6] =	wrdreg s24  }
0x21a: {  	v33 =	vld.idx.msk [tilespmem:v61+s6+$0x0], $0xffff;
	v48 =	vmul.f32 v22, v3;
	v19 =	vadd.f32 $5.000000000e-01, v39;
	[tilespmem:s4+$0x0] =	vst v27;
	v27 =	vtrunc.f32 v46;
	s2 =	sadd.s32 $0x10, s24;
	s20 =	sadd.s32 $0x20, s24;
	[smem:$0x7A7] =	sst s14  }
0x21b: {  	v38 =	vmul.f32 v24, v3;
	v41 =	vcvt.f32.s32 v27;
	s18 =	sand.u32 $0x70, s14;
	s26 =	sand.u32 $0x50, s2;
	[dreg:$0x5] =	wrdreg s16  }
0x21c: {  	v49 =	vadd.f32 $5.000000000e-01, v47;
	v29 =	vadd.f32 $5.000000000e-01, v48;
	v19 =	vtrunc.f32 v19;
	s4 =	sand.u32 $0x60, s20;
	s17 =	sor.u32 $0x80, s18;
	[dreg:$0x13] =	wrdreg s26  }
0x21d: {  	v53 =	vld.idx.msk [tilespmem:v31+s6+$0x0], $0xffff;
	v27 =	vadd.f32 $5.000000000e-01, v38;
	[tilespmem:s13+$0x0] =	vst v40;
	v38 =	vadd.f32 $5.000000000e-01, v52;
	v19 =	vcvt.f32.s32 v19;
	s13 =	sand.u32 $0x1C00, s16;
	s25 =	sor.u32 $0x80, s4;
	[dreg:$0x15] =	wrdreg s17  }
0x21e: {  	v31 =	vld.idx.msk [tilespmem:v31+s5+$0x0], $0xffff;
	[tilespmem:s8+$0x0] =	vst v26;
	v36 =	vtrunc.f32 v49;
	v29 =	vtrunc.f32 v29;
	s8 =	sadd.s32 s13, s15;
	s23 =	sor.u32 $0x80, s26;
	[smem:$0x7AD] =	sst s25  }
0x21f: {  	v36 =	vcvt.f32.s32 v36;
	v56 =	vtrunc.f32 v38;
	v55 =	vld.idx.msk [tilespmem:v34+s6+$0x0], $0xffff;
	s13 =	sand.u32 $0x40, s24;
	s12 =	sor.u32 $0x100, s18;
	[dreg:$0x17] =	wrdreg s23  }
0x220: {  	[tilespmem:s9+$0x0] =	vst v51;
	v26 =	vcvt.f32.s32 v29;
	v29 =	vld.idx.msk [tilespmem:v34+s5+$0x0], $0xffff;
	v34 =	vcvt.f32.s32 v56;
	s1 =	sor.u32 $0x200, s26;
	s29 =	sor.u32 $0x300, s26;
	[dreg:$0x1e] =	wrdreg s12  }
0x221: {  	[tilespmem:s19+$0x0] =	vst v30;
	s21 =	sadd.s32 s17, s8;
	s28 =	sadd.s32 s13, s8;
	[smem:$0x7B1] =	sst s1;
	v57 =	vld.idx.msk [tilespmem:v41+s6+$0x0], $0xffff  }
0x222: {  	s9 =	sadd.s32 s23, s8;
	s17 =	sor.u32 $0x100, s26;
	[dreg:$0x19] =	wrdreg s29;
	v28 =	vld.idx.msk [tilespmem:v41+s5+$0x0], $0xffff;
	[tilespmem:s3+$0x0] =	vst v53  }
0x223: {  	v50 =	vmul.f32 v23, v3;
	v27 =	vtrunc.f32 v27;
	s19 =	sor.u32 $0x180, s26;
	[tilespmem:s22+$0x0] =	vst v31;
	s3 =	sadd.s32 s18, s8;
	[smem:$0x7B8] =	sst s17;
	v61 =	vld.idx.msk [tilespmem:v19+s6+$0x0], $0xffff  }
0x224: {  	v54 =	vcvt.f32.s32 v27;
	s11 =	sadd.s32 s26, s8;
	s23 =	sor.u32 $0x100, s13;
	[smem:$0x7B9] =	sst s19;
	v19 =	vld.idx.msk [tilespmem:v19+s7+$0x0], $0xffff;
	[tilespmem:s3+$0x0] =	vst v55  }
0x225: {  	v37 =	vadd.f32 $5.000000000e-01, v50;
	s30 =	sor.u32 $0x200, s13;
	s5 =	simm.s32 $0x0;
	[smem:$0x7B7] =	sst s23;
	v43 =	vld.idx.msk [tilespmem:v36+s6+$0x0], $0xffff;
	[tilespmem:s21+$0x0] =	vst v29  }
0x226: {  	v63 =	vmul.f32 v21, v4;
	v58 =	vmul.f32 v24, v4;
	s22 =	sor.u32 $0x80, s13;
	s15 =	sadd.s32 s17, s8;
	[smem:$0x7AF] =	sst s30;
	v47 =	vld.idx.msk [tilespmem:v34+s5+$0x0], $0xffff;
	[tilespmem:s0+$0x0] =	vst v33  }
0x227: {  	v60 =	vmul.f32 v24, v5;
	v27 =	vtrunc.f32 v37;
	s17 =	sor.u32 $0x280, s4;
	s10 =	sadd.s32 s22, s8;
	[dreg:$0x11] =	wrdreg s22;
	v36 =	vld.idx.msk [tilespmem:v36+s7+$0x0], $0xffff;
	[tilespmem:s28+$0x0] =	vst v57  }
0x228: {  	v44 =	vmul.f32 v23, v5;
	v27 =	vcvt.f32.s32 v27;
	s14 =	sadd.s32 s4, s8;
	v39 =	vld.idx.msk [tilespmem:v25+s5+$0x0], $0xffff;
	[smem:$0x7BE] =	sst s17;
	v29 =	vadd.f32 $5.000000000e-01, v63;
	s21 =	sor.u32 $0x100, s4;
	[tilespmem:s10+$0x0] =	vst v28  }
0x229: {  	v59 =	vmul.f32 v22, v4;
	v42 =	vmul.f32 v23, v4;
	s3 =	sadd.s32 s25, s8;
	s25 =	sor.u32 $0x180, s13;
	[smem:$0x7B0] =	sst s21;
	v34 =	vld.idx.msk [tilespmem:v34+s7+$0x0], $0xffff;
	[tilespmem:s11+$0x0] =	vst v61  }
0x22a: {  	v31 =	vadd.f32 $5.000000000e-01, v58;
	s6 =	sadd.s32 s12, s8;
	[dreg:$0xf] =	wrdreg s25;
	s0 =	sadd.s32 s19, s8;
	v29 =	vtrunc.f32 v29;
	v28 =	vadd.f32 $5.000000000e-01, v44;
	v50 =	vld.idx.msk [tilespmem:v54+s5+$0x0], $0xffff;
	[tilespmem:s9+$0x0] =	vst v19  }
0x22b: {  	v62 =	vadd.f32 $5.000000000e-01, v59;
	v20 =	vmovc v32;
	v30 =	vmul.f32 v22, v5;
	s19 =	sadd.s32 s21, s8;
	s21 =	sadd.s32 s23, s8;
	s12 =	sadd.s32 s25, s8;
	v49 =	vcvt.f32.s32 v29;
	v32 =	vld.idx.msk [tilespmem:v54+s7+$0x0], $0xffff;
	[tilespmem:s14+$0x0] =	vst v43  }
0x22c: {  	v42 =	vadd.f32 $5.000000000e-01, v42;
	v31 =	vtrunc.f32 v31;
	s25 =	sor.u32 $0x280, s26;
	s28 =	sor.u32 $0x180, s4;
	v19 =	vtrunc.f32 v28;
	s14 =	sor.u32 $0x180, s18;
	[tilespmem:s3+$0x0] =	vst v36;
	v28 =	vld.idx.msk [tilespmem:v26+s5+$0x0], $0xffff  }
0x22d: {  	v45 =	vtrunc.f32 v62;
	v48 =	vadd.f32 $5.000000000e-01, v30;
	v38 =	vcvt.f32.s32 v31;
	[smem:$0x7BC] =	sst s28;
	s23 =	sadd.s32 s28, s8;
	v53 =	vld.idx.msk [tilespmem:v26+s7+$0x0], $0xffff;
	[tilespmem:s6+$0x0] =	vst v47;
	s28 =	sadd.s32 s14, s8  }
0x22e: {  	v46 =	vtrunc.f32 v42;
	v51 =	vmul.f32 v21, v5;
	[dreg:$0xe] =	wrdreg s25;
	v62 =	vld.idx.msk [tilespmem:v27+s5+$0x0], $0xffff;
	[tilespmem:s28+$0x0] =	vst v34  }
0x22f: {  	v30 =	vcvt.f32.s32 v46;
	v35 =	vtrunc.f32 v48;
	s9 =	smov.u32 s4;
	[dreg:$0x1f] =	wrdreg s14;
	v48 =	vld.idx.msk [tilespmem:v27+s7+$0x0], $0xffff;
	[tilespmem:s21+$0x0] =	vst v50  }
0x230: {  	v56 =	vadd.f32 $5.000000000e-01, v51;
	v33 =	vcvt.f32.s32 v45;
	s3 =	sor.u32 $0x200, s18;
	v26 =	vcvt.f32.s32 v19;
	v19 =	vld.idx.msk [tilespmem:v25+s7+$0x0], $0xffff;
	[dreg:$0x16] =	wrdreg s9;
	[tilespmem:s12+$0x0] =	vst v32  }
0x231: {  	s2 =	sor.u32 $0x380, s2;
	v55 =	vmul.f32 v23, v6;
	v31 =	vadd.f32 $5.000000000e-01, v60;
	s14 =	sor.u32 $0x200, s4;
	[dreg:$0xc] =	wrdreg s3;
	v59 =	vld.idx.msk [tilespmem:v49+s5+$0x0], $0xffff;
	[tilespmem:s15+$0x0] =	vst v28  }
0x232: {  	v52 =	vmul.f32 v24, v6;
	s11 =	sor.u32 s16, s25;
	s4 =	sor.u32 $0x280, s18;
	v34 =	vtrunc.f32 v56;
	[dreg:$0x18] =	wrdreg s14;
	v37 =	vld.idx.msk [tilespmem:v49+s7+$0x0], $0xffff;
	[tilespmem:s0+$0x0] =	vst v53  }
0x233: {  	v60 =	vadd.f32 $5.000000000e-01, v55;
	v29 =	vtrunc.f32 v31;
	s28 =	sor.u32 s16, s1;
	s1 =	smov.u32 s18;
	[dreg:$0x10] =	wrdreg s4;
	v34 =	vcvt.f32.s32 v34;
	v49 =	vld.idx.msk [tilespmem:v38+s5+$0x0], $0xffff;
	[tilespmem:s19+$0x0] =	vst v62  }
0x234: {  	v31 =	vcvt.f32.s32 v29;
	v25 =	vadd.f32 $5.000000000e-01, v52;
	s18 =	sor.u32 $0x380, s24;
	v38 =	vld.idx.msk [tilespmem:v38+s7+$0x0], $0xffff;
	s0 =	sor.u32 s16, s3;
	s3 =	rddreg [dreg:$0x1c];
	[tilespmem:s23+$0x0] =	vst v48  }
0x235: {  	v42 =	vtrunc.f32 v60;
	s25 =	sor.u32 s16, s14;
	s14 =	sor.u32 $0x380, s20;
	[dreg:$0x1b] =	wrdreg s18;
	[tilespmem:s3+$0x0] =	vst v39;
	v60 =	vld.idx.msk [tilespmem:v30+s5+$0x0], $0xffff  }
0x236: {  	s4 =	sor.u32 s16, s4;
	v25 =	vtrunc.f32 v25;
	[smem:$0x7B3] =	sst s14;
	s21 =	sor.u32 $0x280, s13;
	v39 =	vld.idx.msk [tilespmem:v33+s5+$0x0], $0xffff;
	[tilespmem:v18+s0+$0x0 ss:$0x1] =	vst.idx.msk $0xffff, v59  }
0x237: {  	s6 =	sor.u32 s16, s30;
	v45 =	vcvt.f32.s32 v25;
	v25 =	vmul.f32 v21, v6;
	s12 =	smov.u32 s2;
	[smem:$0x7BD] =	sst s21;
	v30 =	vld.idx.msk [tilespmem:v30+s7+$0x0], $0xffff;
	[tilespmem:v18+s4+$0x0 ss:$0x1] =	vst.idx.msk $0xffff, v37  }
0x238: {  	v57 =	vmul.f32 v24, v7;
	s10 =	sor.u32 s16, s21;
	s21 =	sor.u32 $0x300, s9;
	[dreg:$0x1a] =	wrdreg s12;
	v33 =	vld.idx.msk [tilespmem:v33+s7+$0x0], $0xffff;
	[tilespmem:v18+s6+$0x0 ss:$0x1] =	vst.idx.msk $0xffff, v49  }
0x239: {  	v58 =	vmul.f32 v22, v7;
	v29 =	vcvt.f32.s32 v35;
	[dreg:$0x1d] =	wrdreg s21;
	v52 =	vadd.f32 $5.000000000e-01, v25;
	v55 =	vld.idx.msk [tilespmem:v34+s5+$0x0], $0xffff;
	[tilespmem:v18+s10+$0x0 ss:$0x1] =	vst.idx.msk $0xffff, v38  }
0x23a: {  	v61 =	vadd.f32 $5.000000000e-01, v57;
	s15 =	sor.u32 $0x300, s13;
	s23 =	sld [smem:$0x7A7];
	v38 =	vld.idx.msk [tilespmem:v31+s5+$0x0], $0xffff;
	[tilespmem:v18+s25+$0x0 ss:$0x1] =	vst.idx.msk $0xffff, v60  }
0x23b: {  	s17 =	sor.u32 s16, s17;
	v63 =	vadd.f32 $5.000000000e-01, v58;
	v54 =	vmul.f32 v22, v6;
	[smem:$0x7B2] =	sst s15;
	v58 =	vtrunc.f32 v52;
	v31 =	vld.idx.msk [tilespmem:v31+s7+$0x0], $0xffff;
	[tilespmem:v18+s28+$0x0 ss:$0x1] =	vst.idx.msk $0xffff, v39  }
0x23c: {  	v32 =	vtrunc.f32 v61;
	v61 =	vcvt.f32.s32 v58;
	s4 =	sld [smem:$0x7A6];
	v57 =	vld.idx.msk [tilespmem:v34+s7+$0x0], $0xffff;
	s10 =	smov.u32 s1;
	s1 =	sor.u32 $0x300, s1;
	[tilespmem:v18+s17+$0x0 ss:$0x1] =	vst.idx.msk $0xffff, v30  }
0x23d: {  	v56 =	vmul.f32 v22, v8;
	s6 =	rddreg [dreg:$0x15];
	[tilespmem:v18+s11+$0x0 ss:$0x1] =	vst.idx.msk $0xffff, v33;
	s11 =	sor.u32 s16, s1  }
0x23e: {  	v40 =	vadd.f32 $5.000000000e-01, v54;
	v53 =	vmul.f32 v24, v8;
	s0 =	sor.u32 s16, s15;
	[dreg:$0x14] =	wrdreg s10;
	v58 =	vld.idx.msk [tilespmem:v26+s5+$0x0], $0xffff;
	[tilespmem:v18+s11+$0x0 ss:$0x1] =	vst.idx.msk $0xffff, v55  }
0x23f: {  	v46 =	vmul.f32 v21, v7;
	v51 =	vtrunc.f32 v63;
	v62 =	vadd.f32 $5.000000000e-01, v56;
	s3 =	sor.u32 s16, s18;
	[dreg:$0xd] =	wrdreg s1;
	s1 =	sor.u32 $0x380, s23;
	v52 =	vld.idx.msk [tilespmem:v29+s5+$0x0], $0xffff;
	[tilespmem:v18+s0+$0x0 ss:$0x1] =	vst.idx.msk $0xffff, v38  }
0x240: {  	v50 =	vmul.f32 v23, v7;
	v28 =	vtrunc.f32 v40;
	v59 =	vadd.f32 $5.000000000e-01, v53;
	[dreg:$0x12] =	wrdreg s1;
	s1 =	sor.u32 s16, s1;
	v53 =	vld.idx.msk [tilespmem:v29+s7+$0x0], $0xffff;
	[tilespmem:v18+s3+$0x0 ss:$0x1] =	vst.idx.msk $0xffff, v31  }
0x241: {  	s24 =	sor.u32 s16, s2;
	v27 =	vcvt.f32.s32 v28;
	v49 =	vtrunc.f32 v62;
	s2 =	smov.u32 s4;
	s4 =	rddreg [dreg:$0x17];
	[tilespmem:v18+s1+$0x0 ss:$0x1] =	vst.idx.msk $0xffff, v57;
	v62 =	vld.idx.msk [tilespmem:v45+s5+$0x0], $0xffff  }
0x242: {  	v63 =	vmul.f32 v23, v8;
	v47 =	vmul.f32 v23, v10;
	s17 =	sld [smem:$0x7B7];
	v41 =	vld.idx.msk [tilespmem:v61+s5+$0x0], $0xffff  }
0x243: {  	s20 =	sor.u32 s16, s29;
	v32 =	vcvt.f32.s32 v32;
	v25 =	vcvt.f32.s32 v51;
	v54 =	vadd.f32 $5.000000000e-01, v50;
	[dreg:$0xb] =	wrdreg s2;
	v30 =	vld.idx.msk [tilespmem:v61+s7+$0x0], $0xffff  }
0x244: {  	v48 =	vmul.f32 v24, v9;
	v28 =	vcvt.f32.s32 v42;
	s23 =	sld [smem:$0x7B8];
	s1 =	sadd.s32 $0x2000, s8;
	v61 =	vld.idx.msk [tilespmem:v26+s7+$0x0], $0xffff;
	[tilespmem:v18+s20+$0x0 ss:$0x1] =	vst.idx.msk $0xffff, v52  }
0x245: {  	s31 =	sor.u32 s16, s21;
	v50 =	vadd.f32 $5.000000000e-01, v63;
	v56 =	vmul.f32 v23, v9;
	v35 =	vtrunc.f32 v54;
	s11 =	rddreg [dreg:$0xf];
	s25 =	sadd.s32 s13, s1;
	[tilespmem:v18+s24+$0x0 ss:$0x1] =	vst.idx.msk $0xffff, v53  }
0x246: {  	s19 =	sor.u32 s16, s14;
	v51 =	vadd.f32 $5.000000000e-01, v48;
	v54 =	vmul.f32 v22, v9;
	v35 =	vcvt.f32.s32 v35;
	s28 =	sadd.s32 s10, s1;
	v63 =	vld.idx.msk [tilespmem:v45+s7+$0x0], $0xffff;
	[tilespmem:s25+$0x0] =	vst v62;
	s25 =	sld [smem:$0x7B1]  }
0x247: {  	v37 =	vtrunc.f32 v59;
	v34 =	vcvt.f32.s32 v49;
	v55 =	vadd.f32 $5.000000000e-01, v46;
	s16 =	sadd.s32 s9, s1;
	s9 =	sld [smem:$0x7AD];
	s15 =	sadd.s32 s15, s1;
	[tilespmem:v18+s31+$0x0 ss:$0x1] =	vst.idx.msk $0xffff, v58;
	v44 =	vld.idx.msk [tilespmem:v27+s5+$0x0], $0xffff  }
0x248: {  	v59 =	vadd.f32 $5.000000000e-01, v56;
	v36 =	vcvt.f32.s32 v37;
	v37 =	vtrunc.f32 v51;
	s0 =	sadd.s32 s6, s1;
	[smem:$0x7AB] =	sst s15;
	s20 =	sadd.s32 s22, s1;
	v48 =	vld.idx.msk [tilespmem:v27+s7+$0x0], $0xffff;
	[tilespmem:s28+$0x0] =	vst v41  }
0x249: {  	v60 =	vmul.f32 v24, v10;
	v39 =	vtrunc.f32 v55;
	s28 =	sadd.s32 s30, s1;
	[tilespmem:v18+s19+$0x0 ss:$0x1] =	vst.idx.msk $0xffff, v61;
	s30 =	sadd.s32 s25, s1;
	s25 =	rddreg [dreg:$0xe]  }
0x24a: {  	v26 =	vtrunc.f32 v59;
	v39 =	vcvt.f32.s32 v39;
	s24 =	sadd.s32 s26, s1;
	s26 =	sld [smem:$0x7B9];
	[tilespmem:s0+$0x0] =	vst v30;
	v59 =	vld.idx.msk [tilespmem:v28+s5+$0x0], $0xffff;
	s25 =	sadd.s32 s25, s1  }
0x24b: {  	v51 =	vmul.f32 v23, v11;
	v52 =	vmul.f32 v21, v8;
	[tilespmem:s20+$0x0] =	vst v63;
	v62 =	vld.idx.msk [tilespmem:v28+s7+$0x0], $0xffff;
	[smem:$0x7A8] =	sst s25  }
0x24c: {  	v33 =	vcvt.f32.s32 v37;
	v57 =	vadd.f32 $5.000000000e-01, v54;
	v54 =	vmul.f32 v24, v11;
	s2 =	sadd.s32 s4, s1;
	v63 =	vld.idx.msk [tilespmem:v32+s5+$0x0], $0xffff;
	[tilespmem:s24+$0x0] =	vst v44;
	s25 =	rddreg [dreg:$0x18]  }
0x24d: {  	v40 =	vadd.f32 $5.000000000e-01, v60;
	v29 =	vtrunc.f32 v50;
	v30 =	vadd.f32 $5.000000000e-01, v52;
	v52 =	vld.idx.msk [tilespmem:v32+s7+$0x0], $0xffff;
	[tilespmem:s2+$0x0] =	vst v48;
	s15 =	sadd.s32 s25, s1;
	s25 =	sld [smem:$0x7BE]  }
0x24e: {  	v50 =	vmul.f32 v22, v13;
	v29 =	vcvt.f32.s32 v29;
	s22 =	sadd.s32 s9, s1;
	s9 =	sld [smem:$0x7BD];
	v41 =	vadd.f32 $5.000000000e-01, v54;
	v54 =	vld.idx.msk [tilespmem:v25+s5+$0x0], $0xffff  }
0x24f: {  	v40 =	vtrunc.f32 v40;
	s10 =	sadd.s32 s17, s1;
	v53 =	vmul.f32 v22, v10;
	s19 =	sld [smem:$0x7B0];
	v48 =	vld.idx.msk [tilespmem:v25+s7+$0x0], $0xffff;
	[tilespmem:s16+$0x0] =	vst v59  }
0x250: {  	v56 =	vadd.f32 $5.000000000e-01, v47;
	v31 =	vtrunc.f32 v57;
	v58 =	vmul.f32 v22, v11;
	s0 =	sadd.s32 s11, s1;
	s11 =	sld [smem:$0x7BC];
	v57 =	vld.idx.msk [tilespmem:v39+s5+$0x0], $0xffff;
	[tilespmem:s22+$0x0] =	vst v62;
	s20 =	sadd.s32 s25, s1  }
0x251: {  	v55 =	vadd.f32 $5.000000000e-01, v53;
	v53 =	vmul.f32 v21, v9;
	v30 =	vtrunc.f32 v30;
	[tilespmem:s10+$0x0] =	vst v63;
	[smem:$0x7AA] =	sst s20;
	s20 =	sadd.s32 s18, s1  }
0x252: {  	s6 =	sadd.s32 s23, s1;
	v26 =	vcvt.f32.s32 v26;
	v39 =	vld.idx.msk [tilespmem:v39+s7+$0x0], $0xffff;
	v60 =	vcvt.f32.s32 v30;
	[tilespmem:s0+$0x0] =	vst v52;
	[smem:$0x7AC] =	sst s20  }
0x253: {  	v61 =	vadd.f32 $5.000000000e-01, v58;
	s4 =	sadd.s32 s26, s1;
	v28 =	vtrunc.f32 v56;
	v56 =	vadd.f32 $5.000000000e-01, v53;
	v53 =	vld.idx.msk [tilespmem:v35+s7+$0x0], $0xffff;
	[tilespmem:s6+$0x0] =	vst v54;
	s20 =	rddreg [dreg:$0x1e]  }
0x254: {  	v31 =	vcvt.f32.s32 v31;
	v27 =	vcvt.f32.s32 v40;
	[smem:$0x7A9] =	sst s15;
	v49 =	vld.idx.msk [tilespmem:v36+s5+$0x0], $0xffff;
	[tilespmem:s4+$0x0] =	vst v48;
	s15 =	sadd.s32 s20, s1  }
0x255: {  	v40 =	vtrunc.f32 v55;
	v38 =	vtrunc.f32 v61;
	v44 =	vadd.f32 $5.000000000e-01, v51;
	v36 =	vld.idx.msk [tilespmem:v36+s7+$0x0], $0xffff;
	[tilespmem:s15+$0x0] =	vst v57;
	s15 =	rddreg [dreg:$0x1f]  }
0x256: {  	v55 =	vmul.f32 v24, v12;
	v25 =	vcvt.f32.s32 v38;
	s18 =	sadd.s32 s12, s1;
	s12 =	sadd.s32 s21, s1;
	v48 =	vld.idx.msk [tilespmem:v34+s5+$0x0], $0xffff;
	s21 =	sadd.s32 s15, s1  }
0x257: {  	s2 =	rddreg [dreg:$0x11];
	v38 =	vtrunc.f32 v56;
	v58 =	vtrunc.f32 v44;
	[tilespmem:s21+$0x0] =	vst v39;
	v39 =	vld.idx.msk [tilespmem:v35+s5+$0x0], $0xffff  }
0x258: {  	v62 =	vmul.f32 v23, v12;
	v47 =	vcvt.f32.s32 v38;
	s16 =	rddreg [dreg:$0xd];
	v59 =	vld.idx.msk [tilespmem:v60+s5+$0x0], $0xffff  }
0x259: {  	s3 =	sadd.s32 s9, s1;
	s31 =	sadd.s32 s11, s1;
	v32 =	vcvt.f32.s32 v58;
	s10 =	rddreg [dreg:$0xc];
	v58 =	vmul.f32 v23, v13;
	[tilespmem:s28+$0x0] =	vst v49;
	v60 =	vld.idx.msk [tilespmem:v60+s7+$0x0], $0xffff  }
0x25a: {  	v43 =	vcvt.f32.s32 v40;
	s24 =	sadd.s32 s29, s1;
	s29 =	sadd.s32 s14, s1;
	v42 =	vadd.f32 $5.000000000e-01, v55;
	v56 =	vmul.f32 v21, v10;
	s14 =	sld [smem:$0x7A8];
	v34 =	vld.idx.msk [tilespmem:v34+s7+$0x0], $0xffff;
	[tilespmem:s3+$0x0] =	vst v36  }
0x25b: {  	s19 =	sadd.s32 s19, s1;
	v55 =	vadd.f32 $5.000000000e-01, v62;
	v62 =	vadd.f32 $5.000000000e-01, v58;
	[smem:$0x7AE] =	sst s12;
	v57 =	vmul.f32 v22, v12;
	v58 =	vld.idx.msk [tilespmem:v33+s5+$0x0], $0xffff;
	[tilespmem:s31+$0x0] =	vst v53  }
0x25c: {  	v30 =	vcvt.f32.s32 v28;
	v28 =	vtrunc.f32 v41;
	s0 =	sadd.s32 s10, s1;
	s12 =	rddreg [dreg:$0x10];
	v33 =	vld.idx.msk [tilespmem:v33+s7+$0x0], $0xffff;
	[tilespmem:s19+$0x0] =	vst v39  }
0x25d: {  	v63 =	vtrunc.f32 v42;
	s10 =	rddreg [dreg:$0x17];
	v61 =	vadd.f32 $5.000000000e-01, v57;
	[tilespmem:s0+$0x0] =	vst v59;
	s0 =	sadd.s32 s12, s1;
	v59 =	vadd.f32 $5.000000000e-01, v56;
	v46 =	vld.idx.msk [tilespmem:v29+s5+$0x0], $0xffff  }
0x25e: {  	v28 =	vcvt.f32.s32 v28;
	v38 =	vcvt.f32.s32 v63;
	s28 =	sld [smem:$0x7AB];
	v29 =	vld.idx.msk [tilespmem:v29+s7+$0x0], $0xffff;
	[tilespmem:s0+$0x0] =	vst v60  }
0x25f: {  	[tilespmem:s30+$0x0] =	vst v48;
	s21 =	sld [smem:$0x7A9];
	v54 =	vtrunc.f32 v61;
	v61 =	vadd.f32 $5.000000000e-01, v50;
	v50 =	vld.idx.msk [tilespmem:v47+s5+$0x0], $0xffff;
	v40 =	vtrunc.f32 v59  }
0x260: {  	s22 =	sld [smem:$0x7AA];
	v57 =	vtrunc.f32 v55;
	[tilespmem:s14+$0x0] =	vst v34;
	v63 =	vld.idx.msk [tilespmem:v47+s7+$0x0], $0xffff;
	v56 =	vcvt.f32.s32 v40  }
0x261: {  	v52 =	vmul.f32 v24, v13;
	s4 =	rddreg [dreg:$0x14];
	v35 =	vcvt.f32.s32 v57;
	v51 =	vld.idx.msk [tilespmem:v31+s5+$0x0], $0xffff;
	[tilespmem:s28+$0x0] =	vst v58  }
0x262: {  	s6 =	rddreg [dreg:$0x13];
	v57 =	vtrunc.f32 v62;
	v62 =	vmul.f32 v24, v15;
	v31 =	vld.idx.msk [tilespmem:v31+s7+$0x0], $0xffff;
	[tilespmem:s21+$0x0] =	vst v46  }
0x263: {  	v36 =	vcvt.f32.s32 v57;
	s19 =	rddreg [dreg:$0x12];
	s0 =	sadd.s32 s16, s1;
	v59 =	vmul.f32 v22, v14;
	[tilespmem:s22+$0x0] =	vst v29  }
0x264: {  	v42 =	vadd.f32 $5.000000000e-01, v52;
	s14 =	rddreg [dreg:$0x15];
	v55 =	vtrunc.f32 v61;
	v61 =	vmul.f32 v21, v11;
	v58 =	vld.idx.msk [tilespmem:v26+s5+$0x0], $0xffff;
	[tilespmem:s0+$0x0] =	vst v50;
	s0 =	sadd.s32 s19, s1  }
0x265: {  	v53 =	vadd.f32 $5.000000000e-01, v62;
	v60 =	vmul.f32 v24, v14;
	v52 =	vadd.f32 $5.000000000e-01, v59;
	v59 =	vld.idx.msk [tilespmem:v26+s7+$0x0], $0xffff;
	s1 =	sld [smem:$0x7AC];
	[tilespmem:s0+$0x0] =	vst v63  }
0x266: {  	v62 =	vmul.f32 v24, v16;
	s28 =	sld [smem:$0x7AE];
	v41 =	vcvt.f32.s32 v55;
	[tilespmem:s24+$0x0] =	vst v51;
	v63 =	vadd.f32 $5.000000000e-01, v61;
	v46 =	vld.idx.msk [tilespmem:v56+s5+$0x0], $0xffff  }
0x267: {  	v55 =	vmul.f32 v22, v15;
	[tilespmem:s18+$0x0] =	vst v31;
	s24 =	rddreg [dreg:$0x16];
	v44 =	vadd.f32 $5.000000000e-01, v60;
	v60 =	vmul.f32 v23, v14;
	v47 =	vld.idx.msk [tilespmem:v56+s7+$0x0], $0xffff  }
0x268: {  	v31 =	vmul.f32 v21, v12;
	s18 =	sld [smem:$0x7AD];
	v56 =	vtrunc.f32 v63;
	[tilespmem:s1+$0x0] =	vst v33;
	s1 =	sadd.s32 $0x4000, s8;
	v63 =	vld.idx.msk [tilespmem:v43+s5+$0x0], $0xffff  }
0x269: {  	v57 =	vadd.f32 $5.000000000e-01, v55;
	v55 =	vmul.f32 v22, v16;
	v34 =	vadd.f32 $5.000000000e-01, v60;
	v61 =	vld.idx.msk [tilespmem:v27+s7+$0x0], $0xffff;
	s21 =	sadd.s32 s10, s1;
	s10 =	sadd.s32 s17, s1;
	s17 =	rddreg [dreg:$0xf]  }
0x26a: {  	v22 =	vmul.f32 v22, v17;
	v44 =	vtrunc.f32 v44;
	v43 =	vld.idx.msk [tilespmem:v43+s7+$0x0], $0xffff;
	s16 =	sadd.s32 s14, s1;
	[tilespmem:s28+$0x0] =	vst v58;
	s14 =	sld [smem:$0x7AF]  }
0x26b: {  	v29 =	vtrunc.f32 v34;
	v49 =	vcvt.f32.s32 v56;
	s0 =	sadd.s32 s4, s1;
	[tilespmem:s29+$0x0] =	vst v59;
	s29 =	sadd.s32 s9, s1;
	s9 =	sld [smem:$0x7B2]  }
0x26c: {  	v60 =	vtrunc.f32 v53;
	v33 =	vcvt.f32.s32 v29;
	v29 =	vld.idx.msk [tilespmem:v27+s5+$0x0], $0xffff;
	s19 =	sadd.s32 s6, s1;
	s4 =	sadd.s32 s11, s1;
	s11 =	sld [smem:$0x7B1];
	[tilespmem:s16+$0x0] =	vst v47  }
0x26d: {  	v40 =	vcvt.f32.s32 v44;
	v26 =	vmul.f32 v23, v15;
	s12 =	sadd.s32 s2, s1;
	s31 =	sadd.s32 s23, s1;
	s23 =	rddreg [dreg:$0xe];
	v59 =	vld.idx.msk [tilespmem:v30+s5+$0x0], $0xffff;
	[tilespmem:s19+$0x0] =	vst v63  }
0x26e: {  	v31 =	vadd.f32 $5.000000000e-01, v31;
	v44 =	vtrunc.f32 v57;
	v57 =	vmul.f32 v23, v16;
	s16 =	sld [smem:$0x7B0];
	[tilespmem:s12+$0x0] =	vst v61;
	s12 =	sadd.s32 s9, s1  }
0x26f: {  	s8 =	sadd.s32 $0x6000, s8;
	v27 =	vadd.f32 $5.000000000e-01, v26;
	v26 =	vcvt.f32.s32 v44;
	v44 =	vadd.f32 $5.000000000e-01, v55;
	[tilespmem:s21+$0x0] =	vst v43;
	v61 =	vld.idx.msk [tilespmem:v30+s7+$0x0], $0xffff;
	[smem:$0x7B4] =	sst s12  }
0x270: {  	v31 =	vtrunc.f32 v31;
	v34 =	vcvt.f32.s32 v60;
	s3 =	sadd.s32 s13, s1;
	[tilespmem:s0+$0x0] =	vst v46;
	s0 =	sadd.s32 s24, s1;
	v47 =	vadd.f32 $5.000000000e-01, v57;
	v43 =	vld.idx.msk [tilespmem:v25+s5+$0x0], $0xffff;
	s12 =	rddreg [dreg:$0x18]  }
0x271: {  	v60 =	vcvt.f32.s32 v31;
	v31 =	vtrunc.f32 v44;
	[tilespmem:s3+$0x0] =	vst v29;
	v58 =	vld.idx.msk [tilespmem:v49+s5+$0x0], $0xffff;
	s3 =	sadd.s32 s12, s1;
	s12 =	sadd.s32 s25, s1;
	s25 =	rddreg [dreg:$0x1b]  }
0x272: {  	v30 =	vcvt.f32.s32 v31;
	v31 =	vtrunc.f32 v47;
	v45 =	vld.idx.msk [tilespmem:v28+s5+$0x0], $0xffff;
	[tilespmem:s0+$0x0] =	vst v59;
	s0 =	sadd.s32 s13, s8;
	s13 =	sld [smem:$0x7B7];
	s25 =	sadd.s32 s25, s1  }
0x273: {  	v56 =	vadd.f32 $5.000000000e-01, v62;
	v62 =	vld.idx.msk [tilespmem:v28+s7+$0x0], $0xffff;
	v28 =	vcvt.f32.s32 v31;
	v31 =	vmul.f32 v21, v13;
	[smem:$0x7B5] =	sst s25  }
0x274: {  	s22 =	sadd.s32 s18, s1;
	v63 =	vld.idx.msk [tilespmem:v25+s7+$0x0], $0xffff;
	s25 =	rddreg [dreg:$0x19]  }
0x275: {  	v37 =	vcvt.f32.s32 v54;
	v22 =	vadd.f32 $5.000000000e-01, v22;
	v49 =	vld.idx.msk [tilespmem:v49+s7+$0x0], $0xffff;
	v25 =	vadd.f32 $5.000000000e-01, v31;
	s19 =	sadd.s32 s25, s1;
	s25 =	rddreg [dreg:$0x1a];
	[tilespmem:s22+$0x0] =	vst v61  }
0x276: {  	v24 =	vmul.f32 v24, v17;
	v23 =	vmul.f32 v23, v17;
	[tilespmem:s31+$0x0] =	vst v43;
	s31 =	rddreg [dreg:$0x10]  }
0x277: {  	v22 =	vtrunc.f32 v22;
	s20 =	sadd.s32 s20, s1;
	v25 =	vtrunc.f32 v25;
	s25 =	sadd.s32 s25, s1;
	[tilespmem:s10+$0x0] =	vst v45;
	s10 =	rddreg [dreg:$0xc]  }
0x278: {  	v23 =	vadd.f32 $5.000000000e-01, v23;
	s2 =	sadd.s32 s17, s1;
	[tilespmem:s20+$0x0] =	vst v58;
	v51 =	vcvt.f32.s32 v25;
	v25 =	vcvt.f32.s32 v22;
	v22 =	vld.idx.msk [tilespmem:v32+s7+$0x0], $0xffff;
	[smem:$0x7B6] =	sst s25  }
0x279: {  	v24 =	vadd.f32 $5.000000000e-01, v24;
	s20 =	sadd.s32 s15, s1;
	v50 =	vld.idx.msk [tilespmem:v32+s5+$0x0], $0xffff;
	[tilespmem:s2+$0x0] =	vst v62;
	s25 =	rddreg [dreg:$0x1d]  }
0x27a: {  	v23 =	vtrunc.f32 v23;
	[tilespmem:s20+$0x0] =	vst v49;
	v47 =	vld.idx.msk [tilespmem:v38+s5+$0x0], $0xffff;
	s20 =	sld [smem:$0x7B4]  }
0x27b: {  	v24 =	vtrunc.f32 v24;
	s6 =	sadd.s32 s26, s1;
	v32 =	vcvt.f32.s32 v23;
	v23 =	vld.idx.msk [tilespmem:v38+s7+$0x0], $0xffff;
	s21 =	sadd.s32 s25, s1;
	s25 =	sld [smem:$0x7B3]  }
0x27c: {  	v42 =	vtrunc.f32 v42;
	v31 =	vcvt.f32.s32 v24;
	[tilespmem:s6+$0x0] =	vst v63;
	v24 =	vld.idx.msk [tilespmem:v60+s5+$0x0], $0xffff;
	[smem:$0x7BA] =	sst s21  }
0x27d: {  	v39 =	vcvt.f32.s32 v42;
	s24 =	sadd.s32 s14, s1;
	s30 =	sadd.s32 s16, s1;
	v49 =	vld.idx.msk [tilespmem:v60+s7+$0x0], $0xffff;
	[tilespmem:s4+$0x0] =	vst v22;
	s4 =	rddreg [dreg:$0x13]  }
0x27e: {  	v43 =	vld.idx.msk [tilespmem:v37+s5+$0x0], $0xffff;
	s21 =	sadd.s32 s25, s1;
	[tilespmem:s30+$0x0] =	vst v50;
	s30 =	sadd.s32 s17, s8;
	s17 =	sld [smem:$0x7B8]  }
0x27f: {  	[smem:$0x7BB] =	sst s21;
	[tilespmem:s24+$0x0] =	vst v47  }
0x280: {  	s22 =	sadd.s32 s10, s1;
	v55 =	vld.idx.msk [tilespmem:v35+s5+$0x0], $0xffff;
	[tilespmem:s29+$0x0] =	vst v23;
	s21 =	sld [smem:$0x7B5]  }
0x281: {  	s2 =	sadd.s32 s31, s1;
	v23 =	vld.idx.msk [tilespmem:v35+s7+$0x0], $0xffff;
	s24 =	sld [smem:$0x7B6];
	[tilespmem:s22+$0x0] =	vst v24  }
0x282: {  	v54 =	vtrunc.f32 v52;
	v52 =	vmul.f32 v21, v14;
	s28 =	sadd.s32 s11, s1;
	s29 =	sadd.s32 s18, s8;
	s18 =	sld [smem:$0x7B9];
	v24 =	vld.idx.msk [tilespmem:v37+s7+$0x0], $0xffff;
	[tilespmem:s2+$0x0] =	vst v49  }
0x283: {  	v29 =	vtrunc.f32 v56;
	v56 =	vld.idx.msk [tilespmem:v39+s5+$0x0], $0xffff;
	[tilespmem:s28+$0x0] =	vst v43;
	s28 =	rddreg [dreg:$0xd]  }
0x284: {  	v42 =	vcvt.f32.s32 v54;
	v53 =	vadd.f32 $5.000000000e-01, v52;
	s22 =	rddreg [dreg:$0x11];
	v54 =	vld.idx.msk [tilespmem:v51+s5+$0x0], $0xffff  }
0x285: {  	v39 =	vld.idx.msk [tilespmem:v39+s7+$0x0], $0xffff;
	[tilespmem:s3+$0x0] =	vst v55;
	s3 =	rddreg [dreg:$0x14]  }
0x286: {  	s26 =	sadd.s32 s23, s1;
	v37 =	vtrunc.f32 v53;
	v22 =	vld.idx.msk [tilespmem:v51+s7+$0x0], $0xffff;
	[tilespmem:s12+$0x0] =	vst v23;
	s12 =	rddreg [dreg:$0x15]  }
0x287: {  	v37 =	vcvt.f32.s32 v37;
	[tilespmem:s26+$0x0] =	vst v24;
	s26 =	rddreg [dreg:$0x12];
	v58 =	vld.idx.msk [tilespmem:v36+s5+$0x0], $0xffff  }
0x288: {  	s6 =	sadd.s32 s28, s1;
	[tilespmem:s20+$0x0] =	vst v56;
	v36 =	vld.idx.msk [tilespmem:v36+s7+$0x0], $0xffff;
	s20 =	sld [smem:$0x7BA]  }
0x289: {  	v24 =	vmul.f32 v21, v15;
	v43 =	vld.idx.msk [tilespmem:v41+s5+$0x0], $0xffff;
	[tilespmem:s6+$0x0] =	vst v54;
	s6 =	rddreg [dreg:$0x17]  }
0x28a: {  	[tilespmem:s21+$0x0] =	vst v39;
	s15 =	sadd.s32 s26, s1;
	v57 =	vld.idx.msk [tilespmem:v41+s7+$0x0], $0xffff;
	s1 =	sadd.s32 s22, s8;
	s22 =	sld [smem:$0x7BB]  }
0x28b: {  	v39 =	vld.idx.msk [tilespmem:v40+s7+$0x0], $0xffff;
	[tilespmem:s15+$0x0] =	vst v22;
	v22 =	vadd.f32 $5.000000000e-01, v24;
	s15 =	rddreg [dreg:$0x16]  }
0x28c: {  	s2 =	sadd.s32 s3, s8;
	v59 =	vld.idx.msk [tilespmem:v40+s5+$0x0], $0xffff;
	s21 =	sadd.s32 s15, s8;
	s15 =	rddreg [dreg:$0x18];
	[tilespmem:s20+$0x0] =	vst v58  }
0x28d: {  	s3 =	sadd.s32 s9, s8;
	v24 =	vld.idx.msk [tilespmem:v37+s5+$0x0], $0xffff;
	v22 =	vtrunc.f32 v22;
	s9 =	sadd.s32 s15, s8;
	s15 =	rddreg [dreg:$0x1d];
	[tilespmem:s22+$0x0] =	vst v36  }
0x28e: {  	v23 =	vld.idx.msk [tilespmem:v37+s7+$0x0], $0xffff;
	v22 =	vcvt.f32.s32 v22;
	s22 =	sld [smem:$0x7BE];
	[tilespmem:s19+$0x0] =	vst v43  }
0x28f: {  	[tilespmem:s24+$0x0] =	vst v57;
	s19 =	sadd.s32 s13, s8;
	s13 =	sld [smem:$0x7BD]  }
0x290: {  	s14 =	sadd.s32 s14, s8;
	s4 =	sadd.s32 s4, s8;
	[tilespmem:s1+$0x0] =	vst v39;
	s1 =	rddreg [dreg:$0x19]  }
0x291: {  	s18 =	sadd.s32 s18, s8;
	[tilespmem:s0+$0x0] =	vst v59;
	s0 =	sadd.s32 s1, s8;
	s1 =	rddreg [dreg:$0x1e]  }
0x292: {  	v60 =	vmul.f32 v21, v16;
	s6 =	sadd.s32 s6, s8;
	v61 =	vld.idx.msk [tilespmem:v42+s5+$0x0], $0xffff;
	[tilespmem:s2+$0x0] =	vst v24;
	s2 =	sadd.s32 s12, s8;
	s12 =	sld [smem:$0x7BC]  }
0x293: {  	s20 =	sadd.s32 s16, s8;
	s15 =	sadd.s32 s15, s8;
	v62 =	vld.idx.msk [tilespmem:v42+s7+$0x0], $0xffff;
	[dreg:$0x1c] =	wrdreg s0;
	[tilespmem:s2+$0x0] =	vst v23  }
0x294: {  	s24 =	sadd.s32 s17, s8;
	s0 =	sadd.s32 s1, s8;
	s2 =	rddreg [dreg:$0x9];
	v23 =	vadd.f32 $5.000000000e-01, v60;
	v63 =	vld.idx.msk [tilespmem:v22+s5+$0x0], $0xffff  }
0x295: {  	s16 =	sadd.s32 s13, s8;
	s13 =	sadd.s32 s11, s8;
	s11 =	sadd.s32 s23, s8;
	v22 =	vld.idx.msk [tilespmem:v22+s7+$0x0], $0xffff  }
.Ltmp0:
0x296: {  	s23 =	rddreg [dreg:$0x1b];
	s2 =	sadd.s32 $0x40, s2;
	v24 =	vtrunc.f32 v23;
	v23 =	vld.idx.msk [tilespmem:v33+s5+$0x0], $0xffff;
	(pc) =	sbr.rel @p2 .LBB2_3-.Ltmp0, $4  }
0x297: {  	s17 =	sadd.s32 s12, s8;
	s12 =	sadd.s32 s22, s8;
	s22 =	sadd.s32 s23, s8;
	v35 =	vcvt.f32.s32 v24;
	v24 =	vld.idx.msk [tilespmem:v33+s7+$0x0], $0xffff;
	[tilespmem:s4+$0x0] =	vst v61  }
0x298: {  	v27 =	vtrunc.f32 v27;
	v33 =	vld.idx.msk [tilespmem:v34+s5+$0x0], $0xffff;
	s5 =	simm.s32 $0x800;
	s4 =	rddreg [dreg:$0x1a];
	[tilespmem:s6+$0x0] =	vst v62;
	s6 =	simm.s32 $0x0  }
0x299: {  	v27 =	vcvt.f32.s32 v27;
	s23 =	sadd.s32 s4, s8;
	v34 =	vld.idx.msk [tilespmem:v34+s5+$0x0], $0xffff;
	s4 =	sadd.s32 s25, s8;
	s25 =	rddreg [dreg:$0x1f]  }
0x29a: {  	v29 =	vcvt.f32.s32 v29;
	v36 =	vmul.f32 v21, v17;
	s7 =	rddreg [dreg:$0xa];
	v21 =	vld.idx.msk [tilespmem:v26+s6+$0x0], $0xffff;
	s1 =	sadd.s32 s25, s8;
	[tilespmem:s0+$0x0] =	vst v63;
	s0 =	sadd.s32 s28, s8  }
0x29b: {  	_ =	sdelay $0x2  }
0x29c: {  	[tilespmem:s1+$0x0] =	vst v22  }
0x29d: {  	[tilespmem:s21+$0x0] =	vst v23;
	v3 =	vld.idx.msk [tilespmem:v26+s5+$0x0], $0xffff  }
0x29e: {  	v0 =	vadd.f32 $5.000000000e-01, v36;
	v1 =	vld.idx.msk [tilespmem:v35+s6+$0x0], $0xffff;
	[tilespmem:s29+$0x0] =	vst v24  }
0x29f: {  	v2 =	vld.idx.msk [tilespmem:v35+s5+$0x0], $0xffff;
	[tilespmem:s19+$0x0] =	vst v33  }
0x2a0: {  	v53 =	vld.idx.msk [tilespmem:v27+s6+$0x0], $0xffff;
	v0 =	vtrunc.f32 v0;
	[tilespmem:s30+$0x0] =	vst v34  }
0x2a1: {  	v54 =	vld.idx.msk [tilespmem:v27+s5+$0x0], $0xffff;
	v0 =	vcvt.f32.s32 v0;
	[tilespmem:s24+$0x0] =	vst v21  }
0x2a2: {  	s21 =	sadd.s32 s10, s8;
	v5 =	vld.idx.msk [tilespmem:v29+s6+$0x0], $0xffff;
	[tilespmem:s18+$0x0] =	vst v3  }
0x2a3: {  	s25 =	sadd.s32 s31, s8;
	v6 =	vld.idx.msk [tilespmem:v29+s5+$0x0], $0xffff;
	[tilespmem:s21+$0x0] =	vst v1  }
0x2a4: {  	v55 =	vld.idx.msk [tilespmem:v20+s6+$0x0], $0xffff;
	[tilespmem:s25+$0x0] =	vst v2  }
0x2a5: {  	v7 =	vld.idx.msk [tilespmem:v30+s6+$0x0], $0xffff;
	s1 =	rddreg [dreg:$0x8];
	[tilespmem:s20+$0x0] =	vst v53  }
0x2a6: {  	v56 =	vld.idx.msk [tilespmem:v30+s5+$0x0], $0xffff;
	[tilespmem:s17+$0x0] =	vst v54  }
0x2a7: {  	[tilespmem:s14+$0x0] =	vst v5;
	v4 =	vld.idx.msk [tilespmem:v0+s5+$0x0], $0xffff  }
0x2a8: {  	v2 =	vld.idx.msk [tilespmem:v28+s6+$0x0], $0xffff;
	[tilespmem:s16+$0x0] =	vst v6  }
0x2a9: {  	[tilespmem:s1+$0x0] =	vst v19;
	v58 =	vld.idx.msk [tilespmem:v31+s6+$0x0], $0xffff  }
0x2aa: {  	v0 =	vld.idx.msk [tilespmem:v0+s6+$0x0], $0xffff;
	[tilespmem:s13+$0x0] =	vst v7  }
0x2ab: {  	s28 =	sadd.s32 s26, s8;
	v57 =	vld.idx.msk [tilespmem:v28+s5+$0x0], $0xffff;
	[tilespmem:s11+$0x0] =	vst v56  }
0x2ac: {  	v6 =	vld.idx.msk [tilespmem:v31+s5+$0x0], $0xffff;
	[tilespmem:s28+$0x0] =	vst v4  }
0x2ad: {  	s1 =	rddreg [dreg:$0x7];
	[tilespmem:s9+$0x0] =	vst v2  }
0x2ae: {  	v59 =	vld.idx.msk [tilespmem:v20+s5+$0x0], $0xffff;
	[tilespmem:s3+$0x0] =	vst v58  }
0x2af: {  	[tilespmem:s1+$0x0] =	vst v55  }
0x2b0: {  	v60 =	vld.idx.msk [tilespmem:v25+s6+$0x0], $0xffff;
	[tilespmem:s12+$0x0] =	vst v57  }
0x2b1: {  	v61 =	vld.idx.msk [tilespmem:v25+s5+$0x0], $0xffff;
	[tilespmem:s22+$0x0] =	vst v6  }
0x2b2: {  	v62 =	vld.idx.msk [tilespmem:v32+s6+$0x0], $0xffff;
	s1 =	rddreg [dreg:$0xb];
	[tilespmem:s0+$0x0] =	vst v0  }
0x2b3: {  	[tilespmem:s1+$0x0] =	vst v59  }
0x2b4: {  	s0 =	rddreg [dreg:$0x1c]  }
0x2b5: {  	v63 =	vld.idx.msk [tilespmem:v32+s5+$0x0], $0xffff;
	[tilespmem:s0+$0x0] =	vst v60  }
0x2b6: {  	[tilespmem:s23+$0x0] =	vst v61  }
0x2b7: {  	[tilespmem:s15+$0x0] =	vst v62  }
0x2b8: {  	s29 =	sld [smem:$0x7C0];
	_ =	sdelay $0x1  }
0x2b9: {  	[tilespmem:s4+$0x0] =	vst v63  }
0x2ba: {  	_ =	strace $0x9000004B;
	p2 =	seq.s32 s29, $0x1F  }
0x2bb: {  	s0 =	sld [smem:$0x7EB];
	p1 =	por p2, p1  }
0x2bc: {  	_ =	strace @p1 $0x8000004C  }
0x2bd: {  	s1 =	sld [smem:$0x7C5]  }
0x2be: {  	s0 =	sshll.u32 @p1 s0, $0xA;
	s2 =	rddreg [dreg:$0x2]  }
0x2bf: {  	s3 =	simm.s32 @p1 $0x800000;
	s0 =	sand.u32 @p1 $0x1FFFFC00, s0;
	s4 =	rddreg [dreg:$0x4]  }
0x2c0: {  	s0 =	sadd.s32 @p1 s2, s0;
	s2 =	simm.s32 @p1 $0x2000;
	s1 =	sadd.s32 @p1 $0x3, s1  }
0x2c1: {  	[hbm4b:s0+s2] =	stream.strided.scatter @p1 [tilespmem:s4], [sflag:s1], $0x8000, s3, s2, $0x200038;
	[tilespmem:$0x11920] =	vst v63  }
0x2c2: {  	_ =	strace @p1 $0x9000004C  }
0x2c3: {  	s2 =	sld [smem:$0x7BF];
	_ =	sdelay $0x1  }
0x2c4: {  	p2 =	seq.s32 s29, $0x0  }
0x2c5: {  	s0 =	sand.u32 @!p2 $0x1, s2  }
0x2c6: {  	_ =	strace @!p2 $0x8000004D;
	s0 =	sadd.s32 @!p2 $0x3, s0  }
0x2c7: {  	s8 =	sadd.s32 $0x1, s29;
	s1 =	simm.s32 $0x1;
	_ =	swait.ge @!p2 [sflag:s0], $0x8000  }
0x2c8: {  	s1 =	simm.s32 @!p0 $0x0;
	p0 =	sne.s32 s29, $0x0;
	[sflag:s0] =	ssyncset.done @!p2 $0x0  }
0x2c9: {  	s30 =	sld [smem:$0x7C1];
	[sflag:s0] =	ssyncadd.s32 @!p2 $0xFFFF8000;
	s0 =	simm.s32 $0x1  }
0x2ca: {  	s0 =	simm.s32 @!p0 $0x0;
	p0 =	sne.s32 s8, $0x20  }
.Ltmp1:
0x2cb: {  	s31 =	sld [smem:$0x7C4];
	(pc) =	sbr.rel @p0 .LBB2_2-.Ltmp1, $4  }
0x2cc: {  	s7 =	sld [smem:$0x7C3];
	_ =	strace @!p2 $0x9000004D;
	s3 =	sadd.s32 s1, s30  }
0x2cd: {  	s1 =	simm.s32 $0x1;
	s2 =	sadd.s32 s0, s2;
	s0 =	sld [smem:$0x7C2]  }
0x2ce: {  	s1 =	simm.s32 @!p1 $0x0  }
0x2cf: {  	s4 =	sadd.s32 s1, s31;
	s7 =	sadd.s32 s1, s7  }
0x2d0: {  	_ =	strace $0x8000004E;
	s0 =	simm.s32 $0x4  }
0x2d1: {  	_ =	swait.ge [sflag:s0], $0x8000  }
0x2d2: {  	s1 =	sld [smem:$0x7F9]  }
0x2d3: {  	s31 =	sld [smem:$0x7FD];
	_ =	sdelay $0x1  }
0x2d4: {  	s1 =	sadd.s32 $0x1, s1  }
0x2d5: {  	p0 =	sne.s32 s1, s31  }
.Ltmp2:
0x2d6: {  	_ = 	snop;
	(pc) =	sbr.rel @p0 .LBB2_1-.Ltmp2, $4  }
0x2d7: {  	_ = 	snop  }
0x2d8: {  	[sflag:s0] =	ssyncset.done $0x0  }
0x2d9: {  	[sflag:s0] =	ssyncadd.s32 $0xFFFF8000  }
0x2da: {  	_ =	strace $0x9000004E  }
0x2db: {  	_ =	sfence.sel $0x180000  }
0x2dc: {  	[bflag:$0x0] =	sbarrier.arrive $0xFFFF  }
0x2dd: {  	_ =	strace $0x90000047  }
0x2de: {  	s0 =	stileid.u32;
	[bflag:$0x2] =	sbarrier.arrive $0xFFFF  }
0x2df: {  	p0 =	sne.s32 s0, $0x0;
	s0 =	rddreg [dreg:$0x3]  }
0x2e0: {  	s0 =	sadd.s32 @!p0 $0x100000, s0  }
0x2e1: {  	[sflag:s0] =	ssyncadd.tile.s32 @!p0 $0x1;
	_ =	shalt  }
.Lfunc_end2:
_tile_overlayer_lowered:
.L_overlay_start_2:
0x2e2: {  	(tag) =	ssettag $0x2  }
0x2e3: {  	s0 =	rddreg [dreg:$0x0];
	s2 =	stileid.u32  }
0x2e4: {  	s1 =	rddreg [dreg:$0x1];
	p0 =	sne.s32 s2, $0x0  }
0x2e5: {  	s3 =	rddreg [dreg:$0x2];
	[bflag:$0x3] =	sbarrier.arrive $0xFFFF;
	s2 =	simm.s32 @!p0 $0x1C01  }
0x2e6: {  	[timem:s3], [sflag:s2] =	dma.local @!p0 [hbm:s0], s1  }
0x2e7: {  	s0 =	simm.s32 @!p0 $0x1  }
0x2e8: {  	_ =	swait.ge @!p0 [sflag:s0], s1  }
0x2e9: {  	s1 =	ssub.s32 @!p0 $0x0, s1;
	[sflag:s0] =	ssyncset.done @!p0 $0x0  }
0x2ea: {  	[sflag:s0] =	ssyncadd.s32 @!p0 s1  }
0x2eb: {  	[bflag:$0x3] =	sbarrier.arrive $0xFFFF  }
0x2ec: {  	_ =	shalt  }

</sc_bundles>
